<compile_context>
chip_gen: v7x
topology: tpu7x:2x2x1
jax: 0.10.2.dev20260603
libtpu: 0.0.44.dev20260713+nightly
codegen_flags: <defaults>
</compile_context>

<pallas_src>
import functools

import jax
import jax.numpy as jnp
from jax import lax
from jax.experimental import pallas as pl
from jax.experimental.pallas import tpu as pltpu
from jax.experimental.pallas import tpu_sc as plsc

N = 10000
E = 320000
D = 128
H = 4
DH = 32

NP = 10240
TRASH = N
NT = 32
CH = 64
ETOT = E + N
KCH = -(-ETOT // (NT * CH))
EPT = KCH * CH
EPAD = NT * EPT
NP8 = NP // 8


def _mm_body(x_ref, w_ref, b_ref, xl_ref, xr_ref):
    acc = jnp.dot(x_ref[...], w_ref[...], preferred_element_type=jnp.float32)
    acc = acc + b_ref[...]
    xl_ref[...] = acc[:, :D]
    xr_ref[...] = acc[:, D:]


def _project(xpad, Wc, bc):
    R = 512
    return pl.pallas_call(
        _mm_body,
        grid=(NP // R,),
        in_specs=[
            pl.BlockSpec((R, D), lambda i: (i, 0)),
            pl.BlockSpec((D, 2 * D), lambda i: (0, 0)),
            pl.BlockSpec((1, 2 * D), lambda i: (0, 0)),
        ],
        out_specs=[
            pl.BlockSpec((R, D), lambda i: (i, 0)),
            pl.BlockSpec((R, D), lambda i: (i, 0)),
        ],
        out_shape=[
            jax.ShapeDtypeStruct((NP, D), jnp.float32),
            jax.ShapeDtypeStruct((NP, D), jnp.float32),
        ],
    )(xpad, Wc, bc)


def _sc_edge_body(xl_hbm, xr_hbm, src_hbm, dst_hbm, att_hbm, oh_hbm,
                  c15_hbm, zero_hbm, zden_hbm, out_hbm, outden_hbm,
                  sidxB, didxB, didxA, didx2A, didx3, lbuf, rbuf, mbuf,
                  dbuf, attv, ohv, c15v, tmpv, S, Sden, semg1, semg2,
                  semi1, semi2):
    c = lax.axis_index("c")
    s = lax.axis_index("s")
    wid = s * 2 + c
    rows_per_tile = NP // 16
    r0 = s * rows_per_tile
    pltpu.sync_copy(zero_hbm.at[pl.ds(r0, rows_per_tile)],
                    S.at[pl.ds(r0, rows_per_tile)])
    pltpu.sync_copy(zden_hbm.at[pl.ds(s * (NP8 // 16), NP8 // 16)],
                    Sden.at[pl.ds(s * (NP8 // 16), NP8 // 16)])
    pltpu.sync_copy(zero_hbm.at[pl.ds(0, CH)], dbuf)
    pltpu.sync_copy(att_hbm, attv)
    pltpu.sync_copy(oh_hbm, ohv)
    pltpu.sync_copy(c15_hbm, c15v)
    plsc.subcore_barrier()

    base = wid * EPT
    att_r = [attv[pl.ds(16 * t, 16)] for t in range(8)]
    oh_r = [ohv[pl.ds(16 * h, 16)] for h in range(H)]
    perm_r = [c15v[pl.ds(16 * t, 16)] for t in range(4)]

    def fetch_idx(off):
        pltpu.async_copy(src_hbm.at[pl.ds(off, CH)], sidxB, semi1)
        pltpu.async_copy(dst_hbm.at[pl.ds(off, CH)], didxB, semi2)

    def wait_idx():
        pltpu.make_async_copy(src_hbm.at[pl.ds(0, CH)], sidxB, semi1).wait()
        pltpu.make_async_copy(dst_hbm.at[pl.ds(0, CH)], didxB, semi2).wait()

    def issue_gathers():
        pltpu.async_copy(xl_hbm.at[sidxB], lbuf, semg1)
        pltpu.async_copy(xr_hbm.at[didxB], rbuf, semg2)

    def wait_gathers():
        pltpu.make_async_copy(xl_hbm.at[sidxB], lbuf, semg1).wait()
        pltpu.make_async_copy(xr_hbm.at[didxB], rbuf, semg2).wait()

    fetch_idx(base)
    wait_idx()
    issue_gathers()

    def chunk(k, carry):
        wait_gathers()

        def idxcp(t, cc):
            dv = didxB[pl.ds(16 * t, 16)]
            didxA[pl.ds(16 * t, 16)] = dv
            didx2A[pl.ds(16 * t, 16)] = dv
            didx3[pl.ds(16 * t, 16)] = lax.shift_right_logical(dv, 3)
            return cc

        lax.fori_loop(0, CH // 16, idxcp, 0)
        fetch_idx(base + ((k + 1) % KCH) * CH)

        def grp(g, cc):
            for u in range(4):
                j = g * 4 + u
                den = None
                for h in range(H):
                    sl = u * 4 + h
                    l0 = lbuf[j, pl.ds(32 * h, 16)]
                    l1 = lbuf[j, pl.ds(32 * h + 16, 16)]
                    z0 = l0 + rbuf[j, pl.ds(32 * h, 16)]
                    z1 = l1 + rbuf[j, pl.ds(32 * h + 16, 16)]
                    t0 = jnp.maximum(z0, z0 * 0.2)
                    t1 = jnp.maximum(z1, z1 * 0.2)
                    v = t0 * att_r[2 * h] + t1 * att_r[2 * h + 1]
                    for r in range(4):
                        tmpv[pl.ds(16 * sl, 16)] = v
                        gv = plsc.load_gather(tmpv, [perm_r[r] + 16 * sl])
                        v = v + gv
                    pv = jnp.exp(v)
                    mbuf[j, pl.ds(32 * h, 16)] = l0 * pv
                    mbuf[j, pl.ds(32 * h + 16, 16)] = l1 * pv
                    pd = pv * oh_r[h]
                    den = pd if den is None else den + pd
                dj = didx2A[pl.ds(j, 16)][0]
                o = (dj & 7) * 16
                dbuf[j, pl.ds(o, 16)] = den
            return cc

        lax.fori_loop(0, CH // 4, grp, 0)
        wait_idx()
        issue_gathers()
        pltpu.sync_copy(mbuf, S.at[didxA], add=True)
        pltpu.sync_copy(dbuf, Sden.at[didx3], add=True)
        pltpu.sync_copy(zero_hbm.at[pl.ds(0, CH)], dbuf)
        return carry

    lax.fori_loop(0, KCH, chunk, 0)
    wait_gathers()
    plsc.subcore_barrier()
    pltpu.sync_copy(S.at[pl.ds(r0, rows_per_tile)],
                    out_hbm.at[c, pl.ds(r0, rows_per_tile)])
    pltpu.sync_copy(Sden.at[pl.ds(s * (NP8 // 16), NP8 // 16)],
                    outden_hbm.at[c, pl.ds(s * (NP8 // 16), NP8 // 16)])


_sc_edge = functools.partial(
    pl.kernel,
    out_type=[
        jax.ShapeDtypeStruct((2, NP, D), jnp.float32),
        jax.ShapeDtypeStruct((2, NP8, D), jnp.float32),
    ],
    mesh=plsc.VectorSubcoreMesh(core_axis_name="c", subcore_axis_name="s",
                                num_cores=2, num_subcores=16),
    compiler_params=pltpu.CompilerParams(needs_layout_passes=False),
    scratch_types=[
        pltpu.VMEM((CH,), jnp.int32),
        pltpu.VMEM((CH,), jnp.int32),
        pltpu.VMEM((CH,), jnp.int32),
        pltpu.VMEM((CH + 16,), jnp.int32),
        pltpu.VMEM((CH,), jnp.int32),
        pltpu.VMEM((CH, D), jnp.float32),
        pltpu.VMEM((CH, D), jnp.float32),
        pltpu.VMEM((CH, D), jnp.float32),
        pltpu.VMEM((CH, D), jnp.float32),
        pltpu.VMEM((D,), jnp.float32),
        pltpu.VMEM((4 * 16,), jnp.float32),
        pltpu.VMEM((4 * 16,), jnp.int32),
        pltpu.VMEM((16 * 16,), jnp.float32),
        pltpu.VMEM_SHARED((NP, D), jnp.float32),
        pltpu.VMEM_SHARED((NP8, D), jnp.float32),
        pltpu.SemaphoreType.DMA,
        pltpu.SemaphoreType.DMA,
        pltpu.SemaphoreType.DMA,
        pltpu.SemaphoreType.DMA,
    ],
)(_sc_edge_body)


def _fin_body(sa_ref, sb_ref, da_ref, db_ref, b_ref, g_ref, bt_ref, o_ref):
    num = sa_ref[...] + sb_ref[...]
    den = da_ref[...] + db_ref[...]
    R = num.shape[0]
    o = num.reshape(R, H, DH) / den[:, :, None]
    o = o.reshape(R, D) + b_ref[...]
    o = jnp.where(o > 0, o, jnp.exp(jnp.minimum(o, 0.0)) - 1.0)
    mu = jnp.mean(o, axis=1, keepdims=True)
    d = o - mu
    var = jnp.mean(d * d, axis=1, keepdims=True)
    o_ref[...] = d * lax.rsqrt(var + 1e-5) * g_ref[...] + bt_ref[...]


def _finalize(Sa, Sb, Da, Db, bias, gamma, beta):
    R = 1024
    return pl.pallas_call(
        _fin_body,
        grid=(NP // R,),
        in_specs=[
            pl.BlockSpec((R, D), lambda i: (i, 0)),
            pl.BlockSpec((R, D), lambda i: (i, 0)),
            pl.BlockSpec((R, H), lambda i: (i, 0)),
            pl.BlockSpec((R, H), lambda i: (i, 0)),
            pl.BlockSpec((1, D), lambda i: (0, 0)),
            pl.BlockSpec((1, D), lambda i: (0, 0)),
            pl.BlockSpec((1, D), lambda i: (0, 0)),
        ],
        out_specs=pl.BlockSpec((R, D), lambda i: (i, 0)),
        out_shape=jax.ShapeDtypeStruct((NP, D), jnp.float32),
    )(Sa, Sb, Da, Db, bias, gamma, beta)


def kernel(x, edge_index, W_l, b_l, W_r, b_r, att, bias, gamma, beta):
    xpad = jnp.pad(x, ((0, NP - N), (0, 0)))
    Wc = jnp.concatenate([W_l, W_r], axis=1)
    bc = jnp.concatenate([b_l, b_r]).reshape(1, 2 * D)
    loop = jnp.arange(N, dtype=jnp.int32)
    npad = EPAD - ETOT
    src = jnp.concatenate([edge_index[0], loop,
                           jnp.zeros((npad,), jnp.int32)])
    dst = jnp.concatenate([edge_index[1], loop,
                           jnp.full((npad,), TRASH, jnp.int32)])
    attf = att.reshape(D)
    onehots = jnp.eye(4, dtype=jnp.float32)
    onehots = jnp.pad(onehots, ((0, 0), (0, 12))).reshape(64)
    lane = jnp.arange(16, dtype=jnp.int32)
    c15 = jnp.concatenate([(lane + sft) % 16 for sft in (8, 4, 2, 1)])
    zeros = jnp.zeros((NP, D), jnp.float32)
    zden = jnp.zeros((NP8, D), jnp.float32)

    xlp, xrp = _project(xpad, Wc, bc)
    S2, Dp = _sc_edge(xlp, xrp, src, dst, attf, onehots, c15, zeros, zden)
    D2 = Dp.reshape(2, NP8, 8, 16)[:, :, :, :H].reshape(2, NP, H)
    out = _finalize(S2[0], S2[1], D2[0], D2[1],
                    bias.reshape(1, D), gamma.reshape(1, D),
                    beta.reshape(1, D))
    return out[:N]

# --- scband reference (transcript-rebuilt; emitter-appended) ---
"""Pipeline reference for scband-local-gnnlayer-81784767250586 (READ-ONLY COPY).

The authoritative reference and input builder live on the scoring server;
editing this copy changes nothing except your own understanding.
"""

import jax, jax.numpy as jnp
import numpy as np

N = 10000
E = 320000
D = 128
H = 4
DH = 32  # out_dim // heads


def setup_inputs(seed: int = 0) -> dict:
    key = jax.random.key(seed)
    ks = jax.random.split(key, 10)
    x = jax.random.normal(ks[0], (N, D), dtype=jnp.float32)
    edge_index = jax.random.randint(ks[1], (2, E), 0, N, dtype=jnp.int32)
    s = 1.0 / np.sqrt(D)
    W_l = jax.random.normal(ks[2], (D, H * DH), dtype=jnp.float32) * s
    b_l = jnp.zeros((H * DH,), dtype=jnp.float32)
    W_r = jax.random.normal(ks[3], (D, H * DH), dtype=jnp.float32) * s
    b_r = jnp.zeros((H * DH,), dtype=jnp.float32)
    att = jax.random.normal(ks[4], (H, DH), dtype=jnp.float32) * (1.0 / np.sqrt(DH))
    bias = jnp.zeros((H * DH,), dtype=jnp.float32)
    gamma = jnp.ones((H * DH,), dtype=jnp.float32)
    beta = jnp.zeros((H * DH,), dtype=jnp.float32)
    return {"x": x, "edge_index": edge_index, "W_l": W_l, "b_l": b_l,
            "W_r": W_r, "b_r": b_r, "att": att, "bias": bias,
            "gamma": gamma, "beta": beta}


def reference(x, edge_index, W_l, b_l, W_r, b_r, att, bias, gamma, beta):
    # GATv2Conv (PyG semantics): add self loops, lin_l on source, lin_r on target
    loop = jnp.arange(N, dtype=edge_index.dtype)
    src = jnp.concatenate([edge_index[0], loop])
    dst = jnp.concatenate([edge_index[1], loop])
    xl = (x @ W_l + b_l).reshape(N, H, DH)
    xr = (x @ W_r + b_r).reshape(N, H, DH)
    h = xl[src] + xr[dst]                      # gather: [E+N, H, DH]
    h = jax.nn.leaky_relu(h, negative_slope=0.2)
    e = jnp.einsum('ehd,hd->eh', h, att)       # [E+N, H]
    # softmax over incoming edges per destination node
    m = jax.ops.segment_max(e, dst, num_segments=N)
    e = jnp.exp(e - m[dst])
    denom = jax.ops.segment_sum(e, dst, num_segments=N)
    alpha = e / (denom[dst] + 1e-16)
    msg = xl[src] * alpha[:, :, None]          # [E+N, H, DH]
    out = jax.ops.segment_sum(msg, dst, num_segments=N).reshape(N, H * DH)
    out = out + bias
    # dropout is identity in eval mode
    out = jax.nn.elu(out)
    mu = jnp.mean(out, axis=-1, keepdims=True)
    var = jnp.var(out, axis=-1, keepdims=True)
    out = (out - mu) / jnp.sqrt(var + 1e-5) * gamma + beta
    return out

if __name__ == "__main__":
    import jax
    _d = setup_inputs()
    print(jax.jit(kernel)(*tuple(_d.values())))

</pallas_src>

<mosaic_0001>
#map = affine_map<(d0, d1) -> (0, 0)>
#map1 = affine_map<(d0, d1) -> (0)>
#map2 = affine_map<(d0, d1) -> (0, 0, 0)>
module attributes {stable_mosaic.version = 14 : i64} {
  func.func @_sc_edge_body(%arg0: i32, %arg1: i32, %arg2: memref<10240x128xf32, #tpu.memory_space<hbm>>, %arg3: memref<10240x128xf32, #tpu.memory_space<hbm>>, %arg4: memref<331776xi32, #tpu.memory_space<hbm>>, %arg5: memref<331776xi32, #tpu.memory_space<hbm>>, %arg6: memref<128xf32, #tpu.memory_space<hbm>>, %arg7: memref<64xf32, #tpu.memory_space<hbm>>, %arg8: memref<64xi32, #tpu.memory_space<hbm>>, %arg9: memref<10240x128xf32, #tpu.memory_space<hbm>>, %arg10: memref<1280x128xf32, #tpu.memory_space<hbm>>, %arg11: memref<2x10240x128xf32, #tpu.memory_space<hbm>>, %arg12: memref<2x1280x128xf32, #tpu.memory_space<hbm>>, %arg13: memref<64xi32, #tpu.memory_space<vmem>>, %arg14: memref<64xi32, #tpu.memory_space<vmem>>, %arg15: memref<64xi32, #tpu.memory_space<vmem>>, %arg16: memref<80xi32, #tpu.memory_space<vmem>>, %arg17: memref<64xi32, #tpu.memory_space<vmem>>, %arg18: memref<64x128xf32, #tpu.memory_space<vmem>>, %arg19: memref<64x128xf32, #tpu.memory_space<vmem>>, %arg20: memref<64x128xf32, #tpu.memory_space<vmem>>, %arg21: memref<64x128xf32, #tpu.memory_space<vmem>>, %arg22: memref<128xf32, #tpu.memory_space<vmem>>, %arg23: memref<64xf32, #tpu.memory_space<vmem>>, %arg24: memref<64xi32, #tpu.memory_space<vmem>>, %arg25: memref<256xf32, #tpu.memory_space<vmem>>, %arg26: memref<10240x128xf32, #tpu.memory_space<vmem_shared>>, %arg27: memref<1280x128xf32, #tpu.memory_space<vmem_shared>>, %arg28: memref<!tpu.dma_semaphore, #tpu.memory_space<semaphore_mem>>, %arg29: memref<!tpu.dma_semaphore, #tpu.memory_space<semaphore_mem>>, %arg30: memref<!tpu.dma_semaphore, #tpu.memory_space<semaphore_mem>>, %arg31: memref<!tpu.dma_semaphore, #tpu.memory_space<semaphore_mem>>) attributes {dimension_semantics = [#tpu.dimension_semantics<core_parallel>, #tpu.dimension_semantics<subcore_parallel>], iteration_bounds = array<i64: 2, 16>, scalar_prefetch = 0 : i64, scratch_operands = 19 : i64, tpu.core_type = #tpu.core_type<sc_vector_subcore>, window_params = [{transform_indices = #map}, {transform_indices = #map}, {transform_indices = #map1}, {transform_indices = #map1}, {transform_indices = #map1}, {transform_indices = #map1}, {transform_indices = #map1}, {transform_indices = #map}, {transform_indices = #map}, {transform_indices = #map2}, {transform_indices = #map2}]} {
    %mul3A = arith.constant 2 : i32
    %mul3A_0 = arith.muli %arg1, %mul3A : i32
    %add3A = arith.addi %mul3A_0, %arg0 : i32
    %mul3A_1 = arith.constant 640 : i32
    %mul3A_2 = arith.muli %arg1, %mul3A_1 : i32
    "tpu.region"() ({
      %run_scoped3A = tpu.sem_alloc : memref<!tpu.dma_semaphore, #tpu.memory_space<semaphore_mem>>
      %dma_start3A_72 = arith.constant 0 : i32
      %dma_start3A_73 = tpu.memref_slice %arg26[%mul3A_2, %dma_start3A_72] : memref<10240x128xf32, #tpu.memory_space<vmem_shared>> -> memref<640x128xf32, #tpu.memory_space<vmem_shared>>
      %dma_start3A_74 = arith.constant 0 : i32
      %dma_start3A_75 = tpu.memref_slice %arg9[%mul3A_2, %dma_start3A_74] : memref<10240x128xf32, #tpu.memory_space<hbm>> -> memref<640x128xf32, #tpu.memory_space<hbm>>
      tpu.enqueue_dma source(%dma_start3A_75 : memref<640x128xf32, #tpu.memory_space<hbm>>) target(%dma_start3A_73 : memref<640x128xf32, #tpu.memory_space<vmem_shared>>) target_semaphore(%run_scoped3A : memref<!tpu.dma_semaphore, #tpu.memory_space<semaphore_mem>>)
      %dma_wait3A_76 = arith.constant 0 : i32
      %dma_wait3A_77 = tpu.memref_slice %arg26[%mul3A_2, %dma_wait3A_76] : memref<10240x128xf32, #tpu.memory_space<vmem_shared>> -> memref<640x128xf32, #tpu.memory_space<vmem_shared>>
      %dma_wait3A_78 = arith.constant 0 : i32
      %dma_wait3A_79 = tpu.memref_slice %arg9[%mul3A_2, %dma_wait3A_78] : memref<10240x128xf32, #tpu.memory_space<hbm>> -> memref<640x128xf32, #tpu.memory_space<hbm>>
      tpu.wait_dma2 semaphore(%run_scoped3A : memref<!tpu.dma_semaphore, #tpu.memory_space<semaphore_mem>>) src(%dma_wait3A_79 : memref<640x128xf32, #tpu.memory_space<hbm>>) dst(%dma_wait3A_77 : memref<640x128xf32, #tpu.memory_space<vmem_shared>>)
      tpu.yield
    }) : () -> ()
    %mul3A_3 = arith.constant 80 : i32
    %mul3A_4 = arith.muli %arg1, %mul3A_3 : i32
    %mul3A_5 = arith.constant 80 : i32
    %mul3A_6 = arith.muli %arg1, %mul3A_5 : i32
    "tpu.region"() ({
      %run_scoped3A = tpu.sem_alloc : memref<!tpu.dma_semaphore, #tpu.memory_space<semaphore_mem>>
      %dma_start3A_72 = arith.constant 0 : i32
      %dma_start3A_73 = tpu.memref_slice %arg27[%mul3A_6, %dma_start3A_72] : memref<1280x128xf32, #tpu.memory_space<vmem_shared>> -> memref<80x128xf32, #tpu.memory_space<vmem_shared>>
      %dma_start3A_74 = arith.constant 0 : i32
      %dma_start3A_75 = tpu.memref_slice %arg10[%mul3A_4, %dma_start3A_74] : memref<1280x128xf32, #tpu.memory_space<hbm>> -> memref<80x128xf32, #tpu.memory_space<hbm>>
      tpu.enqueue_dma source(%dma_start3A_75 : memref<80x128xf32, #tpu.memory_space<hbm>>) target(%dma_start3A_73 : memref<80x128xf32, #tpu.memory_space<vmem_shared>>) target_semaphore(%run_scoped3A : memref<!tpu.dma_semaphore, #tpu.memory_space<semaphore_mem>>)
      %dma_wait3A_76 = arith.constant 0 : i32
      %dma_wait3A_77 = tpu.memref_slice %arg27[%mul3A_6, %dma_wait3A_76] : memref<1280x128xf32, #tpu.memory_space<vmem_shared>> -> memref<80x128xf32, #tpu.memory_space<vmem_shared>>
      %dma_wait3A_78 = arith.constant 0 : i32
      %dma_wait3A_79 = tpu.memref_slice %arg10[%mul3A_4, %dma_wait3A_78] : memref<1280x128xf32, #tpu.memory_space<hbm>> -> memref<80x128xf32, #tpu.memory_space<hbm>>
      tpu.wait_dma2 semaphore(%run_scoped3A : memref<!tpu.dma_semaphore, #tpu.memory_space<semaphore_mem>>) src(%dma_wait3A_79 : memref<80x128xf32, #tpu.memory_space<hbm>>) dst(%dma_wait3A_77 : memref<80x128xf32, #tpu.memory_space<vmem_shared>>)
      tpu.yield
    }) : () -> ()
    "tpu.region"() ({
      %run_scoped3A = tpu.sem_alloc : memref<!tpu.dma_semaphore, #tpu.memory_space<semaphore_mem>>
      %dma_start3A_72 = arith.constant 0 : i32
      %dma_start3A_73 = arith.constant 0 : i32
      %dma_start3A_74 = tpu.memref_slice %arg9[%dma_start3A_72, %dma_start3A_73] : memref<10240x128xf32, #tpu.memory_space<hbm>> -> memref<64x128xf32, #tpu.memory_space<hbm>>
      %dma_start3A_75 = arith.constant 0 : i32
      %dma_start3A_76 = arith.constant 0 : i32
      %dma_start3A_77 = tpu.memref_slice %arg9[%dma_start3A_75, %dma_start3A_76] : memref<10240x128xf32, #tpu.memory_space<hbm>> -> memref<64x128xf32, #tpu.memory_space<hbm>>
      tpu.enqueue_dma source(%dma_start3A_77 : memref<64x128xf32, #tpu.memory_space<hbm>>) target(%arg21 : memref<64x128xf32, #tpu.memory_space<vmem>>) target_semaphore(%run_scoped3A : memref<!tpu.dma_semaphore, #tpu.memory_space<semaphore_mem>>)
      %dma_wait3A_78 = arith.constant 0 : i32
      %dma_wait3A_79 = arith.constant 0 : i32
      %dma_wait3A_80 = tpu.memref_slice %arg9[%dma_wait3A_78, %dma_wait3A_79] : memref<10240x128xf32, #tpu.memory_space<hbm>> -> memref<64x128xf32, #tpu.memory_space<hbm>>
      %dma_wait3A_81 = arith.constant 0 : i32
      %dma_wait3A_82 = arith.constant 0 : i32
      %dma_wait3A_83 = tpu.memref_slice %arg9[%dma_wait3A_81, %dma_wait3A_82] : memref<10240x128xf32, #tpu.memory_space<hbm>> -> memref<64x128xf32, #tpu.memory_space<hbm>>
      tpu.wait_dma2 semaphore(%run_scoped3A : memref<!tpu.dma_semaphore, #tpu.memory_space<semaphore_mem>>) src(%dma_wait3A_83 : memref<64x128xf32, #tpu.memory_space<hbm>>) dst(%arg21 : memref<64x128xf32, #tpu.memory_space<vmem>>)
      tpu.yield
    }) : () -> ()
    "tpu.region"() ({
      %run_scoped3A = tpu.sem_alloc : memref<!tpu.dma_semaphore, #tpu.memory_space<semaphore_mem>>
      tpu.enqueue_dma source(%arg6 : memref<128xf32, #tpu.memory_space<hbm>>) target(%arg22 : memref<128xf32, #tpu.memory_space<vmem>>) target_semaphore(%run_scoped3A : memref<!tpu.dma_semaphore, #tpu.memory_space<semaphore_mem>>)
      tpu.wait_dma2 semaphore(%run_scoped3A : memref<!tpu.dma_semaphore, #tpu.memory_space<semaphore_mem>>) src(%arg6 : memref<128xf32, #tpu.memory_space<hbm>>) dst(%arg22 : memref<128xf32, #tpu.memory_space<vmem>>)
      tpu.yield
    }) : () -> ()
    "tpu.region"() ({
      %run_scoped3A = tpu.sem_alloc : memref<!tpu.dma_semaphore, #tpu.memory_space<semaphore_mem>>
      tpu.enqueue_dma source(%arg7 : memref<64xf32, #tpu.memory_space<hbm>>) target(%arg23 : memref<64xf32, #tpu.memory_space<vmem>>) target_semaphore(%run_scoped3A : memref<!tpu.dma_semaphore, #tpu.memory_space<semaphore_mem>>)
      tpu.wait_dma2 semaphore(%run_scoped3A : memref<!tpu.dma_semaphore, #tpu.memory_space<semaphore_mem>>) src(%arg7 : memref<64xf32, #tpu.memory_space<hbm>>) dst(%arg23 : memref<64xf32, #tpu.memory_space<vmem>>)
      tpu.yield
    }) : () -> ()
    "tpu.region"() ({
      %run_scoped3A = tpu.sem_alloc : memref<!tpu.dma_semaphore, #tpu.memory_space<semaphore_mem>>
      tpu.enqueue_dma source(%arg8 : memref<64xi32, #tpu.memory_space<hbm>>) target(%arg24 : memref<64xi32, #tpu.memory_space<vmem>>) target_semaphore(%run_scoped3A : memref<!tpu.dma_semaphore, #tpu.memory_space<semaphore_mem>>)
      tpu.wait_dma2 semaphore(%run_scoped3A : memref<!tpu.dma_semaphore, #tpu.memory_space<semaphore_mem>>) src(%arg8 : memref<64xi32, #tpu.memory_space<hbm>>) dst(%arg24 : memref<64xi32, #tpu.memory_space<vmem>>)
      tpu.yield
    }) : () -> ()
    %barrier3A = arith.constant 0 : index
    tpu.barrier barrier_id(%barrier3A)
    %mul3A_7 = arith.constant 10368 : i32
    %mul3A_8 = arith.muli %add3A, %mul3A_7 : i32
    %get3A = arith.constant 0 : index
    %get3A_9 = tpu.vector_load %arg22[%get3A] {strides = array<i32>} : memref<128xf32, #tpu.memory_space<vmem>>, vector<16xf32>,
    %get3A_10 = arith.constant 16 : index
    %get3A_11 = tpu.vector_load %arg22[%get3A_10] {strides = array<i32>} : memref<128xf32, #tpu.memory_space<vmem>>, vector<16xf32>,
    %get3A_12 = arith.constant 32 : index
    %get3A_13 = tpu.vector_load %arg22[%get3A_12] {strides = array<i32>} : memref<128xf32, #tpu.memory_space<vmem>>, vector<16xf32>,
    %get3A_14 = arith.constant 48 : index
    %get3A_15 = tpu.vector_load %arg22[%get3A_14] {strides = array<i32>} : memref<128xf32, #tpu.memory_space<vmem>>, vector<16xf32>,
    %get3A_16 = arith.constant 64 : index
    %get3A_17 = tpu.vector_load %arg22[%get3A_16] {strides = array<i32>} : memref<128xf32, #tpu.memory_space<vmem>>, vector<16xf32>,
    %get3A_18 = arith.constant 80 : index
    %get3A_19 = tpu.vector_load %arg22[%get3A_18] {strides = array<i32>} : memref<128xf32, #tpu.memory_space<vmem>>, vector<16xf32>,
    %get3A_20 = arith.constant 96 : index
    %get3A_21 = tpu.vector_load %arg22[%get3A_20] {strides = array<i32>} : memref<128xf32, #tpu.memory_space<vmem>>, vector<16xf32>,
    %get3A_22 = arith.constant 112 : index
    %get3A_23 = tpu.vector_load %arg22[%get3A_22] {strides = array<i32>} : memref<128xf32, #tpu.memory_space<vmem>>, vector<16xf32>,
    %get3A_24 = arith.constant 0 : index
    %get3A_25 = tpu.vector_load %arg23[%get3A_24] {strides = array<i32>} : memref<64xf32, #tpu.memory_space<vmem>>, vector<16xf32>,
    %get3A_26 = arith.constant 16 : index
    %get3A_27 = tpu.vector_load %arg23[%get3A_26] {strides = array<i32>} : memref<64xf32, #tpu.memory_space<vmem>>, vector<16xf32>,
    %get3A_28 = arith.constant 32 : index
    %get3A_29 = tpu.vector_load %arg23[%get3A_28] {strides = array<i32>} : memref<64xf32, #tpu.memory_space<vmem>>, vector<16xf32>,
    %get3A_30 = arith.constant 48 : index
    %get3A_31 = tpu.vector_load %arg23[%get3A_30] {strides = array<i32>} : memref<64xf32, #tpu.memory_space<vmem>>, vector<16xf32>,
    %get3A_32 = arith.constant 0 : index
    %get3A_33 = tpu.vector_load %arg24[%get3A_32] {strides = array<i32>} : memref<64xi32, #tpu.memory_space<vmem>>, vector<16xi32>,
    %get3A_34 = arith.constant 16 : index
    %get3A_35 = tpu.vector_load %arg24[%get3A_34] {strides = array<i32>} : memref<64xi32, #tpu.memory_space<vmem>>, vector<16xi32>,
    %get3A_36 = arith.constant 32 : index
    %get3A_37 = tpu.vector_load %arg24[%get3A_36] {strides = array<i32>} : memref<64xi32, #tpu.memory_space<vmem>>, vector<16xi32>,
    %get3A_38 = arith.constant 48 : index
    %get3A_39 = tpu.vector_load %arg24[%get3A_38] {strides = array<i32>} : memref<64xi32, #tpu.memory_space<vmem>>, vector<16xi32>,
    %dma_start3A = tpu.memref_slice %arg4[%mul3A_8] : memref<331776xi32, #tpu.memory_space<hbm>> -> memref<64xi32, #tpu.memory_space<hbm>>
    %dma_start3A_40 = tpu.memref_slice %arg4[%mul3A_8] : memref<331776xi32, #tpu.memory_space<hbm>> -> memref<64xi32, #tpu.memory_space<hbm>>
    tpu.enqueue_dma source(%dma_start3A_40 : memref<64xi32, #tpu.memory_space<hbm>>) target(%arg13 : memref<64xi32, #tpu.memory_space<vmem>>) target_semaphore(%arg30 : memref<!tpu.dma_semaphore, #tpu.memory_space<semaphore_mem>>)
    %dma_start3A_41 = tpu.memref_slice %arg5[%mul3A_8] : memref<331776xi32, #tpu.memory_space<hbm>> -> memref<64xi32, #tpu.memory_space<hbm>>
    %dma_start3A_42 = tpu.memref_slice %arg5[%mul3A_8] : memref<331776xi32, #tpu.memory_space<hbm>> -> memref<64xi32, #tpu.memory_space<hbm>>
    tpu.enqueue_dma source(%dma_start3A_42 : memref<64xi32, #tpu.memory_space<hbm>>) target(%arg14 : memref<64xi32, #tpu.memory_space<vmem>>) target_semaphore(%arg31 : memref<!tpu.dma_semaphore, #tpu.memory_space<semaphore_mem>>)
    %dma_wait3A = arith.constant 0 : i32
    %dma_wait3A_43 = tpu.memref_slice %arg4[%dma_wait3A] : memref<331776xi32, #tpu.memory_space<hbm>> -> memref<64xi32, #tpu.memory_space<hbm>>
    %dma_wait3A_44 = arith.constant 0 : i32
    %dma_wait3A_45 = tpu.memref_slice %arg4[%dma_wait3A_44] : memref<331776xi32, #tpu.memory_space<hbm>> -> memref<64xi32, #tpu.memory_space<hbm>>
    tpu.wait_dma2 semaphore(%arg30 : memref<!tpu.dma_semaphore, #tpu.memory_space<semaphore_mem>>) src(%dma_wait3A_45 : memref<64xi32, #tpu.memory_space<hbm>>) dst(%arg13 : memref<64xi32, #tpu.memory_space<vmem>>)
    %dma_wait3A_46 = arith.constant 0 : i32
    %dma_wait3A_47 = tpu.memref_slice %arg5[%dma_wait3A_46] : memref<331776xi32, #tpu.memory_space<hbm>> -> memref<64xi32, #tpu.memory_space<hbm>>
    %dma_wait3A_48 = arith.constant 0 : i32
    %dma_wait3A_49 = tpu.memref_slice %arg5[%dma_wait3A_48] : memref<331776xi32, #tpu.memory_space<hbm>> -> memref<64xi32, #tpu.memory_space<hbm>>
    tpu.wait_dma2 semaphore(%arg31 : memref<!tpu.dma_semaphore, #tpu.memory_space<semaphore_mem>>) src(%dma_wait3A_49 : memref<64xi32, #tpu.memory_space<hbm>>) dst(%arg14 : memref<64xi32, #tpu.memory_space<vmem>>)
    %dma_start3A_50 = arith.constant 0 : i32
    %dma_start3A_51 = arith.constant 0 : i32
    %dma_start3A_52 = tpu.memref_slice %arg2[%dma_start3A_50, %dma_start3A_51] : memref<10240x128xf32, #tpu.memory_space<hbm>> -> memref<10240x128xf32, #tpu.memory_space<hbm>>
    tpu.enqueue_indirect_dma source(%dma_start3A_52 : memref<10240x128xf32, #tpu.memory_space<hbm>>) target(%arg18 : memref<64x128xf32, #tpu.memory_space<vmem>>) offsets(%arg13 : memref<64xi32, #tpu.memory_space<vmem>>) semaphore(%arg28 : memref<!tpu.dma_semaphore, #tpu.memory_space<semaphore_mem>>)
    %dma_start3A_53 = arith.constant 0 : i32
    %dma_start3A_54 = arith.constant 0 : i32
    %dma_start3A_55 = tpu.memref_slice %arg3[%dma_start3A_53, %dma_start3A_54] : memref<10240x128xf32, #tpu.memory_space<hbm>> -> memref<10240x128xf32, #tpu.memory_space<hbm>>
    tpu.enqueue_indirect_dma source(%dma_start3A_55 : memref<10240x128xf32, #tpu.memory_space<hbm>>) target(%arg19 : memref<64x128xf32, #tpu.memory_space<vmem>>) offsets(%arg14 : memref<64xi32, #tpu.memory_space<vmem>>) semaphore(%arg29 : memref<!tpu.dma_semaphore, #tpu.memory_space<semaphore_mem>>)
    %scan3A = arith.constant 0 : i32
    %scan3A_56 = arith.constant 0 : i32
    %scan3A_57 = arith.constant 162 : i32
    %scan3A_58 = arith.addi %scan3A_56, %scan3A_57 : i32
    %scan3A_59 = arith.constant 1 : i32
    scf.for %scan3A_72 = %scan3A_56 to %scan3A_58 step %scan3A_59  : i32 {
      %dma_wait3A_73 = arith.constant 0 : i32
      %dma_wait3A_74 = arith.constant 0 : i32
      %dma_wait3A_75 = tpu.memref_slice %arg2[%dma_wait3A_73, %dma_wait3A_74] : memref<10240x128xf32, #tpu.memory_space<hbm>> -> memref<10240x128xf32, #tpu.memory_space<hbm>>
      tpu.wait_indirect_dma semaphore(%arg28 : memref<!tpu.dma_semaphore, #tpu.memory_space<semaphore_mem>>) src(%dma_wait3A_75 : memref<10240x128xf32, #tpu.memory_space<hbm>>) dst(%arg18 : memref<64x128xf32, #tpu.memory_space<vmem>>)
      %dma_wait3A_76 = arith.constant 0 : i32
      %dma_wait3A_77 = arith.constant 0 : i32
      %dma_wait3A_78 = tpu.memref_slice %arg3[%dma_wait3A_76, %dma_wait3A_77] : memref<10240x128xf32, #tpu.memory_space<hbm>> -> memref<10240x128xf32, #tpu.memory_space<hbm>>
      tpu.wait_indirect_dma semaphore(%arg29 : memref<!tpu.dma_semaphore, #tpu.memory_space<semaphore_mem>>) src(%dma_wait3A_78 : memref<10240x128xf32, #tpu.memory_space<hbm>>) dst(%arg19 : memref<64x128xf32, #tpu.memory_space<vmem>>)
      %scan3A_79 = arith.constant 0 : i32
      %scan3A_80 = arith.constant 0 : i32
      %scan3A_81 = arith.constant 4 : i32
      %scan3A_82 = arith.addi %scan3A_80, %scan3A_81 : i32
      %scan3A_83 = arith.constant 1 : i32
      scf.for %scan3A_123 = %scan3A_80 to %scan3A_82 step %scan3A_83  : i32 {
        %mul3A_124 = arith.constant 16 : i32
        %mul3A_125 = arith.muli %mul3A_124, %scan3A_123 : i32
        %get3A_126 = arith.index_cast %mul3A_125 : i32 to index
        %get3A_127 = tpu.vector_load %arg14[%get3A_126] {strides = array<i32>} : memref<64xi32, #tpu.memory_space<vmem>>, vector<16xi32>,
        %mul3A_128 = arith.constant 16 : i32
        %mul3A_129 = arith.muli %mul3A_128, %scan3A_123 : i32
        %swap3A = arith.index_cast %mul3A_129 : i32 to index
        %swap3A_130 = tpu.vector_load %arg15[%swap3A] {strides = array<i32>} : memref<64xi32, #tpu.memory_space<vmem>>, vector<16xi32>,
        tpu.vector_store %arg15[%swap3A], %get3A_127 {strides = array<i32>} : memref<64xi32, #tpu.memory_space<vmem>>, vector<16xi32>,
        %mul3A_131 = arith.constant 16 : i32
        %mul3A_132 = arith.muli %mul3A_131, %scan3A_123 : i32
        %swap3A_133 = arith.index_cast %mul3A_132 : i32 to index
        %swap3A_134 = tpu.vector_load %arg16[%swap3A_133] {strides = array<i32>} : memref<80xi32, #tpu.memory_space<vmem>>, vector<16xi32>,
        tpu.vector_store %arg16[%swap3A_133], %get3A_127 {strides = array<i32>} : memref<80xi32, #tpu.memory_space<vmem>>, vector<16xi32>,
        %shift_right_logical3A = arith.constant 3 : i32
        %shift_right_logical3A_135 = vector.broadcast %shift_right_logical3A : i32 to vector<16xi32>
        %shift_right_logical3A_136 = arith.shrui %get3A_127, %shift_right_logical3A_135 : vector<16xi32>
        %mul3A_137 = arith.constant 16 : i32
        %mul3A_138 = arith.muli %mul3A_137, %scan3A_123 : i32
        %swap3A_139 = arith.index_cast %mul3A_138 : i32 to index
        %swap3A_140 = tpu.vector_load %arg17[%swap3A_139] {strides = array<i32>} : memref<64xi32, #tpu.memory_space<vmem>>, vector<16xi32>,
        tpu.vector_store %arg17[%swap3A_139], %shift_right_logical3A_136 {strides = array<i32>} : memref<64xi32, #tpu.memory_space<vmem>>, vector<16xi32>,
      }
      %scan3A_84 = arith.constant 4 : i32
      %add3A_85 = arith.constant 1 : i32
      %add3A_86 = arith.addi %scan3A_72, %add3A_85 : i32
      %jit3A = arith.constant 162 : i32
      %eq3A = arith.constant 0 : i32
      %eq3A_87 = arith.cmpi eq, %jit3A, %eq3A : i32
      %jit3A_88 = arith.constant 1 : i32
      %select_n3A = arith.select %eq3A_87, %jit3A_88, %jit3A : i32
      %rem3A = arith.remsi %add3A_86, %select_n3A : i32
      %ne3A = arith.constant 0 : i32
      %ne3A_89 = arith.cmpi ne, %rem3A, %ne3A : i32
      %lt3A = arith.constant 0 : i32
      %lt3A_90 = arith.cmpi slt, %rem3A, %lt3A : i32
      %lt3A_91 = arith.constant 0 : i32
      %lt3A_92 = arith.cmpi slt, %select_n3A, %lt3A_91 : i32
      %ne3A_93 = arith.xori %lt3A_90, %lt3A_92 : i1
      %and3A = arith.andi %ne3A_93, %ne3A_89 : i1
      %add3A_94 = arith.addi %rem3A, %select_n3A : i32
      %select_n3A_95 = arith.select %and3A, %add3A_94, %rem3A : i32
      %mul3A_96 = arith.constant 64 : i32
      %mul3A_97 = arith.muli %select_n3A_95, %mul3A_96 : i32
      %add3A_98 = arith.addi %mul3A_8, %mul3A_97 : i32
      %dma_start3A_99 = tpu.memref_slice %arg4[%add3A_98] : memref<331776xi32, #tpu.memory_space<hbm>> -> memref<64xi32, #tpu.memory_space<hbm>>
      %dma_start3A_100 = tpu.memref_slice %arg4[%add3A_98] : memref<331776xi32, #tpu.memory_space<hbm>> -> memref<64xi32, #tpu.memory_space<hbm>>
      tpu.enqueue_dma source(%dma_start3A_100 : memref<64xi32, #tpu.memory_space<hbm>>) target(%arg13 : memref<64xi32, #tpu.memory_space<vmem>>) target_semaphore(%arg30 : memref<!tpu.dma_semaphore, #tpu.memory_space<semaphore_mem>>)
      %dma_start3A_101 = tpu.memref_slice %arg5[%add3A_98] : memref<331776xi32, #tpu.memory_space<hbm>> -> memref<64xi32, #tpu.memory_space<hbm>>
      %dma_start3A_102 = tpu.memref_slice %arg5[%add3A_98] : memref<331776xi32, #tpu.memory_space<hbm>> -> memref<64xi32, #tpu.memory_space<hbm>>
      tpu.enqueue_dma source(%dma_start3A_102 : memref<64xi32, #tpu.memory_space<hbm>>) target(%arg14 : memref<64xi32, #tpu.memory_space<vmem>>) target_semaphore(%arg31 : memref<!tpu.dma_semaphore, #tpu.memory_space<semaphore_mem>>)
      %scan3A_103 = arith.constant 0 : i32
      %scan3A_104 = arith.constant 0 : i32
      %scan3A_105 = arith.constant 16 : i32
      %scan3A_106 = arith.addi %scan3A_104, %scan3A_105 : i32
      %scan3A_107 = arith.constant 1 : i32
      scf.for %scan3A_123 = %scan3A_104 to %scan3A_106 step %scan3A_107  : i32 {
        %mul3A_124 = arith.constant 4 : i32
        %mul3A_125 = arith.muli %scan3A_123, %mul3A_124 : i32
        %add3A_126 = arith.constant 0 : i32
        %add3A_127 = arith.addi %mul3A_125, %add3A_126 : i32
        %get3A_128 = arith.index_cast %add3A_127 : i32 to index
        %get3A_129 = arith.constant 0 : index
        %get3A_130 = tpu.vector_load %arg18[%get3A_128, %get3A_129] {strides = array<i32>} : memref<64x128xf32, #tpu.memory_space<vmem>>, vector<16xf32>,
        %get3A_131 = arith.index_cast %add3A_127 : i32 to index
        %get3A_132 = arith.constant 16 : index
        %get3A_133 = tpu.vector_load %arg18[%get3A_131, %get3A_132] {strides = array<i32>} : memref<64x128xf32, #tpu.memory_space<vmem>>, vector<16xf32>,
        %get3A_134 = arith.index_cast %add3A_127 : i32 to index
        %get3A_135 = arith.constant 0 : index
        %get3A_136 = tpu.vector_load %arg19[%get3A_134, %get3A_135] {strides = array<i32>} : memref<64x128xf32, #tpu.memory_space<vmem>>, vector<16xf32>,
        %add3A_137 = arith.addf %get3A_130, %get3A_136 : vector<16xf32>
        %get3A_138 = arith.index_cast %add3A_127 : i32 to index
        %get3A_139 = arith.constant 16 : index
        %get3A_140 = tpu.vector_load %arg19[%get3A_138, %get3A_139] {strides = array<i32>} : memref<64x128xf32, #tpu.memory_space<vmem>>, vector<16xf32>,
        %add3A_141 = arith.addf %get3A_133, %get3A_140 : vector<16xf32>
        %mul3A_142 = arith.constant 2.000000e-01 : f32
        %mul3A_143 = vector.broadcast %mul3A_142 : f32 to vector<16xf32>
        %mul3A_144 = arith.mulf %add3A_137, %mul3A_143 : vector<16xf32>
        %max3A = arith.maximumf %add3A_137, %mul3A_144 : vector<16xf32>
        %mul3A_145 = arith.constant 2.000000e-01 : f32
        %mul3A_146 = vector.broadcast %mul3A_145 : f32 to vector<16xf32>
        %mul3A_147 = arith.mulf %add3A_141, %mul3A_146 : vector<16xf32>
        %max3A_148 = arith.maximumf %add3A_141, %mul3A_147 : vector<16xf32>
        %mul3A_149 = arith.mulf %max3A, %get3A_9 : vector<16xf32>
        %mul3A_150 = arith.mulf %max3A_148, %get3A_11 : vector<16xf32>
        %add3A_151 = arith.addf %mul3A_149, %mul3A_150 : vector<16xf32>
        %swap3A = arith.constant 0 : index
        %swap3A_152 = tpu.vector_load %arg25[%swap3A] {strides = array<i32>} : memref<256xf32, #tpu.memory_space<vmem>>, vector<16xf32>,
        tpu.vector_store %arg25[%swap3A], %add3A_151 {strides = array<i32>} : memref<256xf32, #tpu.memory_space<vmem>>, vector<16xf32>,
        %add3A_153 = arith.constant 0 : i32
        %add3A_154 = vector.broadcast %add3A_153 : i32 to vector<16xi32>
        %add3A_155 = arith.addi %get3A_33, %add3A_154 : vector<16xi32>
        %gather3A = tpu.vector_load_idx %arg25[%add3A_155] : memref<256xf32, #tpu.memory_space<vmem>>[vector<16xi32>], vector<16xf32>,
        %add3A_156 = arith.addf %add3A_151, %gather3A : vector<16xf32>
        %swap3A_157 = arith.constant 0 : index
        %swap3A_158 = tpu.vector_load %arg25[%swap3A_157] {strides = array<i32>} : memref<256xf32, #tpu.memory_space<vmem>>, vector<16xf32>,
        tpu.vector_store %arg25[%swap3A_157], %add3A_156 {strides = array<i32>} : memref<256xf32, #tpu.memory_space<vmem>>, vector<16xf32>,
        %add3A_159 = arith.constant 0 : i32
        %add3A_160 = vector.broadcast %add3A_159 : i32 to vector<16xi32>
        %add3A_161 = arith.addi %get3A_35, %add3A_160 : vector<16xi32>
        %gather3A_162 = tpu.vector_load_idx %arg25[%add3A_161] : memref<256xf32, #tpu.memory_space<vmem>>[vector<16xi32>], vector<16xf32>,
        %add3A_163 = arith.addf %add3A_156, %gather3A_162 : vector<16xf32>
        %swap3A_164 = arith.constant 0 : index
        %swap3A_165 = tpu.vector_load %arg25[%swap3A_164] {strides = array<i32>} : memref<256xf32, #tpu.memory_space<vmem>>, vector<16xf32>,
        tpu.vector_store %arg25[%swap3A_164], %add3A_163 {strides = array<i32>} : memref<256xf32, #tpu.memory_space<vmem>>, vector<16xf32>,
        %add3A_166 = arith.constant 0 : i32
        %add3A_167 = vector.broadcast %add3A_166 : i32 to vector<16xi32>
        %add3A_168 = arith.addi %get3A_37, %add3A_167 : vector<16xi32>
        %gather3A_169 = tpu.vector_load_idx %arg25[%add3A_168] : memref<256xf32, #tpu.memory_space<vmem>>[vector<16xi32>], vector<16xf32>,
        %add3A_170 = arith.addf %add3A_163, %gather3A_169 : vector<16xf32>
        %swap3A_171 = arith.constant 0 : index
        %swap3A_172 = tpu.vector_load %arg25[%swap3A_171] {strides = array<i32>} : memref<256xf32, #tpu.memory_space<vmem>>, vector<16xf32>,
        tpu.vector_store %arg25[%swap3A_171], %add3A_170 {strides = array<i32>} : memref<256xf32, #tpu.memory_space<vmem>>, vector<16xf32>,
        %add3A_173 = arith.constant 0 : i32
        %add3A_174 = vector.broadcast %add3A_173 : i32 to vector<16xi32>
        %add3A_175 = arith.addi %get3A_39, %add3A_174 : vector<16xi32>
        %gather3A_176 = tpu.vector_load_idx %arg25[%add3A_175] : memref<256xf32, #tpu.memory_space<vmem>>[vector<16xi32>], vector<16xf32>,
        %add3A_177 = arith.addf %add3A_170, %gather3A_176 : vector<16xf32>
        %exp3A = math.exp %add3A_177 : vector<16xf32>
        %mul3A_178 = arith.mulf %get3A_130, %exp3A : vector<16xf32>
        %swap3A_179 = arith.index_cast %add3A_127 : i32 to index
        %swap3A_180 = arith.constant 0 : index
        %swap3A_181 = tpu.vector_load %arg20[%swap3A_179, %swap3A_180] {strides = array<i32>} : memref<64x128xf32, #tpu.memory_space<vmem>>, vector<16xf32>,
        tpu.vector_store %arg20[%swap3A_179, %swap3A_180], %mul3A_178 {strides = array<i32>} : memref<64x128xf32, #tpu.memory_space<vmem>>, vector<16xf32>,
        %mul3A_182 = arith.mulf %get3A_133, %exp3A : vector<16xf32>
        %swap3A_183 = arith.index_cast %add3A_127 : i32 to index
        %swap3A_184 = arith.constant 16 : index
        %swap3A_185 = tpu.vector_load %arg20[%swap3A_183, %swap3A_184] {strides = array<i32>} : memref<64x128xf32, #tpu.memory_space<vmem>>, vector<16xf32>,
        tpu.vector_store %arg20[%swap3A_183, %swap3A_184], %mul3A_182 {strides = array<i32>} : memref<64x128xf32, #tpu.memory_space<vmem>>, vector<16xf32>,
        %mul3A_186 = arith.mulf %exp3A, %get3A_25 : vector<16xf32>
        %get3A_187 = arith.index_cast %add3A_127 : i32 to index
        %get3A_188 = arith.constant 32 : index
        %get3A_189 = tpu.vector_load %arg18[%get3A_187, %get3A_188] {strides = array<i32>} : memref<64x128xf32, #tpu.memory_space<vmem>>, vector<16xf32>,
        %get3A_190 = arith.index_cast %add3A_127 : i32 to index
        %get3A_191 = arith.constant 48 : index
        %get3A_192 = tpu.vector_load %arg18[%get3A_190, %get3A_191] {strides = array<i32>} : memref<64x128xf32, #tpu.memory_space<vmem>>, vector<16xf32>,
        %get3A_193 = arith.index_cast %add3A_127 : i32 to index
        %get3A_194 = arith.constant 32 : index
        %get3A_195 = tpu.vector_load %arg19[%get3A_193, %get3A_194] {strides = array<i32>} : memref<64x128xf32, #tpu.memory_space<vmem>>, vector<16xf32>,
        %add3A_196 = arith.addf %get3A_189, %get3A_195 : vector<16xf32>
        %get3A_197 = arith.index_cast %add3A_127 : i32 to index
        %get3A_198 = arith.constant 48 : index
        %get3A_199 = tpu.vector_load %arg19[%get3A_197, %get3A_198] {strides = array<i32>} : memref<64x128xf32, #tpu.memory_space<vmem>>, vector<16xf32>,
        %add3A_200 = arith.addf %get3A_192, %get3A_199 : vector<16xf32>
        %mul3A_201 = arith.constant 2.000000e-01 : f32
        %mul3A_202 = vector.broadcast %mul3A_201 : f32 to vector<16xf32>
        %mul3A_203 = arith.mulf %add3A_196, %mul3A_202 : vector<16xf32>
        %max3A_204 = arith.maximumf %add3A_196, %mul3A_203 : vector<16xf32>
        %mul3A_205 = arith.constant 2.000000e-01 : f32
        %mul3A_206 = vector.broadcast %mul3A_205 : f32 to vector<16xf32>
        %mul3A_207 = arith.mulf %add3A_200, %mul3A_206 : vector<16xf32>
        %max3A_208 = arith.maximumf %add3A_200, %mul3A_207 : vector<16xf32>
        %mul3A_209 = arith.mulf %max3A_204, %get3A_13 : vector<16xf32>
        %mul3A_210 = arith.mulf %max3A_208, %get3A_15 : vector<16xf32>
        %add3A_211 = arith.addf %mul3A_209, %mul3A_210 : vector<16xf32>
        %swap3A_212 = arith.constant 16 : index
        %swap3A_213 = tpu.vector_load %arg25[%swap3A_212] {strides = array<i32>} : memref<256xf32, #tpu.memory_space<vmem>>, vector<16xf32>,
        tpu.vector_store %arg25[%swap3A_212], %add3A_211 {strides = array<i32>} : memref<256xf32, #tpu.memory_space<vmem>>, vector<16xf32>,
        %add3A_214 = arith.constant 16 : i32
        %add3A_215 = vector.broadcast %add3A_214 : i32 to vector<16xi32>
        %add3A_216 = arith.addi %get3A_33, %add3A_215 : vector<16xi32>
        %gather3A_217 = tpu.vector_load_idx %arg25[%add3A_216] : memref<256xf32, #tpu.memory_space<vmem>>[vector<16xi32>], vector<16xf32>,
        %add3A_218 = arith.addf %add3A_211, %gather3A_217 : vector<16xf32>
        %swap3A_219 = arith.constant 16 : index
        %swap3A_220 = tpu.vector_load %arg25[%swap3A_219] {strides = array<i32>} : memref<256xf32, #tpu.memory_space<vmem>>, vector<16xf32>,
        tpu.vector_store %arg25[%swap3A_219], %add3A_218 {strides = array<i32>} : memref<256xf32, #tpu.memory_space<vmem>>, vector<16xf32>,
        %add3A_221 = arith.constant 16 : i32
        %add3A_222 = vector.broadcast %add3A_221 : i32 to vector<16xi32>
        %add3A_223 = arith.addi %get3A_35, %add3A_222 : vector<16xi32>
        %gather3A_224 = tpu.vector_load_idx %arg25[%add3A_223] : memref<256xf32, #tpu.memory_space<vmem>>[vector<16xi32>], vector<16xf32>,
        %add3A_225 = arith.addf %add3A_218, %gather3A_224 : vector<16xf32>
        %swap3A_226 = arith.constant 16 : index
        %swap3A_227 = tpu.vector_load %arg25[%swap3A_226] {strides = array<i32>} : memref<256xf32, #tpu.memory_space<vmem>>, vector<16xf32>,
        tpu.vector_store %arg25[%swap3A_226], %add3A_225 {strides = array<i32>} : memref<256xf32, #tpu.memory_space<vmem>>, vector<16xf32>,
        %add3A_228 = arith.constant 16 : i32
        %add3A_229 = vector.broadcast %add3A_228 : i32 to vector<16xi32>
        %add3A_230 = arith.addi %get3A_37, %add3A_229 : vector<16xi32>
        %gather3A_231 = tpu.vector_load_idx %arg25[%add3A_230] : memref<256xf32, #tpu.memory_space<vmem>>[vector<16xi32>], vector<16xf32>,
        %add3A_232 = arith.addf %add3A_225, %gather3A_231 : vector<16xf32>
        %swap3A_233 = arith.constant 16 : index
        %swap3A_234 = tpu.vector_load %arg25[%swap3A_233] {strides = array<i32>} : memref<256xf32, #tpu.memory_space<vmem>>, vector<16xf32>,
        tpu.vector_store %arg25[%swap3A_233], %add3A_232 {strides = array<i32>} : memref<256xf32, #tpu.memory_space<vmem>>, vector<16xf32>,
        %add3A_235 = arith.constant 16 : i32
        %add3A_236 = vector.broadcast %add3A_235 : i32 to vector<16xi32>
        %add3A_237 = arith.addi %get3A_39, %add3A_236 : vector<16xi32>
        %gather3A_238 = tpu.vector_load_idx %arg25[%add3A_237] : memref<256xf32, #tpu.memory_space<vmem>>[vector<16xi32>], vector<16xf32>,
        %add3A_239 = arith.addf %add3A_232, %gather3A_238 : vector<16xf32>
        %exp3A_240 = math.exp %add3A_239 : vector<16xf32>
        %mul3A_241 = arith.mulf %get3A_189, %exp3A_240 : vector<16xf32>
        %swap3A_242 = arith.index_cast %add3A_127 : i32 to index
        %swap3A_243 = arith.constant 32 : index
        %swap3A_244 = tpu.vector_load %arg20[%swap3A_242, %swap3A_243] {strides = array<i32>} : memref<64x128xf32, #tpu.memory_space<vmem>>, vector<16xf32>,
        tpu.vector_store %arg20[%swap3A_242, %swap3A_243], %mul3A_241 {strides = array<i32>} : memref<64x128xf32, #tpu.memory_space<vmem>>, vector<16xf32>,
        %mul3A_245 = arith.mulf %get3A_192, %exp3A_240 : vector<16xf32>
        %swap3A_246 = arith.index_cast %add3A_127 : i32 to index
        %swap3A_247 = arith.constant 48 : index
        %swap3A_248 = tpu.vector_load %arg20[%swap3A_246, %swap3A_247] {strides = array<i32>} : memref<64x128xf32, #tpu.memory_space<vmem>>, vector<16xf32>,
        tpu.vector_store %arg20[%swap3A_246, %swap3A_247], %mul3A_245 {strides = array<i32>} : memref<64x128xf32, #tpu.memory_space<vmem>>, vector<16xf32>,
        %mul3A_249 = arith.mulf %exp3A_240, %get3A_27 : vector<16xf32>
        %add3A_250 = arith.addf %mul3A_186, %mul3A_249 : vector<16xf32>
        %get3A_251 = arith.index_cast %add3A_127 : i32 to index
        %get3A_252 = arith.constant 64 : index
        %get3A_253 = tpu.vector_load %arg18[%get3A_251, %get3A_252] {strides = array<i32>} : memref<64x128xf32, #tpu.memory_space<vmem>>, vector<16xf32>,
        %get3A_254 = arith.index_cast %add3A_127 : i32 to index
        %get3A_255 = arith.constant 80 : index
        %get3A_256 = tpu.vector_load %arg18[%get3A_254, %get3A_255] {strides = array<i32>} : memref<64x128xf32, #tpu.memory_space<vmem>>, vector<16xf32>,
        %get3A_257 = arith.index_cast %add3A_127 : i32 to index
        %get3A_258 = arith.constant 64 : index
        %get3A_259 = tpu.vector_load %arg19[%get3A_257, %get3A_258] {strides = array<i32>} : memref<64x128xf32, #tpu.memory_space<vmem>>, vector<16xf32>,
        %add3A_260 = arith.addf %get3A_253, %get3A_259 : vector<16xf32>
        %get3A_261 = arith.index_cast %add3A_127 : i32 to index
        %get3A_262 = arith.constant 80 : index
        %get3A_263 = tpu.vector_load %arg19[%get3A_261, %get3A_262] {strides = array<i32>} : memref<64x128xf32, #tpu.memory_space<vmem>>, vector<16xf32>,
        %add3A_264 = arith.addf %get3A_256, %get3A_263 : vector<16xf32>
        %mul3A_265 = arith.constant 2.000000e-01 : f32
        %mul3A_266 = vector.broadcast %mul3A_265 : f32 to vector<16xf32>
        %mul3A_267 = arith.mulf %add3A_260, %mul3A_266 : vector<16xf32>
        %max3A_268 = arith.maximumf %add3A_260, %mul3A_267 : vector<16xf32>
        %mul3A_269 = arith.constant 2.000000e-01 : f32
        %mul3A_270 = vector.broadcast %mul3A_269 : f32 to vector<16xf32>
        %mul3A_271 = arith.mulf %add3A_264, %mul3A_270 : vector<16xf32>
        %max3A_272 = arith.maximumf %add3A_264, %mul3A_271 : vector<16xf32>
        %mul3A_273 = arith.mulf %max3A_268, %get3A_17 : vector<16xf32>
        %mul3A_274 = arith.mulf %max3A_272, %get3A_19 : vector<16xf32>
        %add3A_275 = arith.addf %mul3A_273, %mul3A_274 : vector<16xf32>
        %swap3A_276 = arith.constant 32 : index
        %swap3A_277 = tpu.vector_load %arg25[%swap3A_276] {strides = array<i32>} : memref<256xf32, #tpu.memory_space<vmem>>, vector<16xf32>,
        tpu.vector_store %arg25[%swap3A_276], %add3A_275 {strides = array<i32>} : memref<256xf32, #tpu.memory_space<vmem>>, vector<16xf32>,
        %add3A_278 = arith.constant 32 : i32
        %add3A_279 = vector.broadcast %add3A_278 : i32 to vector<16xi32>
        %add3A_280 = arith.addi %get3A_33, %add3A_279 : vector<16xi32>
        %gather3A_281 = tpu.vector_load_idx %arg25[%add3A_280] : memref<256xf32, #tpu.memory_space<vmem>>[vector<16xi32>], vector<16xf32>,
        %add3A_282 = arith.addf %add3A_275, %gather3A_281 : vector<16xf32>
        %swap3A_283 = arith.constant 32 : index
        %swap3A_284 = tpu.vector_load %arg25[%swap3A_283] {strides = array<i32>} : memref<256xf32, #tpu.memory_space<vmem>>, vector<16xf32>,
        tpu.vector_store %arg25[%swap3A_283], %add3A_282 {strides = array<i32>} : memref<256xf32, #tpu.memory_space<vmem>>, vector<16xf32>,
        %add3A_285 = arith.constant 32 : i32
        %add3A_286 = vector.broadcast %add3A_285 : i32 to vector<16xi32>
        %add3A_287 = arith.addi %get3A_35, %add3A_286 : vector<16xi32>
        %gather3A_288 = tpu.vector_load_idx %arg25[%add3A_287] : memref<256xf32, #tpu.memory_space<vmem>>[vector<16xi32>], vector<16xf32>,
        %add3A_289 = arith.addf %add3A_282, %gather3A_288 : vector<16xf32>
        %swap3A_290 = arith.constant 32 : index
        %swap3A_291 = tpu.vector_load %arg25[%swap3A_290] {strides = array<i32>} : memref<256xf32, #tpu.memory_space<vmem>>, vector<16xf32>,
        tpu.vector_store %arg25[%swap3A_290], %add3A_289 {strides = array<i32>} : memref<256xf32, #tpu.memory_space<vmem>>, vector<16xf32>,
        %add3A_292 = arith.constant 32 : i32
        %add3A_293 = vector.broadcast %add3A_292 : i32 to vector<16xi32>
        %add3A_294 = arith.addi %get3A_37, %add3A_293 : vector<16xi32>
        %gather3A_295 = tpu.vector_load_idx %arg25[%add3A_294] : memref<256xf32, #tpu.memory_space<vmem>>[vector<16xi32>], vector<16xf32>,
        %add3A_296 = arith.addf %add3A_289, %gather3A_295 : vector<16xf32>
        %swap3A_297 = arith.constant 32 : index
        %swap3A_298 = tpu.vector_load %arg25[%swap3A_297] {strides = array<i32>} : memref<256xf32, #tpu.memory_space<vmem>>, vector<16xf32>,
        tpu.vector_store %arg25[%swap3A_297], %add3A_296 {strides = array<i32>} : memref<256xf32, #tpu.memory_space<vmem>>, vector<16xf32>,
        %add3A_299 = arith.constant 32 : i32
        %add3A_300 = vector.broadcast %add3A_299 : i32 to vector<16xi32>
        %add3A_301 = arith.addi %get3A_39, %add3A_300 : vector<16xi32>
        %gather3A_302 = tpu.vector_load_idx %arg25[%add3A_301] : memref<256xf32, #tpu.memory_space<vmem>>[vector<16xi32>], vector<16xf32>,
        %add3A_303 = arith.addf %add3A_296, %gather3A_302 : vector<16xf32>
        %exp3A_304 = math.exp %add3A_303 : vector<16xf32>
        %mul3A_305 = arith.mulf %get3A_253, %exp3A_304 : vector<16xf32>
        %swap3A_306 = arith.index_cast %add3A_127 : i32 to index
        %swap3A_307 = arith.constant 64 : index
        %swap3A_308 = tpu.vector_load %arg20[%swap3A_306, %swap3A_307] {strides = array<i32>} : memref<64x128xf32, #tpu.memory_space<vmem>>, vector<16xf32>,
        tpu.vector_store %arg20[%swap3A_306, %swap3A_307], %mul3A_305 {strides = array<i32>} : memref<64x128xf32, #tpu.memory_space<vmem>>, vector<16xf32>,
        %mul3A_309 = arith.mulf %get3A_256, %exp3A_304 : vector<16xf32>
        %swap3A_310 = arith.index_cast %add3A_127 : i32 to index
        %swap3A_311 = arith.constant 80 : index
        %swap3A_312 = tpu.vector_load %arg20[%swap3A_310, %swap3A_311] {strides = array<i32>} : memref<64x128xf32, #tpu.memory_space<vmem>>, vector<16xf32>,
        tpu.vector_store %arg20[%swap3A_310, %swap3A_311], %mul3A_309 {strides = array<i32>} : memref<64x128xf32, #tpu.memory_space<vmem>>, vector<16xf32>,
        %mul3A_313 = arith.mulf %exp3A_304, %get3A_29 : vector<16xf32>
        %add3A_314 = arith.addf %add3A_250, %mul3A_313 : vector<16xf32>
        %get3A_315 = arith.index_cast %add3A_127 : i32 to index
        %get3A_316 = arith.constant 96 : index
        %get3A_317 = tpu.vector_load %arg18[%get3A_315, %get3A_316] {strides = array<i32>} : memref<64x128xf32, #tpu.memory_space<vmem>>, vector<16xf32>,
        %get3A_318 = arith.index_cast %add3A_127 : i32 to index
        %get3A_319 = arith.constant 112 : index
        %get3A_320 = tpu.vector_load %arg18[%get3A_318, %get3A_319] {strides = array<i32>} : memref<64x128xf32, #tpu.memory_space<vmem>>, vector<16xf32>,
        %get3A_321 = arith.index_cast %add3A_127 : i32 to index
        %get3A_322 = arith.constant 96 : index
        %get3A_323 = tpu.vector_load %arg19[%get3A_321, %get3A_322] {strides = array<i32>} : memref<64x128xf32, #tpu.memory_space<vmem>>, vector<16xf32>,
        %add3A_324 = arith.addf %get3A_317, %get3A_323 : vector<16xf32>
        %get3A_325 = arith.index_cast %add3A_127 : i32 to index
        %get3A_326 = arith.constant 112 : index
        %get3A_327 = tpu.vector_load %arg19[%get3A_325, %get3A_326] {strides = array<i32>} : memref<64x128xf32, #tpu.memory_space<vmem>>, vector<16xf32>,
        %add3A_328 = arith.addf %get3A_320, %get3A_327 : vector<16xf32>
        %mul3A_329 = arith.constant 2.000000e-01 : f32
        %mul3A_330 = vector.broadcast %mul3A_329 : f32 to vector<16xf32>
        %mul3A_331 = arith.mulf %add3A_324, %mul3A_330 : vector<16xf32>
        %max3A_332 = arith.maximumf %add3A_324, %mul3A_331 : vector<16xf32>
        %mul3A_333 = arith.constant 2.000000e-01 : f32
        %mul3A_334 = vector.broadcast %mul3A_333 : f32 to vector<16xf32>
        %mul3A_335 = arith.mulf %add3A_328, %mul3A_334 : vector<16xf32>
        %max3A_336 = arith.maximumf %add3A_328, %mul3A_335 : vector<16xf32>
        %mul3A_337 = arith.mulf %max3A_332, %get3A_21 : vector<16xf32>
        %mul3A_338 = arith.mulf %max3A_336, %get3A_23 : vector<16xf32>
        %add3A_339 = arith.addf %mul3A_337, %mul3A_338 : vector<16xf32>
        %swap3A_340 = arith.constant 48 : index
        %swap3A_341 = tpu.vector_load %arg25[%swap3A_340] {strides = array<i32>} : memref<256xf32, #tpu.memory_space<vmem>>, vector<16xf32>,
        tpu.vector_store %arg25[%swap3A_340], %add3A_339 {strides = array<i32>} : memref<256xf32, #tpu.memory_space<vmem>>, vector<16xf32>,
        %add3A_342 = arith.constant 48 : i32
        %add3A_343 = vector.broadcast %add3A_342 : i32 to vector<16xi32>
        %add3A_344 = arith.addi %get3A_33, %add3A_343 : vector<16xi32>
        %gather3A_345 = tpu.vector_load_idx %arg25[%add3A_344] : memref<256xf32, #tpu.memory_space<vmem>>[vector<16xi32>], vector<16xf32>,
        %add3A_346 = arith.addf %add3A_339, %gather3A_345 : vector<16xf32>
        %swap3A_347 = arith.constant 48 : index
        %swap3A_348 = tpu.vector_load %arg25[%swap3A_347] {strides = array<i32>} : memref<256xf32, #tpu.memory_space<vmem>>, vector<16xf32>,
        tpu.vector_store %arg25[%swap3A_347], %add3A_346 {strides = array<i32>} : memref<256xf32, #tpu.memory_space<vmem>>, vector<16xf32>,
        %add3A_349 = arith.constant 48 : i32
        %add3A_350 = vector.broadcast %add3A_349 : i32 to vector<16xi32>
        %add3A_351 = arith.addi %get3A_35, %add3A_350 : vector<16xi32>
        %gather3A_352 = tpu.vector_load_idx %arg25[%add3A_351] : memref<256xf32, #tpu.memory_space<vmem>>[vector<16xi32>], vector<16xf32>,
        %add3A_353 = arith.addf %add3A_346, %gather3A_352 : vector<16xf32>
        %swap3A_354 = arith.constant 48 : index
        %swap3A_355 = tpu.vector_load %arg25[%swap3A_354] {strides = array<i32>} : memref<256xf32, #tpu.memory_space<vmem>>, vector<16xf32>,
        tpu.vector_store %arg25[%swap3A_354], %add3A_353 {strides = array<i32>} : memref<256xf32, #tpu.memory_space<vmem>>, vector<16xf32>,
        %add3A_356 = arith.constant 48 : i32
        %add3A_357 = vector.broadcast %add3A_356 : i32 to vector<16xi32>
        %add3A_358 = arith.addi %get3A_37, %add3A_357 : vector<16xi32>
        %gather3A_359 = tpu.vector_load_idx %arg25[%add3A_358] : memref<256xf32, #tpu.memory_space<vmem>>[vector<16xi32>], vector<16xf32>,
        %add3A_360 = arith.addf %add3A_353, %gather3A_359 : vector<16xf32>
        %swap3A_361 = arith.constant 48 : index
        %swap3A_362 = tpu.vector_load %arg25[%swap3A_361] {strides = array<i32>} : memref<256xf32, #tpu.memory_space<vmem>>, vector<16xf32>,
        tpu.vector_store %arg25[%swap3A_361], %add3A_360 {strides = array<i32>} : memref<256xf32, #tpu.memory_space<vmem>>, vector<16xf32>,
        %add3A_363 = arith.constant 48 : i32
        %add3A_364 = vector.broadcast %add3A_363 : i32 to vector<16xi32>
        %add3A_365 = arith.addi %get3A_39, %add3A_364 : vector<16xi32>
        %gather3A_366 = tpu.vector_load_idx %arg25[%add3A_365] : memref<256xf32, #tpu.memory_space<vmem>>[vector<16xi32>], vector<16xf32>,
        %add3A_367 = arith.addf %add3A_360, %gather3A_366 : vector<16xf32>
        %exp3A_368 = math.exp %add3A_367 : vector<16xf32>
        %mul3A_369 = arith.mulf %get3A_317, %exp3A_368 : vector<16xf32>
        %swap3A_370 = arith.index_cast %add3A_127 : i32 to index
        %swap3A_371 = arith.constant 96 : index
        %swap3A_372 = tpu.vector_load %arg20[%swap3A_370, %swap3A_371] {strides = array<i32>} : memref<64x128xf32, #tpu.memory_space<vmem>>, vector<16xf32>,
        tpu.vector_store %arg20[%swap3A_370, %swap3A_371], %mul3A_369 {strides = array<i32>} : memref<64x128xf32, #tpu.memory_space<vmem>>, vector<16xf32>,
        %mul3A_373 = arith.mulf %get3A_320, %exp3A_368 : vector<16xf32>
        %swap3A_374 = arith.index_cast %add3A_127 : i32 to index
        %swap3A_375 = arith.constant 112 : index
        %swap3A_376 = tpu.vector_load %arg20[%swap3A_374, %swap3A_375] {strides = array<i32>} : memref<64x128xf32, #tpu.memory_space<vmem>>, vector<16xf32>,
        tpu.vector_store %arg20[%swap3A_374, %swap3A_375], %mul3A_373 {strides = array<i32>} : memref<64x128xf32, #tpu.memory_space<vmem>>, vector<16xf32>,
        %mul3A_377 = arith.mulf %exp3A_368, %get3A_31 : vector<16xf32>
        %add3A_378 = arith.addf %add3A_314, %mul3A_377 : vector<16xf32>
        %get3A_379 = arith.index_cast %add3A_127 : i32 to index
        %get3A_380 = tpu.vector_load %arg16[%get3A_379] {strides = array<i32>} : memref<80xi32, #tpu.memory_space<vmem>>, vector<16xi32>,
        %slice3A = vector.extract_strided_slice %get3A_380 {offsets = [0], sizes = [1], strides = [1]} : vector<16xi32> to vector<1xi32>
        %squeeze3A = vector.extract %slice3A[0] : i32 from vector<1xi32>
        %and3A_381 = arith.constant 7 : i32
        %and3A_382 = arith.andi %squeeze3A, %and3A_381 : i32
        %mul3A_383 = arith.constant 16 : i32
        %mul3A_384 = arith.muli %and3A_382, %mul3A_383 : i32
        %swap3A_385 = arith.index_cast %add3A_127 : i32 to index
        %swap3A_386 = arith.index_cast %mul3A_384 : i32 to index
        %swap3A_387 = tpu.vector_load %arg21[%swap3A_385, %swap3A_386] {strides = array<i32>} : memref<64x128xf32, #tpu.memory_space<vmem>>, vector<16xf32>,
        tpu.vector_store %arg21[%swap3A_385, %swap3A_386], %add3A_378 {strides = array<i32>} : memref<64x128xf32, #tpu.memory_space<vmem>>, vector<16xf32>,
        %mul3A_388 = arith.constant 4 : i32
        %mul3A_389 = arith.muli %scan3A_123, %mul3A_388 : i32
        %add3A_390 = arith.constant 1 : i32
        %add3A_391 = arith.addi %mul3A_389, %add3A_390 : i32
        %get3A_392 = arith.index_cast %add3A_391 : i32 to index
        %get3A_393 = arith.constant 0 : index
        %get3A_394 = tpu.vector_load %arg18[%get3A_392, %get3A_393] {strides = array<i32>} : memref<64x128xf32, #tpu.memory_space<vmem>>, vector<16xf32>,
        %get3A_395 = arith.index_cast %add3A_391 : i32 to index
        %get3A_396 = arith.constant 16 : index
        %get3A_397 = tpu.vector_load %arg18[%get3A_395, %get3A_396] {strides = array<i32>} : memref<64x128xf32, #tpu.memory_space<vmem>>, vector<16xf32>,
        %get3A_398 = arith.index_cast %add3A_391 : i32 to index
        %get3A_399 = arith.constant 0 : index
        %get3A_400 = tpu.vector_load %arg19[%get3A_398, %get3A_399] {strides = array<i32>} : memref<64x128xf32, #tpu.memory_space<vmem>>, vector<16xf32>,
        %add3A_401 = arith.addf %get3A_394, %get3A_400 : vector<16xf32>
        %get3A_402 = arith.index_cast %add3A_391 : i32 to index
        %get3A_403 = arith.constant 16 : index
        %get3A_404 = tpu.vector_load %arg19[%get3A_402, %get3A_403] {strides = array<i32>} : memref<64x128xf32, #tpu.memory_space<vmem>>, vector<16xf32>,
        %add3A_405 = arith.addf %get3A_397, %get3A_404 : vector<16xf32>
        %mul3A_406 = arith.constant 2.000000e-01 : f32
        %mul3A_407 = vector.broadcast %mul3A_406 : f32 to vector<16xf32>
        %mul3A_408 = arith.mulf %add3A_401, %mul3A_407 : vector<16xf32>
        %max3A_409 = arith.maximumf %add3A_401, %mul3A_408 : vector<16xf32>
        %mul3A_410 = arith.constant 2.000000e-01 : f32
        %mul3A_411 = vector.broadcast %mul3A_410 : f32 to vector<16xf32>
        %mul3A_412 = arith.mulf %add3A_405, %mul3A_411 : vector<16xf32>
        %max3A_413 = arith.maximumf %add3A_405, %mul3A_412 : vector<16xf32>
        %mul3A_414 = arith.mulf %max3A_409, %get3A_9 : vector<16xf32>
        %mul3A_415 = arith.mulf %max3A_413, %get3A_11 : vector<16xf32>
        %add3A_416 = arith.addf %mul3A_414, %mul3A_415 : vector<16xf32>
        %swap3A_417 = arith.constant 64 : index
        %swap3A_418 = tpu.vector_load %arg25[%swap3A_417] {strides = array<i32>} : memref<256xf32, #tpu.memory_space<vmem>>, vector<16xf32>,
        tpu.vector_store %arg25[%swap3A_417], %add3A_416 {strides = array<i32>} : memref<256xf32, #tpu.memory_space<vmem>>, vector<16xf32>,
        %add3A_419 = arith.constant 64 : i32
        %add3A_420 = vector.broadcast %add3A_419 : i32 to vector<16xi32>
        %add3A_421 = arith.addi %get3A_33, %add3A_420 : vector<16xi32>
        %gather3A_422 = tpu.vector_load_idx %arg25[%add3A_421] : memref<256xf32, #tpu.memory_space<vmem>>[vector<16xi32>], vector<16xf32>,
        %add3A_423 = arith.addf %add3A_416, %gather3A_422 : vector<16xf32>
        %swap3A_424 = arith.constant 64 : index
        %swap3A_425 = tpu.vector_load %arg25[%swap3A_424] {strides = array<i32>} : memref<256xf32, #tpu.memory_space<vmem>>, vector<16xf32>,
        tpu.vector_store %arg25[%swap3A_424], %add3A_423 {strides = array<i32>} : memref<256xf32, #tpu.memory_space<vmem>>, vector<16xf32>,
        %add3A_426 = arith.constant 64 : i32
        %add3A_427 = vector.broadcast %add3A_426 : i32 to vector<16xi32>
        %add3A_428 = arith.addi %get3A_35, %add3A_427 : vector<16xi32>
        %gather3A_429 = tpu.vector_load_idx %arg25[%add3A_428] : memref<256xf32, #tpu.memory_space<vmem>>[vector<16xi32>], vector<16xf32>,
        %add3A_430 = arith.addf %add3A_423, %gather3A_429 : vector<16xf32>
        %swap3A_431 = arith.constant 64 : index
        %swap3A_432 = tpu.vector_load %arg25[%swap3A_431] {strides = array<i32>} : memref<256xf32, #tpu.memory_space<vmem>>, vector<16xf32>,
        tpu.vector_store %arg25[%swap3A_431], %add3A_430 {strides = array<i32>} : memref<256xf32, #tpu.memory_space<vmem>>, vector<16xf32>,
        %add3A_433 = arith.constant 64 : i32
        %add3A_434 = vector.broadcast %add3A_433 : i32 to vector<16xi32>
        %add3A_435 = arith.addi %get3A_37, %add3A_434 : vector<16xi32>
        %gather3A_436 = tpu.vector_load_idx %arg25[%add3A_435] : memref<256xf32, #tpu.memory_space<vmem>>[vector<16xi32>], vector<16xf32>,
        %add3A_437 = arith.addf %add3A_430, %gather3A_436 : vector<16xf32>
        %swap3A_438 = arith.constant 64 : index
        %swap3A_439 = tpu.vector_load %arg25[%swap3A_438] {strides = array<i32>} : memref<256xf32, #tpu.memory_space<vmem>>, vector<16xf32>,
        tpu.vector_store %arg25[%swap3A_438], %add3A_437 {strides = array<i32>} : memref<256xf32, #tpu.memory_space<vmem>>, vector<16xf32>,
        %add3A_440 = arith.constant 64 : i32
        %add3A_441 = vector.broadcast %add3A_440 : i32 to vector<16xi32>
        %add3A_442 = arith.addi %get3A_39, %add3A_441 : vector<16xi32>
        %gather3A_443 = tpu.vector_load_idx %arg25[%add3A_442] : memref<256xf32, #tpu.memory_space<vmem>>[vector<16xi32>], vector<16xf32>,
        %add3A_444 = arith.addf %add3A_437, %gather3A_443 : vector<16xf32>
        %exp3A_445 = math.exp %add3A_444 : vector<16xf32>
        %mul3A_446 = arith.mulf %get3A_394, %exp3A_445 : vector<16xf32>
        %swap3A_447 = arith.index_cast %add3A_391 : i32 to index
        %swap3A_448 = arith.constant 0 : index
        %swap3A_449 = tpu.vector_load %arg20[%swap3A_447, %swap3A_448] {strides = array<i32>} : memref<64x128xf32, #tpu.memory_space<vmem>>, vector<16xf32>,
        tpu.vector_store %arg20[%swap3A_447, %swap3A_448], %mul3A_446 {strides = array<i32>} : memref<64x128xf32, #tpu.memory_space<vmem>>, vector<16xf32>,
        %mul3A_450 = arith.mulf %get3A_397, %exp3A_445 : vector<16xf32>
        %swap3A_451 = arith.index_cast %add3A_391 : i32 to index
        %swap3A_452 = arith.constant 16 : index
        %swap3A_453 = tpu.vector_load %arg20[%swap3A_451, %swap3A_452] {strides = array<i32>} : memref<64x128xf32, #tpu.memory_space<vmem>>, vector<16xf32>,
        tpu.vector_store %arg20[%swap3A_451, %swap3A_452], %mul3A_450 {strides = array<i32>} : memref<64x128xf32, #tpu.memory_space<vmem>>, vector<16xf32>,
        %mul3A_454 = arith.mulf %exp3A_445, %get3A_25 : vector<16xf32>
        %get3A_455 = arith.index_cast %add3A_391 : i32 to index
        %get3A_456 = arith.constant 32 : index
        %get3A_457 = tpu.vector_load %arg18[%get3A_455, %get3A_456] {strides = array<i32>} : memref<64x128xf32, #tpu.memory_space<vmem>>, vector<16xf32>,
        %get3A_458 = arith.index_cast %add3A_391 : i32 to index
        %get3A_459 = arith.constant 48 : index
        %get3A_460 = tpu.vector_load %arg18[%get3A_458, %get3A_459] {strides = array<i32>} : memref<64x128xf32, #tpu.memory_space<vmem>>, vector<16xf32>,
        %get3A_461 = arith.index_cast %add3A_391 : i32 to index
        %get3A_462 = arith.constant 32 : index
        %get3A_463 = tpu.vector_load %arg19[%get3A_461, %get3A_462] {strides = array<i32>} : memref<64x128xf32, #tpu.memory_space<vmem>>, vector<16xf32>,
        %add3A_464 = arith.addf %get3A_457, %get3A_463 : vector<16xf32>
        %get3A_465 = arith.index_cast %add3A_391 : i32 to index
        %get3A_466 = arith.constant 48 : index
        %get3A_467 = tpu.vector_load %arg19[%get3A_465, %get3A_466] {strides = array<i32>} : memref<64x128xf32, #tpu.memory_space<vmem>>, vector<16xf32>,
        %add3A_468 = arith.addf %get3A_460, %get3A_467 : vector<16xf32>
        %mul3A_469 = arith.constant 2.000000e-01 : f32
        %mul3A_470 = vector.broadcast %mul3A_469 : f32 to vector<16xf32>
        %mul3A_471 = arith.mulf %add3A_464, %mul3A_470 : vector<16xf32>
        %max3A_472 = arith.maximumf %add3A_464, %mul3A_471 : vector<16xf32>
        %mul3A_473 = arith.constant 2.000000e-01 : f32
        %mul3A_474 = vector.broadcast %mul3A_473 : f32 to vector<16xf32>
        %mul3A_475 = arith.mulf %add3A_468, %mul3A_474 : vector<16xf32>
        %max3A_476 = arith.maximumf %add3A_468, %mul3A_475 : vector<16xf32>
        %mul3A_477 = arith.mulf %max3A_472, %get3A_13 : vector<16xf32>
        %mul3A_478 = arith.mulf %max3A_476, %get3A_15 : vector<16xf32>
        %add3A_479 = arith.addf %mul3A_477, %mul3A_478 : vector<16xf32>
        %swap3A_480 = arith.constant 80 : index
        %swap3A_481 = tpu.vector_load %arg25[%swap3A_480] {strides = array<i32>} : memref<256xf32, #tpu.memory_space<vmem>>, vector<16xf32>,
        tpu.vector_store %arg25[%swap3A_480], %add3A_479 {strides = array<i32>} : memref<256xf32, #tpu.memory_space<vmem>>, vector<16xf32>,
        %add3A_482 = arith.constant 80 : i32
        %add3A_483 = vector.broadcast %add3A_482 : i32 to vector<16xi32>
        %add3A_484 = arith.addi %get3A_33, %add3A_483 : vector<16xi32>
        %gather3A_485 = tpu.vector_load_idx %arg25[%add3A_484] : memref<256xf32, #tpu.memory_space<vmem>>[vector<16xi32>], vector<16xf32>,
        %add3A_486 = arith.addf %add3A_479, %gather3A_485 : vector<16xf32>
        %swap3A_487 = arith.constant 80 : index
        %swap3A_488 = tpu.vector_load %arg25[%swap3A_487] {strides = array<i32>} : memref<256xf32, #tpu.memory_space<vmem>>, vector<16xf32>,
        tpu.vector_store %arg25[%swap3A_487], %add3A_486 {strides = array<i32>} : memref<256xf32, #tpu.memory_space<vmem>>, vector<16xf32>,
        %add3A_489 = arith.constant 80 : i32
        %add3A_490 = vector.broadcast %add3A_489 : i32 to vector<16xi32>
        %add3A_491 = arith.addi %get3A_35, %add3A_490 : vector<16xi32>
        %gather3A_492 = tpu.vector_load_idx %arg25[%add3A_491] : memref<256xf32, #tpu.memory_space<vmem>>[vector<16xi32>], vector<16xf32>,
        %add3A_493 = arith.addf %add3A_486, %gather3A_492 : vector<16xf32>
        %swap3A_494 = arith.constant 80 : index
        %swap3A_495 = tpu.vector_load %arg25[%swap3A_494] {strides = array<i32>} : memref<256xf32, #tpu.memory_space<vmem>>, vector<16xf32>,
        tpu.vector_store %arg25[%swap3A_494], %add3A_493 {strides = array<i32>} : memref<256xf32, #tpu.memory_space<vmem>>, vector<16xf32>,
        %add3A_496 = arith.constant 80 : i32
        %add3A_497 = vector.broadcast %add3A_496 : i32 to vector<16xi32>
        %add3A_498 = arith.addi %get3A_37, %add3A_497 : vector<16xi32>
        %gather3A_499 = tpu.vector_load_idx %arg25[%add3A_498] : memref<256xf32, #tpu.memory_space<vmem>>[vector<16xi32>], vector<16xf32>,
        %add3A_500 = arith.addf %add3A_493, %gather3A_499 : vector<16xf32>
        %swap3A_501 = arith.constant 80 : index
        %swap3A_502 = tpu.vector_load %arg25[%swap3A_501] {strides = array<i32>} : memref<256xf32, #tpu.memory_space<vmem>>, vector<16xf32>,
        tpu.vector_store %arg25[%swap3A_501], %add3A_500 {strides = array<i32>} : memref<256xf32, #tpu.memory_space<vmem>>, vector<16xf32>,
        %add3A_503 = arith.constant 80 : i32
        %add3A_504 = vector.broadcast %add3A_503 : i32 to vector<16xi32>
        %add3A_505 = arith.addi %get3A_39, %add3A_504 : vector<16xi32>
        %gather3A_506 = tpu.vector_load_idx %arg25[%add3A_505] : memref<256xf32, #tpu.memory_space<vmem>>[vector<16xi32>], vector<16xf32>,
        %add3A_507 = arith.addf %add3A_500, %gather3A_506 : vector<16xf32>
        %exp3A_508 = math.exp %add3A_507 : vector<16xf32>
        %mul3A_509 = arith.mulf %get3A_457, %exp3A_508 : vector<16xf32>
        %swap3A_510 = arith.index_cast %add3A_391 : i32 to index
        %swap3A_511 = arith.constant 32 : index
        %swap3A_512 = tpu.vector_load %arg20[%swap3A_510, %swap3A_511] {strides = array<i32>} : memref<64x128xf32, #tpu.memory_space<vmem>>, vector<16xf32>,
        tpu.vector_store %arg20[%swap3A_510, %swap3A_511], %mul3A_509 {strides = array<i32>} : memref<64x128xf32, #tpu.memory_space<vmem>>, vector<16xf32>,
        %mul3A_513 = arith.mulf %get3A_460, %exp3A_508 : vector<16xf32>
        %swap3A_514 = arith.index_cast %add3A_391 : i32 to index
        %swap3A_515 = arith.constant 48 : index
        %swap3A_516 = tpu.vector_load %arg20[%swap3A_514, %swap3A_515] {strides = array<i32>} : memref<64x128xf32, #tpu.memory_space<vmem>>, vector<16xf32>,
        tpu.vector_store %arg20[%swap3A_514, %swap3A_515], %mul3A_513 {strides = array<i32>} : memref<64x128xf32, #tpu.memory_space<vmem>>, vector<16xf32>,
        %mul3A_517 = arith.mulf %exp3A_508, %get3A_27 : vector<16xf32>
        %add3A_518 = arith.addf %mul3A_454, %mul3A_517 : vector<16xf32>
        %get3A_519 = arith.index_cast %add3A_391 : i32 to index
        %get3A_520 = arith.constant 64 : index
        %get3A_521 = tpu.vector_load %arg18[%get3A_519, %get3A_520] {strides = array<i32>} : memref<64x128xf32, #tpu.memory_space<vmem>>, vector<16xf32>,
        %get3A_522 = arith.index_cast %add3A_391 : i32 to index
        %get3A_523 = arith.constant 80 : index
        %get3A_524 = tpu.vector_load %arg18[%get3A_522, %get3A_523] {strides = array<i32>} : memref<64x128xf32, #tpu.memory_space<vmem>>, vector<16xf32>,
        %get3A_525 = arith.index_cast %add3A_391 : i32 to index
        %get3A_526 = arith.constant 64 : index
        %get3A_527 = tpu.vector_load %arg19[%get3A_525, %get3A_526] {strides = array<i32>} : memref<64x128xf32, #tpu.memory_space<vmem>>, vector<16xf32>,
        %add3A_528 = arith.addf %get3A_521, %get3A_527 : vector<16xf32>
        %get3A_529 = arith.index_cast %add3A_391 : i32 to index
        %get3A_530 = arith.constant 80 : index
        %get3A_531 = tpu.vector_load %arg19[%get3A_529, %get3A_530] {strides = array<i32>} : memref<64x128xf32, #tpu.memory_space<vmem>>, vector<16xf32>,
        %add3A_532 = arith.addf %get3A_524, %get3A_531 : vector<16xf32>
        %mul3A_533 = arith.constant 2.000000e-01 : f32
        %mul3A_534 = vector.broadcast %mul3A_533 : f32 to vector<16xf32>
        %mul3A_535 = arith.mulf %add3A_528, %mul3A_534 : vector<16xf32>
        %max3A_536 = arith.maximumf %add3A_528, %mul3A_535 : vector<16xf32>
        %mul3A_537 = arith.constant 2.000000e-01 : f32
        %mul3A_538 = vector.broadcast %mul3A_537 : f32 to vector<16xf32>
        %mul3A_539 = arith.mulf %add3A_532, %mul3A_538 : vector<16xf32>
        %max3A_540 = arith.maximumf %add3A_532, %mul3A_539 : vector<16xf32>
        %mul3A_541 = arith.mulf %max3A_536, %get3A_17 : vector<16xf32>
        %mul3A_542 = arith.mulf %max3A_540, %get3A_19 : vector<16xf32>
        %add3A_543 = arith.addf %mul3A_541, %mul3A_542 : vector<16xf32>
        %swap3A_544 = arith.constant 96 : index
        %swap3A_545 = tpu.vector_load %arg25[%swap3A_544] {strides = array<i32>} : memref<256xf32, #tpu.memory_space<vmem>>, vector<16xf32>,
        tpu.vector_store %arg25[%swap3A_544], %add3A_543 {strides = array<i32>} : memref<256xf32, #tpu.memory_space<vmem>>, vector<16xf32>,
        %add3A_546 = arith.constant 96 : i32
        %add3A_547 = vector.broadcast %add3A_546 : i32 to vector<16xi32>
        %add3A_548 = arith.addi %get3A_33, %add3A_547 : vector<16xi32>
        %gather3A_549 = tpu.vector_load_idx %arg25[%add3A_548] : memref<256xf32, #tpu.memory_space<vmem>>[vector<16xi32>], vector<16xf32>,
        %add3A_550 = arith.addf %add3A_543, %gather3A_549 : vector<16xf32>
        %swap3A_551 = arith.constant 96 : index
        %swap3A_552 = tpu.vector_load %arg25[%swap3A_551] {strides = array<i32>} : memref<256xf32, #tpu.memory_space<vmem>>, vector<16xf32>,
        tpu.vector_store %arg25[%swap3A_551], %add3A_550 {strides = array<i32>} : memref<256xf32, #tpu.memory_space<vmem>>, vector<16xf32>,
        %add3A_553 = arith.constant 96 : i32
        %add3A_554 = vector.broadcast %add3A_553 : i32 to vector<16xi32>
        %add3A_555 = arith.addi %get3A_35, %add3A_554 : vector<16xi32>
        %gather3A_556 = tpu.vector_load_idx %arg25[%add3A_555] : memref<256xf32, #tpu.memory_space<vmem>>[vector<16xi32>], vector<16xf32>,
        %add3A_557 = arith.addf %add3A_550, %gather3A_556 : vector<16xf32>
        %swap3A_558 = arith.constant 96 : index
        %swap3A_559 = tpu.vector_load %arg25[%swap3A_558] {strides = array<i32>} : memref<256xf32, #tpu.memory_space<vmem>>, vector<16xf32>,
        tpu.vector_store %arg25[%swap3A_558], %add3A_557 {strides = array<i32>} : memref<256xf32, #tpu.memory_space<vmem>>, vector<16xf32>,
        %add3A_560 = arith.constant 96 : i32
        %add3A_561 = vector.broadcast %add3A_560 : i32 to vector<16xi32>
        %add3A_562 = arith.addi %get3A_37, %add3A_561 : vector<16xi32>
        %gather3A_563 = tpu.vector_load_idx %arg25[%add3A_562] : memref<256xf32, #tpu.memory_space<vmem>>[vector<16xi32>], vector<16xf32>,
        %add3A_564 = arith.addf %add3A_557, %gather3A_563 : vector<16xf32>
        %swap3A_565 = arith.constant 96 : index
        %swap3A_566 = tpu.vector_load %arg25[%swap3A_565] {strides = array<i32>} : memref<256xf32, #tpu.memory_space<vmem>>, vector<16xf32>,
        tpu.vector_store %arg25[%swap3A_565], %add3A_564 {strides = array<i32>} : memref<256xf32, #tpu.memory_space<vmem>>, vector<16xf32>,
        %add3A_567 = arith.constant 96 : i32
        %add3A_568 = vector.broadcast %add3A_567 : i32 to vector<16xi32>
        %add3A_569 = arith.addi %get3A_39, %add3A_568 : vector<16xi32>
        %gather3A_570 = tpu.vector_load_idx %arg25[%add3A_569] : memref<256xf32, #tpu.memory_space<vmem>>[vector<16xi32>], vector<16xf32>,
        %add3A_571 = arith.addf %add3A_564, %gather3A_570 : vector<16xf32>
        %exp3A_572 = math.exp %add3A_571 : vector<16xf32>
        %mul3A_573 = arith.mulf %get3A_521, %exp3A_572 : vector<16xf32>
        %swap3A_574 = arith.index_cast %add3A_391 : i32 to index
        %swap3A_575 = arith.constant 64 : index
        %swap3A_576 = tpu.vector_load %arg20[%swap3A_574, %swap3A_575] {strides = array<i32>} : memref<64x128xf32, #tpu.memory_space<vmem>>, vector<16xf32>,
        tpu.vector_store %arg20[%swap3A_574, %swap3A_575], %mul3A_573 {strides = array<i32>} : memref<64x128xf32, #tpu.memory_space<vmem>>, vector<16xf32>,
        %mul3A_577 = arith.mulf %get3A_524, %exp3A_572 : vector<16xf32>
        %swap3A_578 = arith.index_cast %add3A_391 : i32 to index
        %swap3A_579 = arith.constant 80 : index
        %swap3A_580 = tpu.vector_load %arg20[%swap3A_578, %swap3A_579] {strides = array<i32>} : memref<64x128xf32, #tpu.memory_space<vmem>>, vector<16xf32>,
        tpu.vector_store %arg20[%swap3A_578, %swap3A_579], %mul3A_577 {strides = array<i32>} : memref<64x128xf32, #tpu.memory_space<vmem>>, vector<16xf32>,
        %mul3A_581 = arith.mulf %exp3A_572, %get3A_29 : vector<16xf32>
        %add3A_582 = arith.addf %add3A_518, %mul3A_581 : vector<16xf32>
        %get3A_583 = arith.index_cast %add3A_391 : i32 to index
        %get3A_584 = arith.constant 96 : index
        %get3A_585 = tpu.vector_load %arg18[%get3A_583, %get3A_584] {strides = array<i32>} : memref<64x128xf32, #tpu.memory_space<vmem>>, vector<16xf32>,
        %get3A_586 = arith.index_cast %add3A_391 : i32 to index
        %get3A_587 = arith.constant 112 : index
        %get3A_588 = tpu.vector_load %arg18[%get3A_586, %get3A_587] {strides = array<i32>} : memref<64x128xf32, #tpu.memory_space<vmem>>, vector<16xf32>,
        %get3A_589 = arith.index_cast %add3A_391 : i32 to index
        %get3A_590 = arith.constant 96 : index
        %get3A_591 = tpu.vector_load %arg19[%get3A_589, %get3A_590] {strides = array<i32>} : memref<64x128xf32, #tpu.memory_space<vmem>>, vector<16xf32>,
        %add3A_592 = arith.addf %get3A_585, %get3A_591 : vector<16xf32>
        %get3A_593 = arith.index_cast %add3A_391 : i32 to index
        %get3A_594 = arith.constant 112 : index
        %get3A_595 = tpu.vector_load %arg19[%get3A_593, %get3A_594] {strides = array<i32>} : memref<64x128xf32, #tpu.memory_space<vmem>>, vector<16xf32>,
        %add3A_596 = arith.addf %get3A_588, %get3A_595 : vector<16xf32>
        %mul3A_597 = arith.constant 2.000000e-01 : f32
        %mul3A_598 = vector.broadcast %mul3A_597 : f32 to vector<16xf32>
        %mul3A_599 = arith.mulf %add3A_592, %mul3A_598 : vector<16xf32>
        %max3A_600 = arith.maximumf %add3A_592, %mul3A_599 : vector<16xf32>
        %mul3A_601 = arith.constant 2.000000e-01 : f32
        %mul3A_602 = vector.broadcast %mul3A_601 : f32 to vector<16xf32>
        %mul3A_603 = arith.mulf %add3A_596, %mul3A_602 : vector<16xf32>
        %max3A_604 = arith.maximumf %add3A_596, %mul3A_603 : vector<16xf32>
        %mul3A_605 = arith.mulf %max3A_600, %get3A_21 : vector<16xf32>
        %mul3A_606 = arith.mulf %max3A_604, %get3A_23 : vector<16xf32>
        %add3A_607 = arith.addf %mul3A_605, %mul3A_606 : vector<16xf32>
        %swap3A_608 = arith.constant 112 : index
        %swap3A_609 = tpu.vector_load %arg25[%swap3A_608] {strides = array<i32>} : memref<256xf32, #tpu.memory_space<vmem>>, vector<16xf32>,
        tpu.vector_store %arg25[%swap3A_608], %add3A_607 {strides = array<i32>} : memref<256xf32, #tpu.memory_space<vmem>>, vector<16xf32>,
        %add3A_610 = arith.constant 112 : i32
        %add3A_611 = vector.broadcast %add3A_610 : i32 to vector<16xi32>
        %add3A_612 = arith.addi %get3A_33, %add3A_611 : vector<16xi32>
        %gather3A_613 = tpu.vector_load_idx %arg25[%add3A_612] : memref<256xf32, #tpu.memory_space<vmem>>[vector<16xi32>], vector<16xf32>,
        %add3A_614 = arith.addf %add3A_607, %gather3A_613 : vector<16xf32>
        %swap3A_615 = arith.constant 112 : index
        %swap3A_616 = tpu.vector_load %arg25[%swap3A_615] {strides = array<i32>} : memref<256xf32, #tpu.memory_space<vmem>>, vector<16xf32>,
        tpu.vector_store %arg25[%swap3A_615], %add3A_614 {strides = array<i32>} : memref<256xf32, #tpu.memory_space<vmem>>, vector<16xf32>,
        %add3A_617 = arith.constant 112 : i32
        %add3A_618 = vector.broadcast %add3A_617 : i32 to vector<16xi32>
        %add3A_619 = arith.addi %get3A_35, %add3A_618 : vector<16xi32>
        %gather3A_620 = tpu.vector_load_idx %arg25[%add3A_619] : memref<256xf32, #tpu.memory_space<vmem>>[vector<16xi32>], vector<16xf32>,
        %add3A_621 = arith.addf %add3A_614, %gather3A_620 : vector<16xf32>
        %swap3A_622 = arith.constant 112 : index
        %swap3A_623 = tpu.vector_load %arg25[%swap3A_622] {strides = array<i32>} : memref<256xf32, #tpu.memory_space<vmem>>, vector<16xf32>,
        tpu.vector_store %arg25[%swap3A_622], %add3A_621 {strides = array<i32>} : memref<256xf32, #tpu.memory_space<vmem>>, vector<16xf32>,
        %add3A_624 = arith.constant 112 : i32
        %add3A_625 = vector.broadcast %add3A_624 : i32 to vector<16xi32>
        %add3A_626 = arith.addi %get3A_37, %add3A_625 : vector<16xi32>
        %gather3A_627 = tpu.vector_load_idx %arg25[%add3A_626] : memref<256xf32, #tpu.memory_space<vmem>>[vector<16xi32>], vector<16xf32>,
        %add3A_628 = arith.addf %add3A_621, %gather3A_627 : vector<16xf32>
        %swap3A_629 = arith.constant 112 : index
        %swap3A_630 = tpu.vector_load %arg25[%swap3A_629] {strides = array<i32>} : memref<256xf32, #tpu.memory_space<vmem>>, vector<16xf32>,
        tpu.vector_store %arg25[%swap3A_629], %add3A_628 {strides = array<i32>} : memref<256xf32, #tpu.memory_space<vmem>>, vector<16xf32>,
        %add3A_631 = arith.constant 112 : i32
        %add3A_632 = vector.broadcast %add3A_631 : i32 to vector<16xi32>
        %add3A_633 = arith.addi %get3A_39, %add3A_632 : vector<16xi32>
        %gather3A_634 = tpu.vector_load_idx %arg25[%add3A_633] : memref<256xf32, #tpu.memory_space<vmem>>[vector<16xi32>], vector<16xf32>,
        %add3A_635 = arith.addf %add3A_628, %gather3A_634 : vector<16xf32>
        %exp3A_636 = math.exp %add3A_635 : vector<16xf32>
        %mul3A_637 = arith.mulf %get3A_585, %exp3A_636 : vector<16xf32>
        %swap3A_638 = arith.index_cast %add3A_391 : i32 to index
        %swap3A_639 = arith.constant 96 : index
        %swap3A_640 = tpu.vector_load %arg20[%swap3A_638, %swap3A_639] {strides = array<i32>} : memref<64x128xf32, #tpu.memory_space<vmem>>, vector<16xf32>,
        tpu.vector_store %arg20[%swap3A_638, %swap3A_639], %mul3A_637 {strides = array<i32>} : memref<64x128xf32, #tpu.memory_space<vmem>>, vector<16xf32>,
        %mul3A_641 = arith.mulf %get3A_588, %exp3A_636 : vector<16xf32>
        %swap3A_642 = arith.index_cast %add3A_391 : i32 to index
        %swap3A_643 = arith.constant 112 : index
        %swap3A_644 = tpu.vector_load %arg20[%swap3A_642, %swap3A_643] {strides = array<i32>} : memref<64x128xf32, #tpu.memory_space<vmem>>, vector<16xf32>,
        tpu.vector_store %arg20[%swap3A_642, %swap3A_643], %mul3A_641 {strides = array<i32>} : memref<64x128xf32, #tpu.memory_space<vmem>>, vector<16xf32>,
        %mul3A_645 = arith.mulf %exp3A_636, %get3A_31 : vector<16xf32>
        %add3A_646 = arith.addf %add3A_582, %mul3A_645 : vector<16xf32>
        %get3A_647 = arith.index_cast %add3A_391 : i32 to index
        %get3A_648 = tpu.vector_load %arg16[%get3A_647] {strides = array<i32>} : memref<80xi32, #tpu.memory_space<vmem>>, vector<16xi32>,
        %slice3A_649 = vector.extract_strided_slice %get3A_648 {offsets = [0], sizes = [1], strides = [1]} : vector<16xi32> to vector<1xi32>
        %squeeze3A_650 = vector.extract %slice3A_649[0] : i32 from vector<1xi32>
        %and3A_651 = arith.constant 7 : i32
        %and3A_652 = arith.andi %squeeze3A_650, %and3A_651 : i32
        %mul3A_653 = arith.constant 16 : i32
        %mul3A_654 = arith.muli %and3A_652, %mul3A_653 : i32
        %swap3A_655 = arith.index_cast %add3A_391 : i32 to index
        %swap3A_656 = arith.index_cast %mul3A_654 : i32 to index
        %swap3A_657 = tpu.vector_load %arg21[%swap3A_655, %swap3A_656] {strides = array<i32>} : memref<64x128xf32, #tpu.memory_space<vmem>>, vector<16xf32>,
        tpu.vector_store %arg21[%swap3A_655, %swap3A_656], %add3A_646 {strides = array<i32>} : memref<64x128xf32, #tpu.memory_space<vmem>>, vector<16xf32>,
        %mul3A_658 = arith.constant 4 : i32
        %mul3A_659 = arith.muli %scan3A_123, %mul3A_658 : i32
        %add3A_660 = arith.constant 2 : i32
        %add3A_661 = arith.addi %mul3A_659, %add3A_660 : i32
        %get3A_662 = arith.index_cast %add3A_661 : i32 to index
        %get3A_663 = arith.constant 0 : index
        %get3A_664 = tpu.vector_load %arg18[%get3A_662, %get3A_663] {strides = array<i32>} : memref<64x128xf32, #tpu.memory_space<vmem>>, vector<16xf32>,
        %get3A_665 = arith.index_cast %add3A_661 : i32 to index
        %get3A_666 = arith.constant 16 : index
        %get3A_667 = tpu.vector_load %arg18[%get3A_665, %get3A_666] {strides = array<i32>} : memref<64x128xf32, #tpu.memory_space<vmem>>, vector<16xf32>,
        %get3A_668 = arith.index_cast %add3A_661 : i32 to index
        %get3A_669 = arith.constant 0 : index
        %get3A_670 = tpu.vector_load %arg19[%get3A_668, %get3A_669] {strides = array<i32>} : memref<64x128xf32, #tpu.memory_space<vmem>>, vector<16xf32>,
        %add3A_671 = arith.addf %get3A_664, %get3A_670 : vector<16xf32>
        %get3A_672 = arith.index_cast %add3A_661 : i32 to index
        %get3A_673 = arith.constant 16 : index
        %get3A_674 = tpu.vector_load %arg19[%get3A_672, %get3A_673] {strides = array<i32>} : memref<64x128xf32, #tpu.memory_space<vmem>>, vector<16xf32>,
        %add3A_675 = arith.addf %get3A_667, %get3A_674 : vector<16xf32>
        %mul3A_676 = arith.constant 2.000000e-01 : f32
        %mul3A_677 = vector.broadcast %mul3A_676 : f32 to vector<16xf32>
        %mul3A_678 = arith.mulf %add3A_671, %mul3A_677 : vector<16xf32>
        %max3A_679 = arith.maximumf %add3A_671, %mul3A_678 : vector<16xf32>
        %mul3A_680 = arith.constant 2.000000e-01 : f32
        %mul3A_681 = vector.broadcast %mul3A_680 : f32 to vector<16xf32>
        %mul3A_682 = arith.mulf %add3A_675, %mul3A_681 : vector<16xf32>
        %max3A_683 = arith.maximumf %add3A_675, %mul3A_682 : vector<16xf32>
        %mul3A_684 = arith.mulf %max3A_679, %get3A_9 : vector<16xf32>
        %mul3A_685 = arith.mulf %max3A_683, %get3A_11 : vector<16xf32>
        %add3A_686 = arith.addf %mul3A_684, %mul3A_685 : vector<16xf32>
        %swap3A_687 = arith.constant 128 : index
        %swap3A_688 = tpu.vector_load %arg25[%swap3A_687] {strides = array<i32>} : memref<256xf32, #tpu.memory_space<vmem>>, vector<16xf32>,
        tpu.vector_store %arg25[%swap3A_687], %add3A_686 {strides = array<i32>} : memref<256xf32, #tpu.memory_space<vmem>>, vector<16xf32>,
        %add3A_689 = arith.constant 128 : i32
        %add3A_690 = vector.broadcast %add3A_689 : i32 to vector<16xi32>
        %add3A_691 = arith.addi %get3A_33, %add3A_690 : vector<16xi32>
        %gather3A_692 = tpu.vector_load_idx %arg25[%add3A_691] : memref<256xf32, #tpu.memory_space<vmem>>[vector<16xi32>], vector<16xf32>,
        %add3A_693 = arith.addf %add3A_686, %gather3A_692 : vector<16xf32>
        %swap3A_694 = arith.constant 128 : index
        %swap3A_695 = tpu.vector_load %arg25[%swap3A_694] {strides = array<i32>} : memref<256xf32, #tpu.memory_space<vmem>>, vector<16xf32>,
        tpu.vector_store %arg25[%swap3A_694], %add3A_693 {strides = array<i32>} : memref<256xf32, #tpu.memory_space<vmem>>, vector<16xf32>,
        %add3A_696 = arith.constant 128 : i32
        %add3A_697 = vector.broadcast %add3A_696 : i32 to vector<16xi32>
        %add3A_698 = arith.addi %get3A_35, %add3A_697 : vector<16xi32>
        %gather3A_699 = tpu.vector_load_idx %arg25[%add3A_698] : memref<256xf32, #tpu.memory_space<vmem>>[vector<16xi32>], vector<16xf32>,
        %add3A_700 = arith.addf %add3A_693, %gather3A_699 : vector<16xf32>
        %swap3A_701 = arith.constant 128 : index
        %swap3A_702 = tpu.vector_load %arg25[%swap3A_701] {strides = array<i32>} : memref<256xf32, #tpu.memory_space<vmem>>, vector<16xf32>,
        tpu.vector_store %arg25[%swap3A_701], %add3A_700 {strides = array<i32>} : memref<256xf32, #tpu.memory_space<vmem>>, vector<16xf32>,
        %add3A_703 = arith.constant 128 : i32
        %add3A_704 = vector.broadcast %add3A_703 : i32 to vector<16xi32>
        %add3A_705 = arith.addi %get3A_37, %add3A_704 : vector<16xi32>
        %gather3A_706 = tpu.vector_load_idx %arg25[%add3A_705] : memref<256xf32, #tpu.memory_space<vmem>>[vector<16xi32>], vector<16xf32>,
        %add3A_707 = arith.addf %add3A_700, %gather3A_706 : vector<16xf32>
        %swap3A_708 = arith.constant 128 : index
        %swap3A_709 = tpu.vector_load %arg25[%swap3A_708] {strides = array<i32>} : memref<256xf32, #tpu.memory_space<vmem>>, vector<16xf32>,
        tpu.vector_store %arg25[%swap3A_708], %add3A_707 {strides = array<i32>} : memref<256xf32, #tpu.memory_space<vmem>>, vector<16xf32>,
        %add3A_710 = arith.constant 128 : i32
        %add3A_711 = vector.broadcast %add3A_710 : i32 to vector<16xi32>
        %add3A_712 = arith.addi %get3A_39, %add3A_711 : vector<16xi32>
        %gather3A_713 = tpu.vector_load_idx %arg25[%add3A_712] : memref<256xf32, #tpu.memory_space<vmem>>[vector<16xi32>], vector<16xf32>,
        %add3A_714 = arith.addf %add3A_707, %gather3A_713 : vector<16xf32>
        %exp3A_715 = math.exp %add3A_714 : vector<16xf32>
        %mul3A_716 = arith.mulf %get3A_664, %exp3A_715 : vector<16xf32>
        %swap3A_717 = arith.index_cast %add3A_661 : i32 to index
        %swap3A_718 = arith.constant 0 : index
        %swap3A_719 = tpu.vector_load %arg20[%swap3A_717, %swap3A_718] {strides = array<i32>} : memref<64x128xf32, #tpu.memory_space<vmem>>, vector<16xf32>,
        tpu.vector_store %arg20[%swap3A_717, %swap3A_718], %mul3A_716 {strides = array<i32>} : memref<64x128xf32, #tpu.memory_space<vmem>>, vector<16xf32>,
        %mul3A_720 = arith.mulf %get3A_667, %exp3A_715 : vector<16xf32>
        %swap3A_721 = arith.index_cast %add3A_661 : i32 to index
        %swap3A_722 = arith.constant 16 : index
        %swap3A_723 = tpu.vector_load %arg20[%swap3A_721, %swap3A_722] {strides = array<i32>} : memref<64x128xf32, #tpu.memory_space<vmem>>, vector<16xf32>,
        tpu.vector_store %arg20[%swap3A_721, %swap3A_722], %mul3A_720 {strides = array<i32>} : memref<64x128xf32, #tpu.memory_space<vmem>>, vector<16xf32>,
        %mul3A_724 = arith.mulf %exp3A_715, %get3A_25 : vector<16xf32>
        %get3A_725 = arith.index_cast %add3A_661 : i32 to index
        %get3A_726 = arith.constant 32 : index
        %get3A_727 = tpu.vector_load %arg18[%get3A_725, %get3A_726] {strides = array<i32>} : memref<64x128xf32, #tpu.memory_space<vmem>>, vector<16xf32>,
        %get3A_728 = arith.index_cast %add3A_661 : i32 to index
        %get3A_729 = arith.constant 48 : index
        %get3A_730 = tpu.vector_load %arg18[%get3A_728, %get3A_729] {strides = array<i32>} : memref<64x128xf32, #tpu.memory_space<vmem>>, vector<16xf32>,
        %get3A_731 = arith.index_cast %add3A_661 : i32 to index
        %get3A_732 = arith.constant 32 : index
        %get3A_733 = tpu.vector_load %arg19[%get3A_731, %get3A_732] {strides = array<i32>} : memref<64x128xf32, #tpu.memory_space<vmem>>, vector<16xf32>,
        %add3A_734 = arith.addf %get3A_727, %get3A_733 : vector<16xf32>
        %get3A_735 = arith.index_cast %add3A_661 : i32 to index
        %get3A_736 = arith.constant 48 : index
        %get3A_737 = tpu.vector_load %arg19[%get3A_735, %get3A_736] {strides = array<i32>} : memref<64x128xf32, #tpu.memory_space<vmem>>, vector<16xf32>,
        %add3A_738 = arith.addf %get3A_730, %get3A_737 : vector<16xf32>
        %mul3A_739 = arith.constant 2.000000e-01 : f32
        %mul3A_740 = vector.broadcast %mul3A_739 : f32 to vector<16xf32>
        %mul3A_741 = arith.mulf %add3A_734, %mul3A_740 : vector<16xf32>
        %max3A_742 = arith.maximumf %add3A_734, %mul3A_741 : vector<16xf32>
        %mul3A_743 = arith.constant 2.000000e-01 : f32
        %mul3A_744 = vector.broadcast %mul3A_743 : f32 to vector<16xf32>
        %mul3A_745 = arith.mulf %add3A_738, %mul3A_744 : vector<16xf32>
        %max3A_746 = arith.maximumf %add3A_738, %mul3A_745 : vector<16xf32>
        %mul3A_747 = arith.mulf %max3A_742, %get3A_13 : vector<16xf32>
        %mul3A_748 = arith.mulf %max3A_746, %get3A_15 : vector<16xf32>
        %add3A_749 = arith.addf %mul3A_747, %mul3A_748 : vector<16xf32>
        %swap3A_750 = arith.constant 144 : index
        %swap3A_751 = tpu.vector_load %arg25[%swap3A_750] {strides = array<i32>} : memref<256xf32, #tpu.memory_space<vmem>>, vector<16xf32>,
        tpu.vector_store %arg25[%swap3A_750], %add3A_749 {strides = array<i32>} : memref<256xf32, #tpu.memory_space<vmem>>, vector<16xf32>,
        %add3A_752 = arith.constant 144 : i32
        %add3A_753 = vector.broadcast %add3A_752 : i32 to vector<16xi32>
        %add3A_754 = arith.addi %get3A_33, %add3A_753 : vector<16xi32>
        %gather3A_755 = tpu.vector_load_idx %arg25[%add3A_754] : memref<256xf32, #tpu.memory_space<vmem>>[vector<16xi32>], vector<16xf32>,
        %add3A_756 = arith.addf %add3A_749, %gather3A_755 : vector<16xf32>
        %swap3A_757 = arith.constant 144 : index
        %swap3A_758 = tpu.vector_load %arg25[%swap3A_757] {strides = array<i32>} : memref<256xf32, #tpu.memory_space<vmem>>, vector<16xf32>,
        tpu.vector_store %arg25[%swap3A_757], %add3A_756 {strides = array<i32>} : memref<256xf32, #tpu.memory_space<vmem>>, vector<16xf32>,
        %add3A_759 = arith.constant 144 : i32
        %add3A_760 = vector.broadcast %add3A_759 : i32 to vector<16xi32>
        %add3A_761 = arith.addi %get3A_35, %add3A_760 : vector<16xi32>
        %gather3A_762 = tpu.vector_load_idx %arg25[%add3A_761] : memref<256xf32, #tpu.memory_space<vmem>>[vector<16xi32>], vector<16xf32>,
        %add3A_763 = arith.addf %add3A_756, %gather3A_762 : vector<16xf32>
        %swap3A_764 = arith.constant 144 : index
        %swap3A_765 = tpu.vector_load %arg25[%swap3A_764] {strides = array<i32>} : memref<256xf32, #tpu.memory_space<vmem>>, vector<16xf32>,
        tpu.vector_store %arg25[%swap3A_764], %add3A_763 {strides = array<i32>} : memref<256xf32, #tpu.memory_space<vmem>>, vector<16xf32>,
        %add3A_766 = arith.constant 144 : i32
        %add3A_767 = vector.broadcast %add3A_766 : i32 to vector<16xi32>
        %add3A_768 = arith.addi %get3A_37, %add3A_767 : vector<16xi32>
        %gather3A_769 = tpu.vector_load_idx %arg25[%add3A_768] : memref<256xf32, #tpu.memory_space<vmem>>[vector<16xi32>], vector<16xf32>,
        %add3A_770 = arith.addf %add3A_763, %gather3A_769 : vector<16xf32>
        %swap3A_771 = arith.constant 144 : index
        %swap3A_772 = tpu.vector_load %arg25[%swap3A_771] {strides = array<i32>} : memref<256xf32, #tpu.memory_space<vmem>>, vector<16xf32>,
        tpu.vector_store %arg25[%swap3A_771], %add3A_770 {strides = array<i32>} : memref<256xf32, #tpu.memory_space<vmem>>, vector<16xf32>,
        %add3A_773 = arith.constant 144 : i32
        %add3A_774 = vector.broadcast %add3A_773 : i32 to vector<16xi32>
        %add3A_775 = arith.addi %get3A_39, %add3A_774 : vector<16xi32>
        %gather3A_776 = tpu.vector_load_idx %arg25[%add3A_775] : memref<256xf32, #tpu.memory_space<vmem>>[vector<16xi32>], vector<16xf32>,
        %add3A_777 = arith.addf %add3A_770, %gather3A_776 : vector<16xf32>
        %exp3A_778 = math.exp %add3A_777 : vector<16xf32>
        %mul3A_779 = arith.mulf %get3A_727, %exp3A_778 : vector<16xf32>
        %swap3A_780 = arith.index_cast %add3A_661 : i32 to index
        %swap3A_781 = arith.constant 32 : index
        %swap3A_782 = tpu.vector_load %arg20[%swap3A_780, %swap3A_781] {strides = array<i32>} : memref<64x128xf32, #tpu.memory_space<vmem>>, vector<16xf32>,
        tpu.vector_store %arg20[%swap3A_780, %swap3A_781], %mul3A_779 {strides = array<i32>} : memref<64x128xf32, #tpu.memory_space<vmem>>, vector<16xf32>,
        %mul3A_783 = arith.mulf %get3A_730, %exp3A_778 : vector<16xf32>
        %swap3A_784 = arith.index_cast %add3A_661 : i32 to index
        %swap3A_785 = arith.constant 48 : index
        %swap3A_786 = tpu.vector_load %arg20[%swap3A_784, %swap3A_785] {strides = array<i32>} : memref<64x128xf32, #tpu.memory_space<vmem>>, vector<16xf32>,
        tpu.vector_store %arg20[%swap3A_784, %swap3A_785], %mul3A_783 {strides = array<i32>} : memref<64x128xf32, #tpu.memory_space<vmem>>, vector<16xf32>,
        %mul3A_787 = arith.mulf %exp3A_778, %get3A_27 : vector<16xf32>
        %add3A_788 = arith.addf %mul3A_724, %mul3A_787 : vector<16xf32>
        %get3A_789 = arith.index_cast %add3A_661 : i32 to index
        %get3A_790 = arith.constant 64 : index
        %get3A_791 = tpu.vector_load %arg18[%get3A_789, %get3A_790] {strides = array<i32>} : memref<64x128xf32, #tpu.memory_space<vmem>>, vector<16xf32>,
        %get3A_792 = arith.index_cast %add3A_661 : i32 to index
        %get3A_793 = arith.constant 80 : index
        %get3A_794 = tpu.vector_load %arg18[%get3A_792, %get3A_793] {strides = array<i32>} : memref<64x128xf32, #tpu.memory_space<vmem>>, vector<16xf32>,
        %get3A_795 = arith.index_cast %add3A_661 : i32 to index
        %get3A_796 = arith.constant 64 : index
        %get3A_797 = tpu.vector_load %arg19[%get3A_795, %get3A_796] {strides = array<i32>} : memref<64x128xf32, #tpu.memory_space<vmem>>, vector<16xf32>,
        %add3A_798 = arith.addf %get3A_791, %get3A_797 : vector<16xf32>
        %get3A_799 = arith.index_cast %add3A_661 : i32 to index
        %get3A_800 = arith.constant 80 : index
        %get3A_801 = tpu.vector_load %arg19[%get3A_799, %get3A_800] {strides = array<i32>} : memref<64x128xf32, #tpu.memory_space<vmem>>, vector<16xf32>,
        %add3A_802 = arith.addf %get3A_794, %get3A_801 : vector<16xf32>
        %mul3A_803 = arith.constant 2.000000e-01 : f32
        %mul3A_804 = vector.broadcast %mul3A_803 : f32 to vector<16xf32>
        %mul3A_805 = arith.mulf %add3A_798, %mul3A_804 : vector<16xf32>
        %max3A_806 = arith.maximumf %add3A_798, %mul3A_805 : vector<16xf32>
        %mul3A_807 = arith.constant 2.000000e-01 : f32
        %mul3A_808 = vector.broadcast %mul3A_807 : f32 to vector<16xf32>
        %mul3A_809 = arith.mulf %add3A_802, %mul3A_808 : vector<16xf32>
        %max3A_810 = arith.maximumf %add3A_802, %mul3A_809 : vector<16xf32>
        %mul3A_811 = arith.mulf %max3A_806, %get3A_17 : vector<16xf32>
        %mul3A_812 = arith.mulf %max3A_810, %get3A_19 : vector<16xf32>
        %add3A_813 = arith.addf %mul3A_811, %mul3A_812 : vector<16xf32>
        %swap3A_814 = arith.constant 160 : index
        %swap3A_815 = tpu.vector_load %arg25[%swap3A_814] {strides = array<i32>} : memref<256xf32, #tpu.memory_space<vmem>>, vector<16xf32>,
        tpu.vector_store %arg25[%swap3A_814], %add3A_813 {strides = array<i32>} : memref<256xf32, #tpu.memory_space<vmem>>, vector<16xf32>,
        %add3A_816 = arith.constant 160 : i32
        %add3A_817 = vector.broadcast %add3A_816 : i32 to vector<16xi32>
        %add3A_818 = arith.addi %get3A_33, %add3A_817 : vector<16xi32>
        %gather3A_819 = tpu.vector_load_idx %arg25[%add3A_818] : memref<256xf32, #tpu.memory_space<vmem>>[vector<16xi32>], vector<16xf32>,
        %add3A_820 = arith.addf %add3A_813, %gather3A_819 : vector<16xf32>
        %swap3A_821 = arith.constant 160 : index
        %swap3A_822 = tpu.vector_load %arg25[%swap3A_821] {strides = array<i32>} : memref<256xf32, #tpu.memory_space<vmem>>, vector<16xf32>,
        tpu.vector_store %arg25[%swap3A_821], %add3A_820 {strides = array<i32>} : memref<256xf32, #tpu.memory_space<vmem>>, vector<16xf32>,
        %add3A_823 = arith.constant 160 : i32
        %add3A_824 = vector.broadcast %add3A_823 : i32 to vector<16xi32>
        %add3A_825 = arith.addi %get3A_35, %add3A_824 : vector<16xi32>
        %gather3A_826 = tpu.vector_load_idx %arg25[%add3A_825] : memref<256xf32, #tpu.memory_space<vmem>>[vector<16xi32>], vector<16xf32>,
        %add3A_827 = arith.addf %add3A_820, %gather3A_826 : vector<16xf32>
        %swap3A_828 = arith.constant 160 : index
        %swap3A_829 = tpu.vector_load %arg25[%swap3A_828] {strides = array<i32>} : memref<256xf32, #tpu.memory_space<vmem>>, vector<16xf32>,
        tpu.vector_store %arg25[%swap3A_828], %add3A_827 {strides = array<i32>} : memref<256xf32, #tpu.memory_space<vmem>>, vector<16xf32>,
        %add3A_830 = arith.constant 160 : i32
        %add3A_831 = vector.broadcast %add3A_830 : i32 to vector<16xi32>
        %add3A_832 = arith.addi %get3A_37, %add3A_831 : vector<16xi32>
        %gather3A_833 = tpu.vector_load_idx %arg25[%add3A_832] : memref<256xf32, #tpu.memory_space<vmem>>[vector<16xi32>], vector<16xf32>,
        %add3A_834 = arith.addf %add3A_827, %gather3A_833 : vector<16xf32>
        %swap3A_835 = arith.constant 160 : index
        %swap3A_836 = tpu.vector_load %arg25[%swap3A_835] {strides = array<i32>} : memref<256xf32, #tpu.memory_space<vmem>>, vector<16xf32>,
        tpu.vector_store %arg25[%swap3A_835], %add3A_834 {strides = array<i32>} : memref<256xf32, #tpu.memory_space<vmem>>, vector<16xf32>,
        %add3A_837 = arith.constant 160 : i32
        %add3A_838 = vector.broadcast %add3A_837 : i32 to vector<16xi32>
        %add3A_839 = arith.addi %get3A_39, %add3A_838 : vector<16xi32>
        %gather3A_840 = tpu.vector_load_idx %arg25[%add3A_839] : memref<256xf32, #tpu.memory_space<vmem>>[vector<16xi32>], vector<16xf32>,
        %add3A_841 = arith.addf %add3A_834, %gather3A_840 : vector<16xf32>
        %exp3A_842 = math.exp %add3A_841 : vector<16xf32>
        %mul3A_843 = arith.mulf %get3A_791, %exp3A_842 : vector<16xf32>
        %swap3A_844 = arith.index_cast %add3A_661 : i32 to index
        %swap3A_845 = arith.constant 64 : index
        %swap3A_846 = tpu.vector_load %arg20[%swap3A_844, %swap3A_845] {strides = array<i32>} : memref<64x128xf32, #tpu.memory_space<vmem>>, vector<16xf32>,
        tpu.vector_store %arg20[%swap3A_844, %swap3A_845], %mul3A_843 {strides = array<i32>} : memref<64x128xf32, #tpu.memory_space<vmem>>, vector<16xf32>,
        %mul3A_847 = arith.mulf %get3A_794, %exp3A_842 : vector<16xf32>
        %swap3A_848 = arith.index_cast %add3A_661 : i32 to index
        %swap3A_849 = arith.constant 80 : index
        %swap3A_850 = tpu.vector_load %arg20[%swap3A_848, %swap3A_849] {strides = array<i32>} : memref<64x128xf32, #tpu.memory_space<vmem>>, vector<16xf32>,
        tpu.vector_store %arg20[%swap3A_848, %swap3A_849], %mul3A_847 {strides = array<i32>} : memref<64x128xf32, #tpu.memory_space<vmem>>, vector<16xf32>,
        %mul3A_851 = arith.mulf %exp3A_842, %get3A_29 : vector<16xf32>
        %add3A_852 = arith.addf %add3A_788, %mul3A_851 : vector<16xf32>
        %get3A_853 = arith.index_cast %add3A_661 : i32 to index
        %get3A_854 = arith.constant 96 : index
        %get3A_855 = tpu.vector_load %arg18[%get3A_853, %get3A_854] {strides = array<i32>} : memref<64x128xf32, #tpu.memory_space<vmem>>, vector<16xf32>,
        %get3A_856 = arith.index_cast %add3A_661 : i32 to index
        %get3A_857 = arith.constant 112 : index
        %get3A_858 = tpu.vector_load %arg18[%get3A_856, %get3A_857] {strides = array<i32>} : memref<64x128xf32, #tpu.memory_space<vmem>>, vector<16xf32>,
        %get3A_859 = arith.index_cast %add3A_661 : i32 to index
        %get3A_860 = arith.constant 96 : index
        %get3A_861 = tpu.vector_load %arg19[%get3A_859, %get3A_860] {strides = array<i32>} : memref<64x128xf32, #tpu.memory_space<vmem>>, vector<16xf32>,
        %add3A_862 = arith.addf %get3A_855, %get3A_861 : vector<16xf32>
        %get3A_863 = arith.index_cast %add3A_661 : i32 to index
        %get3A_864 = arith.constant 112 : index
        %get3A_865 = tpu.vector_load %arg19[%get3A_863, %get3A_864] {strides = array<i32>} : memref<64x128xf32, #tpu.memory_space<vmem>>, vector<16xf32>,
        %add3A_866 = arith.addf %get3A_858, %get3A_865 : vector<16xf32>
        %mul3A_867 = arith.constant 2.000000e-01 : f32
        %mul3A_868 = vector.broadcast %mul3A_867 : f32 to vector<16xf32>
        %mul3A_869 = arith.mulf %add3A_862, %mul3A_868 : vector<16xf32>
        %max3A_870 = arith.maximumf %add3A_862, %mul3A_869 : vector<16xf32>
        %mul3A_871 = arith.constant 2.000000e-01 : f32
        %mul3A_872 = vector.broadcast %mul3A_871 : f32 to vector<16xf32>
        %mul3A_873 = arith.mulf %add3A_866, %mul3A_872 : vector<16xf32>
        %max3A_874 = arith.maximumf %add3A_866, %mul3A_873 : vector<16xf32>
        %mul3A_875 = arith.mulf %max3A_870, %get3A_21 : vector<16xf32>
        %mul3A_876 = arith.mulf %max3A_874, %get3A_23 : vector<16xf32>
        %add3A_877 = arith.addf %mul3A_875, %mul3A_876 : vector<16xf32>
        %swap3A_878 = arith.constant 176 : index
        %swap3A_879 = tpu.vector_load %arg25[%swap3A_878] {strides = array<i32>} : memref<256xf32, #tpu.memory_space<vmem>>, vector<16xf32>,
        tpu.vector_store %arg25[%swap3A_878], %add3A_877 {strides = array<i32>} : memref<256xf32, #tpu.memory_space<vmem>>, vector<16xf32>,
        %add3A_880 = arith.constant 176 : i32
        %add3A_881 = vector.broadcast %add3A_880 : i32 to vector<16xi32>
        %add3A_882 = arith.addi %get3A_33, %add3A_881 : vector<16xi32>
        %gather3A_883 = tpu.vector_load_idx %arg25[%add3A_882] : memref<256xf32, #tpu.memory_space<vmem>>[vector<16xi32>], vector<16xf32>,
        %add3A_884 = arith.addf %add3A_877, %gather3A_883 : vector<16xf32>
        %swap3A_885 = arith.constant 176 : index
        %swap3A_886 = tpu.vector_load %arg25[%swap3A_885] {strides = array<i32>} : memref<256xf32, #tpu.memory_space<vmem>>, vector<16xf32>,
        tpu.vector_store %arg25[%swap3A_885], %add3A_884 {strides = array<i32>} : memref<256xf32, #tpu.memory_space<vmem>>, vector<16xf32>,
        %add3A_887 = arith.constant 176 : i32
        %add3A_888 = vector.broadcast %add3A_887 : i32 to vector<16xi32>
        %add3A_889 = arith.addi %get3A_35, %add3A_888 : vector<16xi32>
        %gather3A_890 = tpu.vector_load_idx %arg25[%add3A_889] : memref<256xf32, #tpu.memory_space<vmem>>[vector<16xi32>], vector<16xf32>,
        %add3A_891 = arith.addf %add3A_884, %gather3A_890 : vector<16xf32>
        %swap3A_892 = arith.constant 176 : index
        %swap3A_893 = tpu.vector_load %arg25[%swap3A_892] {strides = array<i32>} : memref<256xf32, #tpu.memory_space<vmem>>, vector<16xf32>,
        tpu.vector_store %arg25[%swap3A_892], %add3A_891 {strides = array<i32>} : memref<256xf32, #tpu.memory_space<vmem>>, vector<16xf32>,
        %add3A_894 = arith.constant 176 : i32
        %add3A_895 = vector.broadcast %add3A_894 : i32 to vector<16xi32>
        %add3A_896 = arith.addi %get3A_37, %add3A_895 : vector<16xi32>
        %gather3A_897 = tpu.vector_load_idx %arg25[%add3A_896] : memref<256xf32, #tpu.memory_space<vmem>>[vector<16xi32>], vector<16xf32>,
        %add3A_898 = arith.addf %add3A_891, %gather3A_897 : vector<16xf32>
        %swap3A_899 = arith.constant 176 : index
        %swap3A_900 = tpu.vector_load %arg25[%swap3A_899] {strides = array<i32>} : memref<256xf32, #tpu.memory_space<vmem>>, vector<16xf32>,
        tpu.vector_store %arg25[%swap3A_899], %add3A_898 {strides = array<i32>} : memref<256xf32, #tpu.memory_space<vmem>>, vector<16xf32>,
        %add3A_901 = arith.constant 176 : i32
        %add3A_902 = vector.broadcast %add3A_901 : i32 to vector<16xi32>
        %add3A_903 = arith.addi %get3A_39, %add3A_902 : vector<16xi32>
        %gather3A_904 = tpu.vector_load_idx %arg25[%add3A_903] : memref<256xf32, #tpu.memory_space<vmem>>[vector<16xi32>], vector<16xf32>,
        %add3A_905 = arith.addf %add3A_898, %gather3A_904 : vector<16xf32>
        %exp3A_906 = math.exp %add3A_905 : vector<16xf32>
        %mul3A_907 = arith.mulf %get3A_855, %exp3A_906 : vector<16xf32>
        %swap3A_908 = arith.index_cast %add3A_661 : i32 to index
        %swap3A_909 = arith.constant 96 : index
        %swap3A_910 = tpu.vector_load %arg20[%swap3A_908, %swap3A_909] {strides = array<i32>} : memref<64x128xf32, #tpu.memory_space<vmem>>, vector<16xf32>,
        tpu.vector_store %arg20[%swap3A_908, %swap3A_909], %mul3A_907 {strides = array<i32>} : memref<64x128xf32, #tpu.memory_space<vmem>>, vector<16xf32>,
        %mul3A_911 = arith.mulf %get3A_858, %exp3A_906 : vector<16xf32>
        %swap3A_912 = arith.index_cast %add3A_661 : i32 to index
        %swap3A_913 = arith.constant 112 : index
        %swap3A_914 = tpu.vector_load %arg20[%swap3A_912, %swap3A_913] {strides = array<i32>} : memref<64x128xf32, #tpu.memory_space<vmem>>, vector<16xf32>,
        tpu.vector_store %arg20[%swap3A_912, %swap3A_913], %mul3A_911 {strides = array<i32>} : memref<64x128xf32, #tpu.memory_space<vmem>>, vector<16xf32>,
        %mul3A_915 = arith.mulf %exp3A_906, %get3A_31 : vector<16xf32>
        %add3A_916 = arith.addf %add3A_852, %mul3A_915 : vector<16xf32>
        %get3A_917 = arith.index_cast %add3A_661 : i32 to index
        %get3A_918 = tpu.vector_load %arg16[%get3A_917] {strides = array<i32>} : memref<80xi32, #tpu.memory_space<vmem>>, vector<16xi32>,
        %slice3A_919 = vector.extract_strided_slice %get3A_918 {offsets = [0], sizes = [1], strides = [1]} : vector<16xi32> to vector<1xi32>
        %squeeze3A_920 = vector.extract %slice3A_919[0] : i32 from vector<1xi32>
        %and3A_921 = arith.constant 7 : i32
        %and3A_922 = arith.andi %squeeze3A_920, %and3A_921 : i32
        %mul3A_923 = arith.constant 16 : i32
        %mul3A_924 = arith.muli %and3A_922, %mul3A_923 : i32
        %swap3A_925 = arith.index_cast %add3A_661 : i32 to index
        %swap3A_926 = arith.index_cast %mul3A_924 : i32 to index
        %swap3A_927 = tpu.vector_load %arg21[%swap3A_925, %swap3A_926] {strides = array<i32>} : memref<64x128xf32, #tpu.memory_space<vmem>>, vector<16xf32>,
        tpu.vector_store %arg21[%swap3A_925, %swap3A_926], %add3A_916 {strides = array<i32>} : memref<64x128xf32, #tpu.memory_space<vmem>>, vector<16xf32>,
        %mul3A_928 = arith.constant 4 : i32
        %mul3A_929 = arith.muli %scan3A_123, %mul3A_928 : i32
        %add3A_930 = arith.constant 3 : i32
        %add3A_931 = arith.addi %mul3A_929, %add3A_930 : i32
        %get3A_932 = arith.index_cast %add3A_931 : i32 to index
        %get3A_933 = arith.constant 0 : index
        %get3A_934 = tpu.vector_load %arg18[%get3A_932, %get3A_933] {strides = array<i32>} : memref<64x128xf32, #tpu.memory_space<vmem>>, vector<16xf32>,
        %get3A_935 = arith.index_cast %add3A_931 : i32 to index
        %get3A_936 = arith.constant 16 : index
        %get3A_937 = tpu.vector_load %arg18[%get3A_935, %get3A_936] {strides = array<i32>} : memref<64x128xf32, #tpu.memory_space<vmem>>, vector<16xf32>,
        %get3A_938 = arith.index_cast %add3A_931 : i32 to index
        %get3A_939 = arith.constant 0 : index
        %get3A_940 = tpu.vector_load %arg19[%get3A_938, %get3A_939] {strides = array<i32>} : memref<64x128xf32, #tpu.memory_space<vmem>>, vector<16xf32>,
        %add3A_941 = arith.addf %get3A_934, %get3A_940 : vector<16xf32>
        %get3A_942 = arith.index_cast %add3A_931 : i32 to index
        %get3A_943 = arith.constant 16 : index
        %get3A_944 = tpu.vector_load %arg19[%get3A_942, %get3A_943] {strides = array<i32>} : memref<64x128xf32, #tpu.memory_space<vmem>>, vector<16xf32>,
        %add3A_945 = arith.addf %get3A_937, %get3A_944 : vector<16xf32>
        %mul3A_946 = arith.constant 2.000000e-01 : f32
        %mul3A_947 = vector.broadcast %mul3A_946 : f32 to vector<16xf32>
        %mul3A_948 = arith.mulf %add3A_941, %mul3A_947 : vector<16xf32>
        %max3A_949 = arith.maximumf %add3A_941, %mul3A_948 : vector<16xf32>
        %mul3A_950 = arith.constant 2.000000e-01 : f32
        %mul3A_951 = vector.broadcast %mul3A_950 : f32 to vector<16xf32>
        %mul3A_952 = arith.mulf %add3A_945, %mul3A_951 : vector<16xf32>
        %max3A_953 = arith.maximumf %add3A_945, %mul3A_952 : vector<16xf32>
        %mul3A_954 = arith.mulf %max3A_949, %get3A_9 : vector<16xf32>
        %mul3A_955 = arith.mulf %max3A_953, %get3A_11 : vector<16xf32>
        %add3A_956 = arith.addf %mul3A_954, %mul3A_955 : vector<16xf32>
        %swap3A_957 = arith.constant 192 : index
        %swap3A_958 = tpu.vector_load %arg25[%swap3A_957] {strides = array<i32>} : memref<256xf32, #tpu.memory_space<vmem>>, vector<16xf32>,
        tpu.vector_store %arg25[%swap3A_957], %add3A_956 {strides = array<i32>} : memref<256xf32, #tpu.memory_space<vmem>>, vector<16xf32>,
        %add3A_959 = arith.constant 192 : i32
        %add3A_960 = vector.broadcast %add3A_959 : i32 to vector<16xi32>
        %add3A_961 = arith.addi %get3A_33, %add3A_960 : vector<16xi32>
        %gather3A_962 = tpu.vector_load_idx %arg25[%add3A_961] : memref<256xf32, #tpu.memory_space<vmem>>[vector<16xi32>], vector<16xf32>,
        %add3A_963 = arith.addf %add3A_956, %gather3A_962 : vector<16xf32>
        %swap3A_964 = arith.constant 192 : index
        %swap3A_965 = tpu.vector_load %arg25[%swap3A_964] {strides = array<i32>} : memref<256xf32, #tpu.memory_space<vmem>>, vector<16xf32>,
        tpu.vector_store %arg25[%swap3A_964], %add3A_963 {strides = array<i32>} : memref<256xf32, #tpu.memory_space<vmem>>, vector<16xf32>,
        %add3A_966 = arith.constant 192 : i32
        %add3A_967 = vector.broadcast %add3A_966 : i32 to vector<16xi32>
        %add3A_968 = arith.addi %get3A_35, %add3A_967 : vector<16xi32>
        %gather3A_969 = tpu.vector_load_idx %arg25[%add3A_968] : memref<256xf32, #tpu.memory_space<vmem>>[vector<16xi32>], vector<16xf32>,
        %add3A_970 = arith.addf %add3A_963, %gather3A_969 : vector<16xf32>
        %swap3A_971 = arith.constant 192 : index
        %swap3A_972 = tpu.vector_load %arg25[%swap3A_971] {strides = array<i32>} : memref<256xf32, #tpu.memory_space<vmem>>, vector<16xf32>,
        tpu.vector_store %arg25[%swap3A_971], %add3A_970 {strides = array<i32>} : memref<256xf32, #tpu.memory_space<vmem>>, vector<16xf32>,
        %add3A_973 = arith.constant 192 : i32
        %add3A_974 = vector.broadcast %add3A_973 : i32 to vector<16xi32>
        %add3A_975 = arith.addi %get3A_37, %add3A_974 : vector<16xi32>
        %gather3A_976 = tpu.vector_load_idx %arg25[%add3A_975] : memref<256xf32, #tpu.memory_space<vmem>>[vector<16xi32>], vector<16xf32>,
        %add3A_977 = arith.addf %add3A_970, %gather3A_976 : vector<16xf32>
        %swap3A_978 = arith.constant 192 : index
        %swap3A_979 = tpu.vector_load %arg25[%swap3A_978] {strides = array<i32>} : memref<256xf32, #tpu.memory_space<vmem>>, vector<16xf32>,
        tpu.vector_store %arg25[%swap3A_978], %add3A_977 {strides = array<i32>} : memref<256xf32, #tpu.memory_space<vmem>>, vector<16xf32>,
        %add3A_980 = arith.constant 192 : i32
        %add3A_981 = vector.broadcast %add3A_980 : i32 to vector<16xi32>
        %add3A_982 = arith.addi %get3A_39, %add3A_981 : vector<16xi32>
        %gather3A_983 = tpu.vector_load_idx %arg25[%add3A_982] : memref<256xf32, #tpu.memory_space<vmem>>[vector<16xi32>], vector<16xf32>,
        %add3A_984 = arith.addf %add3A_977, %gather3A_983 : vector<16xf32>
        %exp3A_985 = math.exp %add3A_984 : vector<16xf32>
        %mul3A_986 = arith.mulf %get3A_934, %exp3A_985 : vector<16xf32>
        %swap3A_987 = arith.index_cast %add3A_931 : i32 to index
        %swap3A_988 = arith.constant 0 : index
        %swap3A_989 = tpu.vector_load %arg20[%swap3A_987, %swap3A_988] {strides = array<i32>} : memref<64x128xf32, #tpu.memory_space<vmem>>, vector<16xf32>,
        tpu.vector_store %arg20[%swap3A_987, %swap3A_988], %mul3A_986 {strides = array<i32>} : memref<64x128xf32, #tpu.memory_space<vmem>>, vector<16xf32>,
        %mul3A_990 = arith.mulf %get3A_937, %exp3A_985 : vector<16xf32>
        %swap3A_991 = arith.index_cast %add3A_931 : i32 to index
        %swap3A_992 = arith.constant 16 : index
        %swap3A_993 = tpu.vector_load %arg20[%swap3A_991, %swap3A_992] {strides = array<i32>} : memref<64x128xf32, #tpu.memory_space<vmem>>, vector<16xf32>,
        tpu.vector_store %arg20[%swap3A_991, %swap3A_992], %mul3A_990 {strides = array<i32>} : memref<64x128xf32, #tpu.memory_space<vmem>>, vector<16xf32>,
        %mul3A_994 = arith.mulf %exp3A_985, %get3A_25 : vector<16xf32>
        %get3A_995 = arith.index_cast %add3A_931 : i32 to index
        %get3A_996 = arith.constant 32 : index
        %get3A_997 = tpu.vector_load %arg18[%get3A_995, %get3A_996] {strides = array<i32>} : memref<64x128xf32, #tpu.memory_space<vmem>>, vector<16xf32>,
        %get3A_998 = arith.index_cast %add3A_931 : i32 to index
        %get3A_999 = arith.constant 48 : index
        %get3A_1000 = tpu.vector_load %arg18[%get3A_998, %get3A_999] {strides = array<i32>} : memref<64x128xf32, #tpu.memory_space<vmem>>, vector<16xf32>,
        %get3A_1001 = arith.index_cast %add3A_931 : i32 to index
        %get3A_1002 = arith.constant 32 : index
        %get3A_1003 = tpu.vector_load %arg19[%get3A_1001, %get3A_1002] {strides = array<i32>} : memref<64x128xf32, #tpu.memory_space<vmem>>, vector<16xf32>,
        %add3A_1004 = arith.addf %get3A_997, %get3A_1003 : vector<16xf32>
        %get3A_1005 = arith.index_cast %add3A_931 : i32 to index
        %get3A_1006 = arith.constant 48 : index
        %get3A_1007 = tpu.vector_load %arg19[%get3A_1005, %get3A_1006] {strides = array<i32>} : memref<64x128xf32, #tpu.memory_space<vmem>>, vector<16xf32>,
        %add3A_1008 = arith.addf %get3A_1000, %get3A_1007 : vector<16xf32>
        %mul3A_1009 = arith.constant 2.000000e-01 : f32
        %mul3A_1010 = vector.broadcast %mul3A_1009 : f32 to vector<16xf32>
        %mul3A_1011 = arith.mulf %add3A_1004, %mul3A_1010 : vector<16xf32>
        %max3A_1012 = arith.maximumf %add3A_1004, %mul3A_1011 : vector<16xf32>
        %mul3A_1013 = arith.constant 2.000000e-01 : f32
        %mul3A_1014 = vector.broadcast %mul3A_1013 : f32 to vector<16xf32>
        %mul3A_1015 = arith.mulf %add3A_1008, %mul3A_1014 : vector<16xf32>
        %max3A_1016 = arith.maximumf %add3A_1008, %mul3A_1015 : vector<16xf32>
        %mul3A_1017 = arith.mulf %max3A_1012, %get3A_13 : vector<16xf32>
        %mul3A_1018 = arith.mulf %max3A_1016, %get3A_15 : vector<16xf32>
        %add3A_1019 = arith.addf %mul3A_1017, %mul3A_1018 : vector<16xf32>
        %swap3A_1020 = arith.constant 208 : index
        %swap3A_1021 = tpu.vector_load %arg25[%swap3A_1020] {strides = array<i32>} : memref<256xf32, #tpu.memory_space<vmem>>, vector<16xf32>,
        tpu.vector_store %arg25[%swap3A_1020], %add3A_1019 {strides = array<i32>} : memref<256xf32, #tpu.memory_space<vmem>>, vector<16xf32>,
        %add3A_1022 = arith.constant 208 : i32
        %add3A_1023 = vector.broadcast %add3A_1022 : i32 to vector<16xi32>
        %add3A_1024 = arith.addi %get3A_33, %add3A_1023 : vector<16xi32>
        %gather3A_1025 = tpu.vector_load_idx %arg25[%add3A_1024] : memref<256xf32, #tpu.memory_space<vmem>>[vector<16xi32>], vector<16xf32>,
        %add3A_1026 = arith.addf %add3A_1019, %gather3A_1025 : vector<16xf32>
        %swap3A_1027 = arith.constant 208 : index
        %swap3A_1028 = tpu.vector_load %arg25[%swap3A_1027] {strides = array<i32>} : memref<256xf32, #tpu.memory_space<vmem>>, vector<16xf32>,
        tpu.vector_store %arg25[%swap3A_1027], %add3A_1026 {strides = array<i32>} : memref<256xf32, #tpu.memory_space<vmem>>, vector<16xf32>,
        %add3A_1029 = arith.constant 208 : i32
        %add3A_1030 = vector.broadcast %add3A_1029 : i32 to vector<16xi32>
        %add3A_1031 = arith.addi %get3A_35, %add3A_1030 : vector<16xi32>
        %gather3A_1032 = tpu.vector_load_idx %arg25[%add3A_1031] : memref<256xf32, #tpu.memory_space<vmem>>[vector<16xi32>], vector<16xf32>,
        %add3A_1033 = arith.addf %add3A_1026, %gather3A_1032 : vector<16xf32>
        %swap3A_1034 = arith.constant 208 : index
        %swap3A_1035 = tpu.vector_load %arg25[%swap3A_1034] {strides = array<i32>} : memref<256xf32, #tpu.memory_space<vmem>>, vector<16xf32>,
        tpu.vector_store %arg25[%swap3A_1034], %add3A_1033 {strides = array<i32>} : memref<256xf32, #tpu.memory_space<vmem>>, vector<16xf32>,
        %add3A_1036 = arith.constant 208 : i32
        %add3A_1037 = vector.broadcast %add3A_1036 : i32 to vector<16xi32>
        %add3A_1038 = arith.addi %get3A_37, %add3A_1037 : vector<16xi32>
        %gather3A_1039 = tpu.vector_load_idx %arg25[%add3A_1038] : memref<256xf32, #tpu.memory_space<vmem>>[vector<16xi32>], vector<16xf32>,
        %add3A_1040 = arith.addf %add3A_1033, %gather3A_1039 : vector<16xf32>
        %swap3A_1041 = arith.constant 208 : index
        %swap3A_1042 = tpu.vector_load %arg25[%swap3A_1041] {strides = array<i32>} : memref<256xf32, #tpu.memory_space<vmem>>, vector<16xf32>,
        tpu.vector_store %arg25[%swap3A_1041], %add3A_1040 {strides = array<i32>} : memref<256xf32, #tpu.memory_space<vmem>>, vector<16xf32>,
        %add3A_1043 = arith.constant 208 : i32
        %add3A_1044 = vector.broadcast %add3A_1043 : i32 to vector<16xi32>
        %add3A_1045 = arith.addi %get3A_39, %add3A_1044 : vector<16xi32>
        %gather3A_1046 = tpu.vector_load_idx %arg25[%add3A_1045] : memref<256xf32, #tpu.memory_space<vmem>>[vector<16xi32>], vector<16xf32>,
        %add3A_1047 = arith.addf %add3A_1040, %gather3A_1046 : vector<16xf32>
        %exp3A_1048 = math.exp %add3A_1047 : vector<16xf32>
        %mul3A_1049 = arith.mulf %get3A_997, %exp3A_1048 : vector<16xf32>
        %swap3A_1050 = arith.index_cast %add3A_931 : i32 to index
        %swap3A_1051 = arith.constant 32 : index
        %swap3A_1052 = tpu.vector_load %arg20[%swap3A_1050, %swap3A_1051] {strides = array<i32>} : memref<64x128xf32, #tpu.memory_space<vmem>>, vector<16xf32>,
        tpu.vector_store %arg20[%swap3A_1050, %swap3A_1051], %mul3A_1049 {strides = array<i32>} : memref<64x128xf32, #tpu.memory_space<vmem>>, vector<16xf32>,
        %mul3A_1053 = arith.mulf %get3A_1000, %exp3A_1048 : vector<16xf32>
        %swap3A_1054 = arith.index_cast %add3A_931 : i32 to index
        %swap3A_1055 = arith.constant 48 : index
        %swap3A_1056 = tpu.vector_load %arg20[%swap3A_1054, %swap3A_1055] {strides = array<i32>} : memref<64x128xf32, #tpu.memory_space<vmem>>, vector<16xf32>,
        tpu.vector_store %arg20[%swap3A_1054, %swap3A_1055], %mul3A_1053 {strides = array<i32>} : memref<64x128xf32, #tpu.memory_space<vmem>>, vector<16xf32>,
        %mul3A_1057 = arith.mulf %exp3A_1048, %get3A_27 : vector<16xf32>
        %add3A_1058 = arith.addf %mul3A_994, %mul3A_1057 : vector<16xf32>
        %get3A_1059 = arith.index_cast %add3A_931 : i32 to index
        %get3A_1060 = arith.constant 64 : index
        %get3A_1061 = tpu.vector_load %arg18[%get3A_1059, %get3A_1060] {strides = array<i32>} : memref<64x128xf32, #tpu.memory_space<vmem>>, vector<16xf32>,
        %get3A_1062 = arith.index_cast %add3A_931 : i32 to index
        %get3A_1063 = arith.constant 80 : index
        %get3A_1064 = tpu.vector_load %arg18[%get3A_1062, %get3A_1063] {strides = array<i32>} : memref<64x128xf32, #tpu.memory_space<vmem>>, vector<16xf32>,
        %get3A_1065 = arith.index_cast %add3A_931 : i32 to index
        %get3A_1066 = arith.constant 64 : index
        %get3A_1067 = tpu.vector_load %arg19[%get3A_1065, %get3A_1066] {strides = array<i32>} : memref<64x128xf32, #tpu.memory_space<vmem>>, vector<16xf32>,
        %add3A_1068 = arith.addf %get3A_1061, %get3A_1067 : vector<16xf32>
        %get3A_1069 = arith.index_cast %add3A_931 : i32 to index
        %get3A_1070 = arith.constant 80 : index
        %get3A_1071 = tpu.vector_load %arg19[%get3A_1069, %get3A_1070] {strides = array<i32>} : memref<64x128xf32, #tpu.memory_space<vmem>>, vector<16xf32>,
        %add3A_1072 = arith.addf %get3A_1064, %get3A_1071 : vector<16xf32>
        %mul3A_1073 = arith.constant 2.000000e-01 : f32
        %mul3A_1074 = vector.broadcast %mul3A_1073 : f32 to vector<16xf32>
        %mul3A_1075 = arith.mulf %add3A_1068, %mul3A_1074 : vector<16xf32>
        %max3A_1076 = arith.maximumf %add3A_1068, %mul3A_1075 : vector<16xf32>
        %mul3A_1077 = arith.constant 2.000000e-01 : f32
        %mul3A_1078 = vector.broadcast %mul3A_1077 : f32 to vector<16xf32>
        %mul3A_1079 = arith.mulf %add3A_1072, %mul3A_1078 : vector<16xf32>
        %max3A_1080 = arith.maximumf %add3A_1072, %mul3A_1079 : vector<16xf32>
        %mul3A_1081 = arith.mulf %max3A_1076, %get3A_17 : vector<16xf32>
        %mul3A_1082 = arith.mulf %max3A_1080, %get3A_19 : vector<16xf32>
        %add3A_1083 = arith.addf %mul3A_1081, %mul3A_1082 : vector<16xf32>
        %swap3A_1084 = arith.constant 224 : index
        %swap3A_1085 = tpu.vector_load %arg25[%swap3A_1084] {strides = array<i32>} : memref<256xf32, #tpu.memory_space<vmem>>, vector<16xf32>,
        tpu.vector_store %arg25[%swap3A_1084], %add3A_1083 {strides = array<i32>} : memref<256xf32, #tpu.memory_space<vmem>>, vector<16xf32>,
        %add3A_1086 = arith.constant 224 : i32
        %add3A_1087 = vector.broadcast %add3A_1086 : i32 to vector<16xi32>
        %add3A_1088 = arith.addi %get3A_33, %add3A_1087 : vector<16xi32>
        %gather3A_1089 = tpu.vector_load_idx %arg25[%add3A_1088] : memref<256xf32, #tpu.memory_space<vmem>>[vector<16xi32>], vector<16xf32>,
        %add3A_1090 = arith.addf %add3A_1083, %gather3A_1089 : vector<16xf32>
        %swap3A_1091 = arith.constant 224 : index
        %swap3A_1092 = tpu.vector_load %arg25[%swap3A_1091] {strides = array<i32>} : memref<256xf32, #tpu.memory_space<vmem>>, vector<16xf32>,
        tpu.vector_store %arg25[%swap3A_1091], %add3A_1090 {strides = array<i32>} : memref<256xf32, #tpu.memory_space<vmem>>, vector<16xf32>,
        %add3A_1093 = arith.constant 224 : i32
        %add3A_1094 = vector.broadcast %add3A_1093 : i32 to vector<16xi32>
        %add3A_1095 = arith.addi %get3A_35, %add3A_1094 : vector<16xi32>
        %gather3A_1096 = tpu.vector_load_idx %arg25[%add3A_1095] : memref<256xf32, #tpu.memory_space<vmem>>[vector<16xi32>], vector<16xf32>,
        %add3A_1097 = arith.addf %add3A_1090, %gather3A_1096 : vector<16xf32>
        %swap3A_1098 = arith.constant 224 : index
        %swap3A_1099 = tpu.vector_load %arg25[%swap3A_1098] {strides = array<i32>} : memref<256xf32, #tpu.memory_space<vmem>>, vector<16xf32>,
        tpu.vector_store %arg25[%swap3A_1098], %add3A_1097 {strides = array<i32>} : memref<256xf32, #tpu.memory_space<vmem>>, vector<16xf32>,
        %add3A_1100 = arith.constant 224 : i32
        %add3A_1101 = vector.broadcast %add3A_1100 : i32 to vector<16xi32>
        %add3A_1102 = arith.addi %get3A_37, %add3A_1101 : vector<16xi32>
        %gather3A_1103 = tpu.vector_load_idx %arg25[%add3A_1102] : memref<256xf32, #tpu.memory_space<vmem>>[vector<16xi32>], vector<16xf32>,
        %add3A_1104 = arith.addf %add3A_1097, %gather3A_1103 : vector<16xf32>
        %swap3A_1105 = arith.constant 224 : index
        %swap3A_1106 = tpu.vector_load %arg25[%swap3A_1105] {strides = array<i32>} : memref<256xf32, #tpu.memory_space<vmem>>, vector<16xf32>,
        tpu.vector_store %arg25[%swap3A_1105], %add3A_1104 {strides = array<i32>} : memref<256xf32, #tpu.memory_space<vmem>>, vector<16xf32>,
        %add3A_1107 = arith.constant 224 : i32
        %add3A_1108 = vector.broadcast %add3A_1107 : i32 to vector<16xi32>
        %add3A_1109 = arith.addi %get3A_39, %add3A_1108 : vector<16xi32>
        %gather3A_1110 = tpu.vector_load_idx %arg25[%add3A_1109] : memref<256xf32, #tpu.memory_space<vmem>>[vector<16xi32>], vector<16xf32>,
        %add3A_1111 = arith.addf %add3A_1104, %gather3A_1110 : vector<16xf32>
        %exp3A_1112 = math.exp %add3A_1111 : vector<16xf32>
        %mul3A_1113 = arith.mulf %get3A_1061, %exp3A_1112 : vector<16xf32>
        %swap3A_1114 = arith.index_cast %add3A_931 : i32 to index
        %swap3A_1115 = arith.constant 64 : index
        %swap3A_1116 = tpu.vector_load %arg20[%swap3A_1114, %swap3A_1115] {strides = array<i32>} : memref<64x128xf32, #tpu.memory_space<vmem>>, vector<16xf32>,
        tpu.vector_store %arg20[%swap3A_1114, %swap3A_1115], %mul3A_1113 {strides = array<i32>} : memref<64x128xf32, #tpu.memory_space<vmem>>, vector<16xf32>,
        %mul3A_1117 = arith.mulf %get3A_1064, %exp3A_1112 : vector<16xf32>
        %swap3A_1118 = arith.index_cast %add3A_931 : i32 to index
        %swap3A_1119 = arith.constant 80 : index
        %swap3A_1120 = tpu.vector_load %arg20[%swap3A_1118, %swap3A_1119] {strides = array<i32>} : memref<64x128xf32, #tpu.memory_space<vmem>>, vector<16xf32>,
        tpu.vector_store %arg20[%swap3A_1118, %swap3A_1119], %mul3A_1117 {strides = array<i32>} : memref<64x128xf32, #tpu.memory_space<vmem>>, vector<16xf32>,
        %mul3A_1121 = arith.mulf %exp3A_1112, %get3A_29 : vector<16xf32>
        %add3A_1122 = arith.addf %add3A_1058, %mul3A_1121 : vector<16xf32>
        %get3A_1123 = arith.index_cast %add3A_931 : i32 to index
        %get3A_1124 = arith.constant 96 : index
        %get3A_1125 = tpu.vector_load %arg18[%get3A_1123, %get3A_1124] {strides = array<i32>} : memref<64x128xf32, #tpu.memory_space<vmem>>, vector<16xf32>,
        %get3A_1126 = arith.index_cast %add3A_931 : i32 to index
        %get3A_1127 = arith.constant 112 : index
        %get3A_1128 = tpu.vector_load %arg18[%get3A_1126, %get3A_1127] {strides = array<i32>} : memref<64x128xf32, #tpu.memory_space<vmem>>, vector<16xf32>,
        %get3A_1129 = arith.index_cast %add3A_931 : i32 to index
        %get3A_1130 = arith.constant 96 : index
        %get3A_1131 = tpu.vector_load %arg19[%get3A_1129, %get3A_1130] {strides = array<i32>} : memref<64x128xf32, #tpu.memory_space<vmem>>, vector<16xf32>,
        %add3A_1132 = arith.addf %get3A_1125, %get3A_1131 : vector<16xf32>
        %get3A_1133 = arith.index_cast %add3A_931 : i32 to index
        %get3A_1134 = arith.constant 112 : index
        %get3A_1135 = tpu.vector_load %arg19[%get3A_1133, %get3A_1134] {strides = array<i32>} : memref<64x128xf32, #tpu.memory_space<vmem>>, vector<16xf32>,
        %add3A_1136 = arith.addf %get3A_1128, %get3A_1135 : vector<16xf32>
        %mul3A_1137 = arith.constant 2.000000e-01 : f32
        %mul3A_1138 = vector.broadcast %mul3A_1137 : f32 to vector<16xf32>
        %mul3A_1139 = arith.mulf %add3A_1132, %mul3A_1138 : vector<16xf32>
        %max3A_1140 = arith.maximumf %add3A_1132, %mul3A_1139 : vector<16xf32>
        %mul3A_1141 = arith.constant 2.000000e-01 : f32
        %mul3A_1142 = vector.broadcast %mul3A_1141 : f32 to vector<16xf32>
        %mul3A_1143 = arith.mulf %add3A_1136, %mul3A_1142 : vector<16xf32>
        %max3A_1144 = arith.maximumf %add3A_1136, %mul3A_1143 : vector<16xf32>
        %mul3A_1145 = arith.mulf %max3A_1140, %get3A_21 : vector<16xf32>
        %mul3A_1146 = arith.mulf %max3A_1144, %get3A_23 : vector<16xf32>
        %add3A_1147 = arith.addf %mul3A_1145, %mul3A_1146 : vector<16xf32>
        %swap3A_1148 = arith.constant 240 : index
        %swap3A_1149 = tpu.vector_load %arg25[%swap3A_1148] {strides = array<i32>} : memref<256xf32, #tpu.memory_space<vmem>>, vector<16xf32>,
        tpu.vector_store %arg25[%swap3A_1148], %add3A_1147 {strides = array<i32>} : memref<256xf32, #tpu.memory_space<vmem>>, vector<16xf32>,
        %add3A_1150 = arith.constant 240 : i32
        %add3A_1151 = vector.broadcast %add3A_1150 : i32 to vector<16xi32>
        %add3A_1152 = arith.addi %get3A_33, %add3A_1151 : vector<16xi32>
        %gather3A_1153 = tpu.vector_load_idx %arg25[%add3A_1152] : memref<256xf32, #tpu.memory_space<vmem>>[vector<16xi32>], vector<16xf32>,
        %add3A_1154 = arith.addf %add3A_1147, %gather3A_1153 : vector<16xf32>
        %swap3A_1155 = arith.constant 240 : index
        %swap3A_1156 = tpu.vector_load %arg25[%swap3A_1155] {strides = array<i32>} : memref<256xf32, #tpu.memory_space<vmem>>, vector<16xf32>,
        tpu.vector_store %arg25[%swap3A_1155], %add3A_1154 {strides = array<i32>} : memref<256xf32, #tpu.memory_space<vmem>>, vector<16xf32>,
        %add3A_1157 = arith.constant 240 : i32
        %add3A_1158 = vector.broadcast %add3A_1157 : i32 to vector<16xi32>
        %add3A_1159 = arith.addi %get3A_35, %add3A_1158 : vector<16xi32>
        %gather3A_1160 = tpu.vector_load_idx %arg25[%add3A_1159] : memref<256xf32, #tpu.memory_space<vmem>>[vector<16xi32>], vector<16xf32>,
        %add3A_1161 = arith.addf %add3A_1154, %gather3A_1160 : vector<16xf32>
        %swap3A_1162 = arith.constant 240 : index
        %swap3A_1163 = tpu.vector_load %arg25[%swap3A_1162] {strides = array<i32>} : memref<256xf32, #tpu.memory_space<vmem>>, vector<16xf32>,
        tpu.vector_store %arg25[%swap3A_1162], %add3A_1161 {strides = array<i32>} : memref<256xf32, #tpu.memory_space<vmem>>, vector<16xf32>,
        %add3A_1164 = arith.constant 240 : i32
        %add3A_1165 = vector.broadcast %add3A_1164 : i32 to vector<16xi32>
        %add3A_1166 = arith.addi %get3A_37, %add3A_1165 : vector<16xi32>
        %gather3A_1167 = tpu.vector_load_idx %arg25[%add3A_1166] : memref<256xf32, #tpu.memory_space<vmem>>[vector<16xi32>], vector<16xf32>,
        %add3A_1168 = arith.addf %add3A_1161, %gather3A_1167 : vector<16xf32>
        %swap3A_1169 = arith.constant 240 : index
        %swap3A_1170 = tpu.vector_load %arg25[%swap3A_1169] {strides = array<i32>} : memref<256xf32, #tpu.memory_space<vmem>>, vector<16xf32>,
        tpu.vector_store %arg25[%swap3A_1169], %add3A_1168 {strides = array<i32>} : memref<256xf32, #tpu.memory_space<vmem>>, vector<16xf32>,
        %add3A_1171 = arith.constant 240 : i32
        %add3A_1172 = vector.broadcast %add3A_1171 : i32 to vector<16xi32>
        %add3A_1173 = arith.addi %get3A_39, %add3A_1172 : vector<16xi32>
        %gather3A_1174 = tpu.vector_load_idx %arg25[%add3A_1173] : memref<256xf32, #tpu.memory_space<vmem>>[vector<16xi32>], vector<16xf32>,
        %add3A_1175 = arith.addf %add3A_1168, %gather3A_1174 : vector<16xf32>
        %exp3A_1176 = math.exp %add3A_1175 : vector<16xf32>
        %mul3A_1177 = arith.mulf %get3A_1125, %exp3A_1176 : vector<16xf32>
        %swap3A_1178 = arith.index_cast %add3A_931 : i32 to index
        %swap3A_1179 = arith.constant 96 : index
        %swap3A_1180 = tpu.vector_load %arg20[%swap3A_1178, %swap3A_1179] {strides = array<i32>} : memref<64x128xf32, #tpu.memory_space<vmem>>, vector<16xf32>,
        tpu.vector_store %arg20[%swap3A_1178, %swap3A_1179], %mul3A_1177 {strides = array<i32>} : memref<64x128xf32, #tpu.memory_space<vmem>>, vector<16xf32>,
        %mul3A_1181 = arith.mulf %get3A_1128, %exp3A_1176 : vector<16xf32>
        %swap3A_1182 = arith.index_cast %add3A_931 : i32 to index
        %swap3A_1183 = arith.constant 112 : index
        %swap3A_1184 = tpu.vector_load %arg20[%swap3A_1182, %swap3A_1183] {strides = array<i32>} : memref<64x128xf32, #tpu.memory_space<vmem>>, vector<16xf32>,
        tpu.vector_store %arg20[%swap3A_1182, %swap3A_1183], %mul3A_1181 {strides = array<i32>} : memref<64x128xf32, #tpu.memory_space<vmem>>, vector<16xf32>,
        %mul3A_1185 = arith.mulf %exp3A_1176, %get3A_31 : vector<16xf32>
        %add3A_1186 = arith.addf %add3A_1122, %mul3A_1185 : vector<16xf32>
        %get3A_1187 = arith.index_cast %add3A_931 : i32 to index
        %get3A_1188 = tpu.vector_load %arg16[%get3A_1187] {strides = array<i32>} : memref<80xi32, #tpu.memory_space<vmem>>, vector<16xi32>,
        %slice3A_1189 = vector.extract_strided_slice %get3A_1188 {offsets = [0], sizes = [1], strides = [1]} : vector<16xi32> to vector<1xi32>
        %squeeze3A_1190 = vector.extract %slice3A_1189[0] : i32 from vector<1xi32>
        %and3A_1191 = arith.constant 7 : i32
        %and3A_1192 = arith.andi %squeeze3A_1190, %and3A_1191 : i32
        %mul3A_1193 = arith.constant 16 : i32
        %mul3A_1194 = arith.muli %and3A_1192, %mul3A_1193 : i32
        %swap3A_1195 = arith.index_cast %add3A_931 : i32 to index
        %swap3A_1196 = arith.index_cast %mul3A_1194 : i32 to index
        %swap3A_1197 = tpu.vector_load %arg21[%swap3A_1195, %swap3A_1196] {strides = array<i32>} : memref<64x128xf32, #tpu.memory_space<vmem>>, vector<16xf32>,
        tpu.vector_store %arg21[%swap3A_1195, %swap3A_1196], %add3A_1186 {strides = array<i32>} : memref<64x128xf32, #tpu.memory_space<vmem>>, vector<16xf32>,
      }
      %scan3A_108 = arith.constant 16 : i32
      %dma_wait3A_109 = arith.constant 0 : i32
      %dma_wait3A_110 = tpu.memref_slice %arg4[%dma_wait3A_109] : memref<331776xi32, #tpu.memory_space<hbm>> -> memref<64xi32, #tpu.memory_space<hbm>>
      %dma_wait3A_111 = arith.constant 0 : i32
      %dma_wait3A_112 = tpu.memref_slice %arg4[%dma_wait3A_111] : memref<331776xi32, #tpu.memory_space<hbm>> -> memref<64xi32, #tpu.memory_space<hbm>>
      tpu.wait_dma2 semaphore(%arg30 : memref<!tpu.dma_semaphore, #tpu.memory_space<semaphore_mem>>) src(%dma_wait3A_112 : memref<64xi32, #tpu.memory_space<hbm>>) dst(%arg13 : memref<64xi32, #tpu.memory_space<vmem>>)
      %dma_wait3A_113 = arith.constant 0 : i32
      %dma_wait3A_114 = tpu.memref_slice %arg5[%dma_wait3A_113] : memref<331776xi32, #tpu.memory_space<hbm>> -> memref<64xi32, #tpu.memory_space<hbm>>
      %dma_wait3A_115 = arith.constant 0 : i32
      %dma_wait3A_116 = tpu.memref_slice %arg5[%dma_wait3A_115] : memref<331776xi32, #tpu.memory_space<hbm>> -> memref<64xi32, #tpu.memory_space<hbm>>
      tpu.wait_dma2 semaphore(%arg31 : memref<!tpu.dma_semaphore, #tpu.memory_space<semaphore_mem>>) src(%dma_wait3A_116 : memref<64xi32, #tpu.memory_space<hbm>>) dst(%arg14 : memref<64xi32, #tpu.memory_space<vmem>>)
      %dma_start3A_117 = arith.constant 0 : i32
      %dma_start3A_118 = arith.constant 0 : i32
      %dma_start3A_119 = tpu.memref_slice %arg2[%dma_start3A_117, %dma_start3A_118] : memref<10240x128xf32, #tpu.memory_space<hbm>> -> memref<10240x128xf32, #tpu.memory_space<hbm>>
      tpu.enqueue_indirect_dma source(%dma_start3A_119 : memref<10240x128xf32, #tpu.memory_space<hbm>>) target(%arg18 : memref<64x128xf32, #tpu.memory_space<vmem>>) offsets(%arg13 : memref<64xi32, #tpu.memory_space<vmem>>) semaphore(%arg28 : memref<!tpu.dma_semaphore, #tpu.memory_space<semaphore_mem>>)
      %dma_start3A_120 = arith.constant 0 : i32
      %dma_start3A_121 = arith.constant 0 : i32
      %dma_start3A_122 = tpu.memref_slice %arg3[%dma_start3A_120, %dma_start3A_121] : memref<10240x128xf32, #tpu.memory_space<hbm>> -> memref<10240x128xf32, #tpu.memory_space<hbm>>
      tpu.enqueue_indirect_dma source(%dma_start3A_122 : memref<10240x128xf32, #tpu.memory_space<hbm>>) target(%arg19 : memref<64x128xf32, #tpu.memory_space<vmem>>) offsets(%arg14 : memref<64xi32, #tpu.memory_space<vmem>>) semaphore(%arg29 : memref<!tpu.dma_semaphore, #tpu.memory_space<semaphore_mem>>)
      "tpu.region"() ({
        %run_scoped3A = tpu.sem_alloc : memref<!tpu.dma_semaphore, #tpu.memory_space<semaphore_mem>>
        %dma_start3A_123 = arith.constant 0 : i32
        %dma_start3A_124 = arith.constant 0 : i32
        %dma_start3A_125 = tpu.memref_slice %arg26[%dma_start3A_123, %dma_start3A_124] : memref<10240x128xf32, #tpu.memory_space<vmem_shared>> -> memref<10240x128xf32, #tpu.memory_space<vmem_shared>>
        tpu.enqueue_indirect_dma source(%arg20 : memref<64x128xf32, #tpu.memory_space<vmem>>) target(%dma_start3A_125 : memref<10240x128xf32, #tpu.memory_space<vmem_shared>>) offsets(%arg15 : memref<64xi32, #tpu.memory_space<vmem>>) semaphore(%run_scoped3A : memref<!tpu.dma_semaphore, #tpu.memory_space<semaphore_mem>>) {add = true}
        %dma_wait3A_126 = arith.constant 0 : i32
        %dma_wait3A_127 = arith.constant 0 : i32
        %dma_wait3A_128 = tpu.memref_slice %arg26[%dma_wait3A_126, %dma_wait3A_127] : memref<10240x128xf32, #tpu.memory_space<vmem_shared>> -> memref<10240x128xf32, #tpu.memory_space<vmem_shared>>
        tpu.wait_indirect_dma semaphore(%run_scoped3A : memref<!tpu.dma_semaphore, #tpu.memory_space<semaphore_mem>>) src(%arg20 : memref<64x128xf32, #tpu.memory_space<vmem>>) dst(%dma_wait3A_128 : memref<10240x128xf32, #tpu.memory_space<vmem_shared>>)
        tpu.yield
      }) : () -> ()
      "tpu.region"() ({
        %run_scoped3A = tpu.sem_alloc : memref<!tpu.dma_semaphore, #tpu.memory_space<semaphore_mem>>
        %dma_start3A_123 = arith.constant 0 : i32
        %dma_start3A_124 = arith.constant 0 : i32
        %dma_start3A_125 = tpu.memref_slice %arg27[%dma_start3A_123, %dma_start3A_124] : memref<1280x128xf32, #tpu.memory_space<vmem_shared>> -> memref<1280x128xf32, #tpu.memory_space<vmem_shared>>
        tpu.enqueue_indirect_dma source(%arg21 : memref<64x128xf32, #tpu.memory_space<vmem>>) target(%dma_start3A_125 : memref<1280x128xf32, #tpu.memory_space<vmem_shared>>) offsets(%arg17 : memref<64xi32, #tpu.memory_space<vmem>>) semaphore(%run_scoped3A : memref<!tpu.dma_semaphore, #tpu.memory_space<semaphore_mem>>) {add = true}
        %dma_wait3A_126 = arith.constant 0 : i32
        %dma_wait3A_127 = arith.constant 0 : i32
        %dma_wait3A_128 = tpu.memref_slice %arg27[%dma_wait3A_126, %dma_wait3A_127] : memref<1280x128xf32, #tpu.memory_space<vmem_shared>> -> memref<1280x128xf32, #tpu.memory_space<vmem_shared>>
        tpu.wait_indirect_dma semaphore(%run_scoped3A : memref<!tpu.dma_semaphore, #tpu.memory_space<semaphore_mem>>) src(%arg21 : memref<64x128xf32, #tpu.memory_space<vmem>>) dst(%dma_wait3A_128 : memref<1280x128xf32, #tpu.memory_space<vmem_shared>>)
        tpu.yield
      }) : () -> ()
      "tpu.region"() ({
        %run_scoped3A = tpu.sem_alloc : memref<!tpu.dma_semaphore, #tpu.memory_space<semaphore_mem>>
        %dma_start3A_123 = arith.constant 0 : i32
        %dma_start3A_124 = arith.constant 0 : i32
        %dma_start3A_125 = tpu.memref_slice %arg9[%dma_start3A_123, %dma_start3A_124] : memref<10240x128xf32, #tpu.memory_space<hbm>> -> memref<64x128xf32, #tpu.memory_space<hbm>>
        %dma_start3A_126 = arith.constant 0 : i32
        %dma_start3A_127 = arith.constant 0 : i32
        %dma_start3A_128 = tpu.memref_slice %arg9[%dma_start3A_126, %dma_start3A_127] : memref<10240x128xf32, #tpu.memory_space<hbm>> -> memref<64x128xf32, #tpu.memory_space<hbm>>
        tpu.enqueue_dma source(%dma_start3A_128 : memref<64x128xf32, #tpu.memory_space<hbm>>) target(%arg21 : memref<64x128xf32, #tpu.memory_space<vmem>>) target_semaphore(%run_scoped3A : memref<!tpu.dma_semaphore, #tpu.memory_space<semaphore_mem>>)
        %dma_wait3A_129 = arith.constant 0 : i32
        %dma_wait3A_130 = arith.constant 0 : i32
        %dma_wait3A_131 = tpu.memref_slice %arg9[%dma_wait3A_129, %dma_wait3A_130] : memref<10240x128xf32, #tpu.memory_space<hbm>> -> memref<64x128xf32, #tpu.memory_space<hbm>>
        %dma_wait3A_132 = arith.constant 0 : i32
        %dma_wait3A_133 = arith.constant 0 : i32
        %dma_wait3A_134 = tpu.memref_slice %arg9[%dma_wait3A_132, %dma_wait3A_133] : memref<10240x128xf32, #tpu.memory_space<hbm>> -> memref<64x128xf32, #tpu.memory_space<hbm>>
        tpu.wait_dma2 semaphore(%run_scoped3A : memref<!tpu.dma_semaphore, #tpu.memory_space<semaphore_mem>>) src(%dma_wait3A_134 : memref<64x128xf32, #tpu.memory_space<hbm>>) dst(%arg21 : memref<64x128xf32, #tpu.memory_space<vmem>>)
        tpu.yield
      }) : () -> ()
    }
    %scan3A_60 = arith.constant 162 : i32
    %dma_wait3A_61 = arith.constant 0 : i32
    %dma_wait3A_62 = arith.constant 0 : i32
    %dma_wait3A_63 = tpu.memref_slice %arg2[%dma_wait3A_61, %dma_wait3A_62] : memref<10240x128xf32, #tpu.memory_space<hbm>> -> memref<10240x128xf32, #tpu.memory_space<hbm>>
    tpu.wait_indirect_dma semaphore(%arg28 : memref<!tpu.dma_semaphore, #tpu.memory_space<semaphore_mem>>) src(%dma_wait3A_63 : memref<10240x128xf32, #tpu.memory_space<hbm>>) dst(%arg18 : memref<64x128xf32, #tpu.memory_space<vmem>>)
    %dma_wait3A_64 = arith.constant 0 : i32
    %dma_wait3A_65 = arith.constant 0 : i32
    %dma_wait3A_66 = tpu.memref_slice %arg3[%dma_wait3A_64, %dma_wait3A_65] : memref<10240x128xf32, #tpu.memory_space<hbm>> -> memref<10240x128xf32, #tpu.memory_space<hbm>>
    tpu.wait_indirect_dma semaphore(%arg29 : memref<!tpu.dma_semaphore, #tpu.memory_space<semaphore_mem>>) src(%dma_wait3A_66 : memref<10240x128xf32, #tpu.memory_space<hbm>>) dst(%arg19 : memref<64x128xf32, #tpu.memory_space<vmem>>)
    %barrier3A_67 = arith.constant 0 : index
    tpu.barrier barrier_id(%barrier3A_67)
    "tpu.region"() ({
      %run_scoped3A = tpu.sem_alloc : memref<!tpu.dma_semaphore, #tpu.memory_space<semaphore_mem>>
      %dma_start3A_72 = arith.constant 0 : i32
      %dma_start3A_73 = tpu.memref_slice %arg11[%arg0, %mul3A_2, %dma_start3A_72] : memref<2x10240x128xf32, #tpu.memory_space<hbm>> -> memref<1x640x128xf32, #tpu.memory_space<hbm>>
      %dma_start3A_74 = tpu.memref_squeeze %dma_start3A_73 : memref<1x640x128xf32, #tpu.memory_space<hbm>> -> memref<640x128xf32, #tpu.memory_space<hbm>>
      %dma_start3A_75 = arith.constant 0 : i32
      %dma_start3A_76 = tpu.memref_slice %arg26[%mul3A_2, %dma_start3A_75] : memref<10240x128xf32, #tpu.memory_space<vmem_shared>> -> memref<640x128xf32, #tpu.memory_space<vmem_shared>>
      tpu.enqueue_dma source(%dma_start3A_76 : memref<640x128xf32, #tpu.memory_space<vmem_shared>>) target(%dma_start3A_74 : memref<640x128xf32, #tpu.memory_space<hbm>>) target_semaphore(%run_scoped3A : memref<!tpu.dma_semaphore, #tpu.memory_space<semaphore_mem>>)
      %dma_wait3A_77 = arith.constant 0 : i32
      %dma_wait3A_78 = tpu.memref_slice %arg11[%arg0, %mul3A_2, %dma_wait3A_77] : memref<2x10240x128xf32, #tpu.memory_space<hbm>> -> memref<1x640x128xf32, #tpu.memory_space<hbm>>
      %dma_wait3A_79 = tpu.memref_squeeze %dma_wait3A_78 : memref<1x640x128xf32, #tpu.memory_space<hbm>> -> memref<640x128xf32, #tpu.memory_space<hbm>>
      %dma_wait3A_80 = arith.constant 0 : i32
      %dma_wait3A_81 = tpu.memref_slice %arg26[%mul3A_2, %dma_wait3A_80] : memref<10240x128xf32, #tpu.memory_space<vmem_shared>> -> memref<640x128xf32, #tpu.memory_space<vmem_shared>>
      tpu.wait_dma2 semaphore(%run_scoped3A : memref<!tpu.dma_semaphore, #tpu.memory_space<semaphore_mem>>) src(%dma_wait3A_81 : memref<640x128xf32, #tpu.memory_space<vmem_shared>>) dst(%dma_wait3A_79 : memref<640x128xf32, #tpu.memory_space<hbm>>)
      tpu.yield
    }) : () -> ()
    %mul3A_68 = arith.constant 80 : i32
    %mul3A_69 = arith.muli %arg1, %mul3A_68 : i32
    %mul3A_70 = arith.constant 80 : i32
    %mul3A_71 = arith.muli %arg1, %mul3A_70 : i32
    "tpu.region"() ({
      %run_scoped3A = tpu.sem_alloc : memref<!tpu.dma_semaphore, #tpu.memory_space<semaphore_mem>>
      %dma_start3A_72 = arith.constant 0 : i32
      %dma_start3A_73 = tpu.memref_slice %arg12[%arg0, %mul3A_71, %dma_start3A_72] : memref<2x1280x128xf32, #tpu.memory_space<hbm>> -> memref<1x80x128xf32, #tpu.memory_space<hbm>>
      %dma_start3A_74 = tpu.memref_squeeze %dma_start3A_73 : memref<1x80x128xf32, #tpu.memory_space<hbm>> -> memref<80x128xf32, #tpu.memory_space<hbm>>
      %dma_start3A_75 = arith.constant 0 : i32
      %dma_start3A_76 = tpu.memref_slice %arg27[%mul3A_69, %dma_start3A_75] : memref<1280x128xf32, #tpu.memory_space<vmem_shared>> -> memref<80x128xf32, #tpu.memory_space<vmem_shared>>
      tpu.enqueue_dma source(%dma_start3A_76 : memref<80x128xf32, #tpu.memory_space<vmem_shared>>) target(%dma_start3A_74 : memref<80x128xf32, #tpu.memory_space<hbm>>) target_semaphore(%run_scoped3A : memref<!tpu.dma_semaphore, #tpu.memory_space<semaphore_mem>>)
      %dma_wait3A_77 = arith.constant 0 : i32
      %dma_wait3A_78 = tpu.memref_slice %arg12[%arg0, %mul3A_71, %dma_wait3A_77] : memref<2x1280x128xf32, #tpu.memory_space<hbm>> -> memref<1x80x128xf32, #tpu.memory_space<hbm>>
      %dma_wait3A_79 = tpu.memref_squeeze %dma_wait3A_78 : memref<1x80x128xf32, #tpu.memory_space<hbm>> -> memref<80x128xf32, #tpu.memory_space<hbm>>
      %dma_wait3A_80 = arith.constant 0 : i32
      %dma_wait3A_81 = tpu.memref_slice %arg27[%mul3A_69, %dma_wait3A_80] : memref<1280x128xf32, #tpu.memory_space<vmem_shared>> -> memref<80x128xf32, #tpu.memory_space<vmem_shared>>
      tpu.wait_dma2 semaphore(%run_scoped3A : memref<!tpu.dma_semaphore, #tpu.memory_space<semaphore_mem>>) src(%dma_wait3A_81 : memref<80x128xf32, #tpu.memory_space<vmem_shared>>) dst(%dma_wait3A_79 : memref<80x128xf32, #tpu.memory_space<hbm>>)
      tpu.yield
    }) : () -> ()
    return
  }
}

module attributes {stable_mosaic.version = 14 : i64} {
  func.func @_mm_body(%arg0: i32, %arg1: memref<512x128xf32, #tpu.memory_space<vmem>>, %arg2: memref<128x256xf32, #tpu.memory_space<vmem>>, %arg3: memref<1x256xf32, #tpu.memory_space<vmem>>, %arg4: memref<512x128xf32, #tpu.memory_space<vmem>>, %arg5: memref<512x128xf32, #tpu.memory_space<vmem>>) attributes {dimension_semantics = [#tpu.dimension_semantics<arbitrary>], iteration_bounds = array<i64: 20>, scalar_prefetch = 0 : i64, scratch_operands = 0 : i64, tpu.core_type = #tpu.core_type<tc>, window_params = [{transform_indices = @transform_0, window_bounds = array<i64: 512, 128>}, {pipeline_mode = #tpu.pipeline_mode<synchronous>, transform_indices = @transform_1, window_bounds = array<i64: 128, 256>}, {pipeline_mode = #tpu.pipeline_mode<synchronous>, transform_indices = @transform_2, window_bounds = array<i64: 1, 256>}, {transform_indices = @transform_3, window_bounds = array<i64: 512, 128>}, {transform_indices = @transform_4, window_bounds = array<i64: 512, 128>}]} {
    %get3A = arith.constant 0 : index
    %get3A_0 = arith.constant 0 : index
    %get3A_1 = vector.load %arg1[%get3A, %get3A_0] : memref<512x128xf32, #tpu.memory_space<vmem>>, vector<512x128xf32>
    %get3A_2 = arith.constant 0 : index
    %get3A_3 = arith.constant 0 : index
    %get3A_4 = vector.load %arg2[%get3A_2, %get3A_3] : memref<128x256xf32, #tpu.memory_space<vmem>>, vector<128x256xf32>
    %dot_general3A = arith.constant dense<0.000000e+00> : vector<512x256xf32>
    %dot_general3A_5 = tpu.matmul %get3A_1, %get3A_4, %dot_general3A {dimension_numbers = #tpu.dot_dimension_numbers<[1], [0], [0], [1], [0, 0, 1, 1], [], []>, transpose_lhs_hint = false} : vector<512x128xf32>, vector<128x256xf32>, vector<512x256xf32> -> vector<512x256xf32>
    %get3A_6 = arith.constant 0 : index
    %get3A_7 = arith.constant 0 : index
    %get3A_8 = vector.load %arg3[%get3A_6, %get3A_7] : memref<1x256xf32, #tpu.memory_space<vmem>>, vector<1x256xf32>
    %add3A = vector.broadcast %get3A_8 : vector<1x256xf32> to vector<512x256xf32>
    %add3A_9 = arith.addf %dot_general3A_5, %add3A : vector<512x256xf32>
    %slice3A = vector.extract_strided_slice %add3A_9 {offsets = [0, 0], sizes = [512, 128], strides = [1, 1]} : vector<512x256xf32> to vector<512x128xf32>
    %swap3A = arith.constant 0 : index
    %swap3A_10 = arith.constant 0 : index
    %swap3A_11 = vector.load %arg4[%swap3A, %swap3A_10] : memref<512x128xf32, #tpu.memory_space<vmem>>, vector<512x128xf32>
    tpu.vector_store %arg4[%swap3A, %swap3A_10], %slice3A {strides = array<i32>} : memref<512x128xf32, #tpu.memory_space<vmem>>, vector<512x128xf32>,
    %slice3A_12 = vector.extract_strided_slice %add3A_9 {offsets = [0, 128], sizes = [512, 128], strides = [1, 1]} : vector<512x256xf32> to vector<512x128xf32>
    %swap3A_13 = arith.constant 0 : index
    %swap3A_14 = arith.constant 0 : index
    %swap3A_15 = vector.load %arg5[%swap3A_13, %swap3A_14] : memref<512x128xf32, #tpu.memory_space<vmem>>, vector<512x128xf32>
    tpu.vector_store %arg5[%swap3A_13, %swap3A_14], %slice3A_12 {strides = array<i32>} : memref<512x128xf32, #tpu.memory_space<vmem>>, vector<512x128xf32>,
    return
  }
  func.func @transform_0(%arg0: i32) -> (i32, i32) {
    %c0_i32 = arith.constant 0 : i32
    %c0_i32_0 = arith.constant 0 : i32
    return %arg0, %c0_i32 : i32, i32
  }
  func.func @transform_1(%arg0: i32) -> (i32, i32) {
    %c0_i32 = arith.constant 0 : i32
    %c0_i32_0 = arith.constant 0 : i32
    %c0_i32_1 = arith.constant 0 : i32
    return %c0_i32, %c0_i32_0 : i32, i32
  }
  func.func @transform_2(%arg0: i32) -> (i32, i32) {
    %c0_i32 = arith.constant 0 : i32
    %c0_i32_0 = arith.constant 0 : i32
    %c0_i32_1 = arith.constant 0 : i32
    return %c0_i32, %c0_i32_0 : i32, i32
  }
  func.func @transform_3(%arg0: i32) -> (i32, i32) {
    %c0_i32 = arith.constant 0 : i32
    %c0_i32_0 = arith.constant 0 : i32
    return %arg0, %c0_i32 : i32, i32
  }
  func.func @transform_4(%arg0: i32) -> (i32, i32) {
    %c0_i32 = arith.constant 0 : i32
    %c0_i32_0 = arith.constant 0 : i32
    return %arg0, %c0_i32 : i32, i32
  }
}

module attributes {stable_mosaic.version = 14 : i64} {
  func.func @_fin_body(%arg0: i32, %arg1: memref<1024x128xf32, #tpu.memory_space<vmem>>, %arg2: memref<1024x128xf32, #tpu.memory_space<vmem>>, %arg3: memref<1024x4xf32, #tpu.memory_space<vmem>>, %arg4: memref<1024x4xf32, #tpu.memory_space<vmem>>, %arg5: memref<1x128xf32, #tpu.memory_space<vmem>>, %arg6: memref<1x128xf32, #tpu.memory_space<vmem>>, %arg7: memref<1x128xf32, #tpu.memory_space<vmem>>, %arg8: memref<1024x128xf32, #tpu.memory_space<vmem>>) attributes {dimension_semantics = [#tpu.dimension_semantics<arbitrary>], iteration_bounds = array<i64: 10>, scalar_prefetch = 0 : i64, scratch_operands = 0 : i64, tpu.core_type = #tpu.core_type<tc>, window_params = [{transform_indices = @transform_0, window_bounds = array<i64: 1024, 128>}, {transform_indices = @transform_1, window_bounds = array<i64: 1024, 128>}, {transform_indices = @transform_2, window_bounds = array<i64: 1024, 4>}, {transform_indices = @transform_3, window_bounds = array<i64: 1024, 4>}, {pipeline_mode = #tpu.pipeline_mode<synchronous>, transform_indices = @transform_4, window_bounds = array<i64: 1, 128>}, {pipeline_mode = #tpu.pipeline_mode<synchronous>, transform_indices = @transform_5, window_bounds = array<i64: 1, 128>}, {pipeline_mode = #tpu.pipeline_mode<synchronous>, transform_indices = @transform_6, window_bounds = array<i64: 1, 128>}, {transform_indices = @transform_7, window_bounds = array<i64: 1024, 128>}]} {
    %get3A = arith.constant 0 : index
    %get3A_0 = arith.constant 0 : index
    %get3A_1 = vector.load %arg1[%get3A, %get3A_0] : memref<1024x128xf32, #tpu.memory_space<vmem>>, vector<1024x128xf32>
    %get3A_2 = arith.constant 0 : index
    %get3A_3 = arith.constant 0 : index
    %get3A_4 = vector.load %arg2[%get3A_2, %get3A_3] : memref<1024x128xf32, #tpu.memory_space<vmem>>, vector<1024x128xf32>
    %add3A = arith.addf %get3A_1, %get3A_4 : vector<1024x128xf32>
    %get3A_5 = arith.constant 0 : index
    %get3A_6 = arith.constant 0 : index
    %get3A_7 = vector.load %arg3[%get3A_5, %get3A_6] : memref<1024x4xf32, #tpu.memory_space<vmem>>, vector<1024x4xf32>
    %get3A_8 = arith.constant 0 : index
    %get3A_9 = arith.constant 0 : index
    %get3A_10 = vector.load %arg4[%get3A_8, %get3A_9] : memref<1024x4xf32, #tpu.memory_space<vmem>>, vector<1024x4xf32>
    %add3A_11 = arith.addf %get3A_7, %get3A_10 : vector<1024x4xf32>
    %reshape3A = vector.shape_cast %add3A : vector<1024x128xf32> to vector<1024x4x32xf32>
    %broadcast_in_dim3A = vector.shape_cast %add3A_11 : vector<1024x4xf32> to vector<1024x4x1xf32>
    %div3A = vector.broadcast %broadcast_in_dim3A : vector<1024x4x1xf32> to vector<1024x4x32xf32>
    %div3A_12 = arith.divf %reshape3A, %div3A : vector<1024x4x32xf32>
    %reshape3A_13 = vector.shape_cast %div3A_12 : vector<1024x4x32xf32> to vector<1024x128xf32>
    %get3A_14 = arith.constant 0 : index
    %get3A_15 = arith.constant 0 : index
    %get3A_16 = vector.load %arg5[%get3A_14, %get3A_15] : memref<1x128xf32, #tpu.memory_space<vmem>>, vector<1x128xf32>
    %add3A_17 = vector.broadcast %get3A_16 : vector<1x128xf32> to vector<1024x128xf32>
    %add3A_18 = arith.addf %reshape3A_13, %add3A_17 : vector<1024x128xf32>
    %gt3A = arith.constant 0.000000e+00 : f32
    %gt3A_19 = vector.broadcast %gt3A : f32 to vector<1024x128xf32>
    %gt3A_20 = arith.cmpf ogt, %add3A_18, %gt3A_19 : vector<1024x128xf32>
    %min3A = arith.constant 0.000000e+00 : f32
    %min3A_21 = vector.broadcast %min3A : f32 to vector<1024x128xf32>
    %min3A_22 = arith.minimumf %add3A_18, %min3A_21 : vector<1024x128xf32>
    %exp3A = math.exp %min3A_22 : vector<1024x128xf32>
    %sub3A = arith.constant 1.000000e+00 : f32
    %sub3A_23 = vector.broadcast %sub3A : f32 to vector<1024x128xf32>
    %sub3A_24 = arith.subf %exp3A, %sub3A_23 : vector<1024x128xf32>
    %select_n3A = arith.select %gt3A_20, %add3A_18, %sub3A_24 : vector<1024x128xi1>, vector<1024x128xf32>
    %reduce_sum3A = arith.constant dense<0.000000e+00> : vector<1024xf32>
    %reduce_sum3A_25 = vector.multi_reduction <add>, %select_n3A, %reduce_sum3A [1] : vector<1024x128xf32> to vector<1024xf32>
    %broadcast_in_dim3A_26 = vector.shape_cast %reduce_sum3A_25 : vector<1024xf32> to vector<1024x1xf32>
    %div3A_27 = arith.constant 1.280000e+02 : f32
    %div3A_28 = vector.broadcast %div3A_27 : f32 to vector<1024x1xf32>
    %div3A_29 = arith.divf %broadcast_in_dim3A_26, %div3A_28 : vector<1024x1xf32>
    %sub3A_30 = vector.broadcast %div3A_29 : vector<1024x1xf32> to vector<1024x128xf32>
    %sub3A_31 = arith.subf %select_n3A, %sub3A_30 : vector<1024x128xf32>
    %mul3A = arith.mulf %sub3A_31, %sub3A_31 : vector<1024x128xf32>
    %reduce_sum3A_32 = arith.constant dense<0.000000e+00> : vector<1024xf32>
    %reduce_sum3A_33 = vector.multi_reduction <add>, %mul3A, %reduce_sum3A_32 [1] : vector<1024x128xf32> to vector<1024xf32>
    %broadcast_in_dim3A_34 = vector.shape_cast %reduce_sum3A_33 : vector<1024xf32> to vector<1024x1xf32>
    %div3A_35 = arith.constant 1.280000e+02 : f32
    %div3A_36 = vector.broadcast %div3A_35 : f32 to vector<1024x1xf32>
    %div3A_37 = arith.divf %broadcast_in_dim3A_34, %div3A_36 : vector<1024x1xf32>
    %add3A_38 = arith.constant 9.99999974E-6 : f32
    %add3A_39 = vector.broadcast %add3A_38 : f32 to vector<1024x1xf32>
    %add3A_40 = arith.addf %div3A_37, %add3A_39 : vector<1024x1xf32>
    %rsqrt3A = math.rsqrt %add3A_40 : vector<1024x1xf32>
    %mul3A_41 = vector.broadcast %rsqrt3A : vector<1024x1xf32> to vector<1024x128xf32>
    %mul3A_42 = arith.mulf %sub3A_31, %mul3A_41 : vector<1024x128xf32>
    %get3A_43 = arith.constant 0 : index
    %get3A_44 = arith.constant 0 : index
    %get3A_45 = vector.load %arg6[%get3A_43, %get3A_44] : memref<1x128xf32, #tpu.memory_space<vmem>>, vector<1x128xf32>
    %mul3A_46 = vector.broadcast %get3A_45 : vector<1x128xf32> to vector<1024x128xf32>
    %mul3A_47 = arith.mulf %mul3A_42, %mul3A_46 : vector<1024x128xf32>
    %get3A_48 = arith.constant 0 : index
    %get3A_49 = arith.constant 0 : index
    %get3A_50 = vector.load %arg7[%get3A_48, %get3A_49] : memref<1x128xf32, #tpu.memory_space<vmem>>, vector<1x128xf32>
    %add3A_51 = vector.broadcast %get3A_50 : vector<1x128xf32> to vector<1024x128xf32>
    %add3A_52 = arith.addf %mul3A_47, %add3A_51 : vector<1024x128xf32>
    %swap3A = arith.constant 0 : index
    %swap3A_53 = arith.constant 0 : index
    %swap3A_54 = vector.load %arg8[%swap3A, %swap3A_53] : memref<1024x128xf32, #tpu.memory_space<vmem>>, vector<1024x128xf32>
    tpu.vector_store %arg8[%swap3A, %swap3A_53], %add3A_52 {strides = array<i32>} : memref<1024x128xf32, #tpu.memory_space<vmem>>, vector<1024x128xf32>,
    return
  }
  func.func @transform_0(%arg0: i32) -> (i32, i32) {
    %c0_i32 = arith.constant 0 : i32
    %c0_i32_0 = arith.constant 0 : i32
    return %arg0, %c0_i32 : i32, i32
  }
  func.func @transform_1(%arg0: i32) -> (i32, i32) {
    %c0_i32 = arith.constant 0 : i32
    %c0_i32_0 = arith.constant 0 : i32
    return %arg0, %c0_i32 : i32, i32
  }
  func.func @transform_2(%arg0: i32) -> (i32, i32) {
    %c0_i32 = arith.constant 0 : i32
    %c0_i32_0 = arith.constant 0 : i32
    return %arg0, %c0_i32 : i32, i32
  }
  func.func @transform_3(%arg0: i32) -> (i32, i32) {
    %c0_i32 = arith.constant 0 : i32
    %c0_i32_0 = arith.constant 0 : i32
    return %arg0, %c0_i32 : i32, i32
  }
  func.func @transform_4(%arg0: i32) -> (i32, i32) {
    %c0_i32 = arith.constant 0 : i32
    %c0_i32_0 = arith.constant 0 : i32
    %c0_i32_1 = arith.constant 0 : i32
    return %c0_i32, %c0_i32_0 : i32, i32
  }
  func.func @transform_5(%arg0: i32) -> (i32, i32) {
    %c0_i32 = arith.constant 0 : i32
    %c0_i32_0 = arith.constant 0 : i32
    %c0_i32_1 = arith.constant 0 : i32
    return %c0_i32, %c0_i32_0 : i32, i32
  }
  func.func @transform_6(%arg0: i32) -> (i32, i32) {
    %c0_i32 = arith.constant 0 : i32
    %c0_i32_0 = arith.constant 0 : i32
    %c0_i32_1 = arith.constant 0 : i32
    return %c0_i32, %c0_i32_0 : i32, i32
  }
  func.func @transform_7(%arg0: i32) -> (i32, i32) {
    %c0_i32 = arith.constant 0 : i32
    %c0_i32_0 = arith.constant 0 : i32
    return %arg0, %c0_i32 : i32, i32
  }
}

</mosaic_0001>

<sc_bundles>
// kernel: kernel.5.cloned.1.call-start
scs
__scs_entry_jumppad:
0x0: {  	(pc) =	sbr.rel $0x88, $3  }
0x1: {  	(tag) =	ssettag $0x0;
	lr =	simm.s32 $0x1  }
0x2: {  	[smem:$0x3F97] =	sst lr;
	_ =	strace $0xD0000000  }
0x3: {  	_ = 	snop  }
0x4: {  	_ = 	snop  }
0x5: {  	_ = 	snop  }
0x6: {  	_ = 	snop  }
0x7: {  	_ = 	snop  }
__scs_overlays_trampoline_lowered:
0x8: {  	[smem:$0x3FA6] =	sst s0  }
0x9: {  	[smem:$0x3FA7] =	sst s1  }
0xa: {  	[smem:$0x3FA8] =	sst s2  }
0xb: {  	[smem:$0x3FA9] =	sst s3  }
0xc: {  	[smem:$0x3FAA] =	sst s4  }
0xd: {  	[smem:$0x3FAB] =	sst s5  }
0xe: {  	[smem:$0x3FAC] =	sst s6  }
0xf: {  	[smem:$0x3FAD] =	sst s7  }
0x10: {  	[smem:$0x3FAE] =	sst s8  }
0x11: {  	[smem:$0x3FAF] =	sst s9;
	s0 =	simm.s32 @!p0 $0x0  }
0x12: {  	s1 =	sld [smem:$0x3F95];
	s0 =	simm.s32 @p0 $0x1  }
0x13: {  	[smem:$0x3FB0] =	sst s0;
	s0 =	simm.s32 @!p1 $0x0  }
0x14: {  	s2 =	sld [smem:$0x3F94];
	s0 =	simm.s32 @p1 $0x1  }
0x15: {  	[smem:$0x3FB1] =	sst s0;
	s0 =	simm.s32 @!p2 $0x0  }
0x16: {  	s3 =	sld [smem:$0x3FDB];
	s0 =	simm.s32 @p2 $0x1  }
0x17: {  	s4 =	simm.s32 $0x1BF5;
	[smem:$0x3FB3] =	sst s0  }
0x18: {  	s0 =	sld [smem:$0x3F96];
	_ =	swait.ge [sflag:s4], $0x0  }
0x19: {  	s7 =	sld [smem:$0x3F97]  }
0x1a: {  	s8 =	sadd.s32 $0xFFFFE003, lr  }
0x1b: {  	s9 =	sadd.s32 $0xFFFFFEF7, lr;
	s5 =	simm.s32 $0xFFFFFFFF;
	p2 =	slt.u32 s8, $0xFFFFF086  }
0x1c: {  	p1 =	slt.u32 s9, $0xF7A;
	s5 =	simm.s32 @!p2 $0x0  }
0x1d: {  	s5 =	simm.s32 @p1 $0x1;
	p0 =	seq.s32 s7, s2  }
0x1e: {  	s7 =	smul.u32 @!p0 $0xF7A, s2;
	p2 =	seq.s32 @!p0 s5, $0x0  }
0x1f: {  	s9 =	smul.u32 $0xF7A, s1;
	s8 =	simm.s32 @!p0 $0x1BF5;
	p2 =	por !p2, p0  }
0x20: {  	[sflag:s8] =	ssyncset.s32 @!p0 $0xFFFFF086;
	s6 =	sadd.s32 @!p0 s3, s7;
	s7 =	simm.s32 @!p0 $0x108  }
0x21: {  	s3 =	sadd.s32 s3, s9;
	s6 =	sadd.s32 @!p0 $0x88, s6;
	s7 =	simm.s32 @p2 $0x1082  }
0x22: {  	[simem:s7], [sflag:s8] =	dma.local @!p0 [hbm:s6], $0xF7A  }
0x23: {  	s9 =	sor.u32 $0xD0000000, s2;
	s6 =	simm.s32 $0x108;
	_ =	swait.ge @!p0 [sflag:s8], $0x0  }
0x24: {  	s3 =	sadd.s32 $0x88, s3;
	s6 =	simm.s32 @!p1 $0x1082;
	[sflag:s4] =	ssyncset.s32 $0xFFFFF086  }
0x25: {  	[simem:s6], [sflag:s4] =	dma.local [hbm:s3], $0xF7A  }
0x26: {  	[smem:$0x3F97] =	sst s1;
	(tag) =	ssettag s2;
	_ =	strace s9  }
0x27: {  	s1 =	sld [smem:$0x3FA7]  }
0x28: {  	s2 =	sld [smem:$0x3FA8]  }
0x29: {  	s4 =	sld [smem:$0x3FAA]  }
0x2a: {  	p0 =	seq.s32 s5, $0x0;
	s5 =	sld [smem:$0x3FAB]  }
0x2b: {  	s6 =	sld [smem:$0x3FAC]  }
0x2c: {  	s7 =	sld [smem:$0x3FAD]  }
0x2d: {  	s3 =	simm.s32 $0x108;
	s8 =	sld [smem:$0x3FAE]  }
0x2e: {  	s3 =	simm.s32 @!p0 $0x1082;
	s9 =	sld [smem:$0x3FAF]  }
0x2f: {  	lr =	sadd.s32 s0, s3;
	s0 =	sld [smem:$0x3FA6]  }
0x30: {  	s3 =	sld [smem:$0x3FA9]  }
0x31: {  	[smem:$0x3FB2] =	sst s10  }
0x32: {  	s10 =	sld [smem:$0x3FB0];
	_ =	sdelay $0x3  }
0x33: {  	p0 =	seq.s32 s10, $0x1;
	s10 =	sld [smem:$0x3FB2];
	_ =	sdelay $0x3  }
0x34: {  	[smem:$0x3FB2] =	sst s10  }
0x35: {  	s10 =	sld [smem:$0x3FB1];
	_ =	sdelay $0x3  }
0x36: {  	p1 =	seq.s32 s10, $0x1;
	s10 =	sld [smem:$0x3FB2];
	_ =	sdelay $0x3  }
0x37: {  	[smem:$0x3FB2] =	sst s10  }
0x38: {  	s10 =	sld [smem:$0x3FB3]  }
0x39: {  	_ = 	snop;
	(pc) =	sbr.ind lr, $3  }
0x3a: {  	_ = 	snop  }
0x3b: {  	_ = 	snop  }
0x3c: {  	p2 =	seq.s32 s10, $0x1;
	s10 =	sld [smem:$0x3FB2]  }
0x3d: {  	_ =	shalt  }
0x3e: {  	_ =	shalt  }
0x3f: {  	_ =	shalt  }
0x40: {  	_ =	shalt  }
0x41: {  	_ =	shalt  }
0x42: {  	_ =	shalt  }
0x43: {  	_ =	shalt  }
0x44: {  	_ =	shalt  }
0x45: {  	_ =	shalt  }
0x46: {  	_ =	shalt  }
0x47: {  	_ =	shalt  }
0x48: {  	_ =	shalt  }
0x49: {  	_ =	shalt  }
0x4a: {  	_ =	shalt  }
0x4b: {  	_ =	shalt  }
0x4c: {  	_ =	shalt  }
0x4d: {  	_ =	shalt  }
0x4e: {  	_ =	shalt  }
0x4f: {  	_ =	shalt  }
0x50: {  	_ =	shalt  }
0x51: {  	_ =	shalt  }
0x52: {  	_ =	shalt  }
0x53: {  	_ =	shalt  }
0x54: {  	_ =	shalt  }
0x55: {  	_ =	shalt  }
0x56: {  	_ =	shalt  }
0x57: {  	_ =	shalt  }
0x58: {  	_ =	shalt  }
0x59: {  	_ =	shalt  }
0x5a: {  	_ =	shalt  }
0x5b: {  	_ =	shalt  }
0x5c: {  	_ =	shalt  }
0x5d: {  	_ =	shalt  }
0x5e: {  	_ =	shalt  }
0x5f: {  	_ =	shalt  }
0x60: {  	_ =	shalt  }
0x61: {  	_ =	shalt  }
0x62: {  	_ =	shalt  }
0x63: {  	_ =	shalt  }
0x64: {  	_ =	shalt  }
0x65: {  	_ =	shalt  }
0x66: {  	_ =	shalt  }
0x67: {  	_ =	shalt  }
0x68: {  	_ =	shalt  }
0x69: {  	_ =	shalt  }
0x6a: {  	_ =	shalt  }
0x6b: {  	_ =	shalt  }
0x6c: {  	_ =	shalt  }
0x6d: {  	_ =	shalt  }
0x6e: {  	_ =	shalt  }
0x6f: {  	_ =	shalt  }
0x70: {  	_ =	shalt  }
0x71: {  	_ =	shalt  }
0x72: {  	_ =	shalt  }
0x73: {  	_ =	shalt  }
0x74: {  	_ =	shalt  }
0x75: {  	_ =	shalt  }
0x76: {  	_ =	shalt  }
0x77: {  	_ =	shalt  }
0x78: {  	_ =	shalt  }
0x79: {  	_ =	shalt  }
0x7a: {  	_ =	shalt  }
0x7b: {  	_ =	shalt  }
0x7c: {  	_ =	shalt  }
0x7d: {  	_ =	shalt  }
0x7e: {  	_ =	shalt  }
0x7f: {  	_ =	shalt  }
0x80: {  	_ =	shalt  }
0x81: {  	_ =	shalt  }
0x82: {  	_ =	shalt  }
0x83: {  	_ =	shalt  }
0x84: {  	_ =	shalt  }
0x85: {  	_ =	shalt  }
0x86: {  	_ =	shalt  }
0x87: {  	_ =	shalt  }
.Lfunc_end0:
.L_simem_size_0:
called_computation_lowered:
.L_overlay_start_0:
0x88: {  	s2 =	sld [smem:$0x3FD9]  }
0x89: {  	s3 =	sld [smem:$0x3FFE];
	_ =	sdelay $0x1  }
0x8a: {  	s1 =	srdreg.scid  }
0x8b: {  	s0 =	sand.u32 $0x1, s1  }
0x8c: {  	s17 =	sshll.u32 s0, $0xA;
	s2 =	sadd.s32 s3, s2  }
0x8d: {  	s2 =	sadd.s32 s2, s17  }
0x8e: {  	[smem:$0x3FBE] =	sst s2  }
0x8f: {  	_ = 	snop  }
0x90: {  	s2 =	sld [smem:$0x3FD0];
	(tm) =	ssettm $0x1  }
0x91: {  	s18 =	sld [smem:$0x3FFB];
	_ =	sdelay $0x3  }
0x92: {  	_ =	strace s18  }
0x93: {  	s3 =	sld [smem:$0x3FFC];
	_ =	sdelay $0x3  }
0x94: {  	_ =	strace s3  }
0x95: {  	s3 =	sld [smem:$0x3FFD];
	_ =	sdelay $0x3  }
0x96: {  	_ =	strace s3  }
0x97: {  	_ =	strace $0x8FFFFFFF  }
0x98: {  	s19 =	sld [smem:$0x3FDB];
	_ =	sdelay $0x1  }
0x99: {  	s4 =	simm.s32 $_scs_section_size  }
0x9a: {  	s5 =	simm.s32 $_size__tile_overlayer_lowered;
	s6 =	simm.s32 $_tile_overlayer_lowered  }
0x9b: {  	s22 =	simm.s32 $0x1BFF;
	s21 =	sshll.u32 s6, $0x1;
	s3 =	sadd.s32 s4, s19  }
0x9c: {  	s7 =	simm.s32 $0x0;
	s20 =	sshll.u32 s5, $0x1;
	s5 =	sadd.s32 s21, s3  }
0x9d: {  	[timem:s7], [sflag:s22] =	dma.local [hbm:s5], s20  }
0x9e: {  	_ =	swait.ge [sflag:s22], s20  }
0x9f: {  	s4 =	ssub.s32 $0x0, s20;
	[sflag:s22] =	ssyncset.done $0x0  }
0xa0: {  	[sflag:s22] =	ssyncadd.s32 s4;
	_ =	sdelay $0x1  }
0xa1: {  	s23 =	simm.s32 $0x1B8B  }
0xa2: {  	_ =	swait.ge [sflag:s23], $0x1  }
0xa3: {  	[sflag:s23] =	ssyncset.done $0x0  }
0xa4: {  	s25 =	simm.s32 $0x1B8E;
	s24 =	sld [smem:$0x3FFE];
	[sflag:s23] =	ssyncadd.s32 $0xFFFFFFFF  }
0xa5: {  	s26 =	simm.s32 $execute0_lowered;
	[smem:$0x3FD2] =	sst s25  }
0xa6: {  	s5 =	sshll.u32 s26, $0x1;
	_ =	strace $0x80000046;
	[dreg:$0x1] =	wrdreg $0xFFFFFFFF  }
0xa7: {  	s28 =	simm.s32 $_size_execute0_lowered;
	s3 =	sadd.s32 s3, s5;
	[dreg:$0x0] =	wrdreg $0x0  }
0xa8: {  	s5 =	sshll.u32 s28, $0x1;
	[dreg:$0x2] =	wrdreg s3  }
0xa9: {  	[dreg:$0x3] =	wrdreg s5  }
0xaa: {  	[dreg:$0x4] =	wrdreg $0xC0  }
0xab: {  	_ =	task [dreg:s7], $0x5FFFF  }
0xac: {  	[dreg:$0x1] =	wrdreg $0xFFFFFFFF  }
0xad: {  	[dreg:$0x0] =	wrdreg $0x60  }
0xae: {  	[dreg:$0x2] =	wrdreg s24  }
0xaf: {  	[dreg:$0x3] =	wrdreg s2  }
0xb0: {  	[dreg:$0x4] =	wrdreg $0x85000  }
0xb1: {  	[dreg:$0x5] =	wrdreg $0x1C5000  }
0xb2: {  	[dreg:$0x6] =	wrdreg $0x9  }
0xb3: {  	_ =	task.clear_ibuf [dreg:s7], $0x7FFFF;
	_ =	strace $0x90000046  }
0xb4: {  	s29 =	simm.s32 $0x9;
	_ =	strace $0x80000048  }
0xb5: {  	_ =	swait.ge [sflag:s29], $0x1  }
0xb6: {  	[sflag:s29] =	ssyncadd.s32 $0xFFFFFFFF  }
0xb7: {  	_ =	strace $0x90000048  }
0xb8: {  	_ =	sfence  }
0xb9: {  	s30 =	sld [smem:$0x0];
	_ =	sdelay $0x2  }
0xba: {  	s31 =	sshll.u32 s1, $0xD;
	s1 =	sshrl.u32 s1, $0x2  }
0xbb: {  	s3 =	sand.u32 $0x4000, s31;
	s1 =	sadd.s32 s1, s30  }
0xbc: {  	s0 =	sor.u32 s3, s0;
	s1 =	sshll.u32 s1, $0x11  }
0xbd: {  	s0 =	sor.u32 s1, s0  }
0xbe: {  	s0 =	sadd.s32 $0x8F2B, s0  }
0xbf: {  	[sflag:s0] =	ssyncadd.remote.s32 $0x1  }
0xc0: {  	_ =	sfence.sel $0xFFFF  }
0xc1: {  	[dreg:$0x0] =	wrdreg $0xFFFFFFFF;
	(pc) =	sbr.abs _section_cstart, $3  }
0xc2: {  	[dreg:$0x1] =	wrdreg $0xFFFFFFFF  }
0xc3: {  	_ =	task.clear_ibuf [dreg:s7], $0x2FFFF;
	_ =	strace $0x9FFFFFFF  }
0xc4: {  	(tm) =	ssettm $0x7FFFFFFF  }
0xc5: {  	_ =	shalt  }
tec
execute0_lowered:
.L_overlay_start_1:
0x0: {  	(tag) =	ssettag $0x1  }
0x1: {  	s0 =	rddreg [dreg:$0x0]  }
0x2: {  	s1 =	rddreg [dreg:$0x1]  }
0x3: {  	s2 =	rddreg [dreg:$0x2]  }
0x4: {  	s3 =	rddreg [dreg:$0x3];
	s5 =	simm.s32 $0x0  }
0x5: {  	s18 =	stileid.u32;
	s8 =	srdreg.scid;
	s30 =	simm.s32 $0x80  }
0x6: {  	s31 =	simm.s32 $0x3;
	s28 =	simm.s32 $0x2280;
	s29 =	simm.s32 $0x1  }
0x7: {  	[smem:$0x7FF] =	sst s5;
	s6 =	sadd.s32 $0x34E00, s0;
	s4 =	smul.u32 $0x2800, s18  }
0x8: {  	s7 =	sadd.s32 $0xCE00, s0;
	s9 =	sand.u32 $0x1, s8;
	s10 =	smul.u32 $0x14000, s18  }
0x9: {  	s8 =	sadd.s32 $0x2C00, s0;
	s11 =	sadd.s32 $0x2A00, s0;
	s12 =	sadd.s32 $0x2800, s0  }
0xa: {  	s25 =	sadd.s32 $0x5CE00, s0;
	_ =	strace $0x80000047;
	[dreg:$0x5] =	wrdreg s11  }
0xb: {  	s15 =	smul.u32 $0x50000, s18;
	s17 =	sshll.u32 s18, $0x1;
	[dreg:$0x6] =	wrdreg s12  }
0xc: {  	s19 =	sshll.u32 s18, $0x6;
	s24 =	smul.u32 $0x140000, s9;
	[dreg:$0x7] =	wrdreg s25  }
0xd: {  	s13 =	smul.u32 $0x28000, s9;
	s12 =	sadd.s32 $0x5D000, s0;
	s26 =	ssub.s32 $0x2, s9  }
0xe: {  	s9 =	sor.u32 s9, s17;
	s17 =	smul.u32 $0xA000, s18;
	s14 =	sshrl.u32 s4, $0x3  }
0xf: {  	s16 =	sshrl.u32 s26, $0x1;
	s15 =	sshrl.u32 s15, $0x2;
	s11 =	sadd.s32 s10, s24  }
0x10: {  	s14 =	sadd.s32 s14, s0;
	s4 =	sadd.s32 s4, s13;
	s10 =	sshrl.u32 s10, $0x3  }
0x11: {  	s13 =	smul.u32 $0x2880, s9;
	s21 =	sshrl.u32 s17, $0x2;
	s17 =	simm.s32 $0x0  }
0x12: {  	s11 =	sshrl.u32 s11, $0x3;
	s4 =	sshrl.u32 s4, $0x3;
	s20 =	sadd.s32 s12, s10  }
0x13: {  	s9 =	sadd.s32 s21, s3;
	s22 =	sadd.s32 $0x85000, s14;
	s10 =	simm.s32 $0x8400  }
0x14: {  	s14 =	simm.s32 $0x4280;
	s11 =	sadd.s32 s11, s0;
	[dreg:$0x8] =	wrdreg s20  }
0x15: {  	s0 =	sadd.s32 s4, s0;
	[dreg:$0x9] =	wrdreg s9;
	s23 =	sshrl.u32 s13, $0x3  }
0x16: {  	s4 =	ssub.s32 s26, s16;
	[dreg:$0xa] =	wrdreg s22;
	s24 =	sadd.s32 s1, s23  }
0x17: {  	s16 =	sadd.s32 s15, s2;
	s9 =	sadd.s32 s8, s23;
	[dreg:$0xb] =	wrdreg s24  }
0x18: {  	s15 =	sor.u32 $0x1C05, s19;
	s25 =	sadd.s32 $0x94000, s11;
	[dreg:$0xc] =	wrdreg s9  }
0x19: {  	s0 =	sadd.s32 $0x8A000, s0;
	s26 =	smax.u32 s4, $0x1;
	[dreg:$0xd] =	wrdreg s25  }
0x1a: {  	s20 =	sshrl.u32 s16, $0x3;
	s4 =	simm.s32 $0x40;
	[dreg:$0xe] =	wrdreg s0  }
0x1b: {  	s11 =	simm.s32 $0x100;
	s16 =	simm.s32 $0x200;
	[dreg:$0xf] =	wrdreg s26  }
0x1c: {  	s24 =	simm.s32 $0x5;
	s25 =	simm.s32 $0x6280;
	s0 =	simm.s32 $0x4  }
0x1d: {  	s26 =	simm.s32 $0x280;
	s9 =	simm.s32 $0x2;
	[dreg:$0x10] =	wrdreg s20  }
.LBB2_1:
0x1e: {  	s18 =	rddreg [dreg:$0x8]  }
0x1f: {  	[spmem:s20], [sflag:s15] =	dma.local [hbm:s18], $0x2800  }
0x20: {  	_ =	swait.ge [sflag:s24], $0x2800  }
0x21: {  	[sflag:s24] =	ssyncset.done $0x0;
	s19 =	rddreg [dreg:$0x9]  }
0x22: {  	[sflag:s24] =	ssyncadd.s32 $0xFFFFD800;
	s18 =	sshrl.u32 s19, $0x3;
	s19 =	rddreg [dreg:$0xa]  }
0x23: {  	[spmem:s18], [sflag:s15] =	dma.local [hbm:s19], $0x500  }
0x24: {  	_ =	swait.ge [sflag:s24], $0x500  }
0x25: {  	[sflag:s24] =	ssyncset.done $0x0  }
0x26: {  	[sflag:s24] =	ssyncadd.s32 $0xFFFFFB00  }
0x27: {  	[tilespmem:s25], [sflag:$0x5] =	stream.linear.gather [hbm4b:s12+s5], $0x2000, $0x38;
	[tilespmem:$0x1ED00] =	vst v63  }
0x28: {  	_ =	swait.ge [sflag:s24], $0x2000  }
0x29: {  	[sflag:s24] =	ssyncset.done $0x0  }
0x2a: {  	s21 =	simm.s32 $0x8280;
	s20 =	rddreg [dreg:$0x5];
	[sflag:s24] =	ssyncadd.s32 $0xFFFFE000  }
0x2b: {  	[tilespmem:s21], [sflag:$0x5] =	stream.linear.gather [hbm4b:s20+s5], $0x80, $0x38;
	[tilespmem:$0x1ED00] =	vst v63  }
0x2c: {  	_ =	swait.ge [sflag:s24], $0x80  }
0x2d: {  	[sflag:s24] =	ssyncset.done $0x0  }
0x2e: {  	s23 =	simm.s32 $0x8300;
	s22 =	rddreg [dreg:$0x6];
	[sflag:s24] =	ssyncadd.s32 $0xFFFFFF80  }
0x2f: {  	[tilespmem:s23], [sflag:$0x5] =	stream.linear.gather [hbm4b:s22+s5], $0x80, $0x38;
	[tilespmem:$0x1ED00] =	vst v63  }
0x30: {  	_ =	swait.ge [sflag:s24], $0x80  }
0x31: {  	[sflag:s24] =	ssyncset.done $0x0  }
0x32: {  	s21 =	simm.s32 $0x8380;
	s20 =	rddreg [dreg:$0x7];
	[sflag:s24] =	ssyncadd.s32 $0xFFFFFF80  }
0x33: {  	[tilespmem:s21], [sflag:$0x5] =	stream.linear.gather [hbm4b:s20+s5], $0x80, $0x38;
	[tilespmem:$0x1ED00] =	vst v63  }
0x34: {  	_ =	swait.ge [sflag:s24], $0x80  }
0x35: {  	[sflag:s24] =	ssyncset.done $0x0  }
0x36: {  	[sflag:s24] =	ssyncadd.s32 $0xFFFFFF80  }
0x37: {  	[bflag:$0x0] =	sbarrier.arrive $0xFFFF  }
0x38: {  	v0 =	vld [tilespmem:$0x8280]  }
0x39: {  	v1 =	vld [tilespmem:$0x8290]  }
0x3a: {  	v2 =	vld [tilespmem:$0x82A0]  }
0x3b: {  	v35 =	vld [tilespmem:$0x8380]  }
0x3c: {  	v36 =	vld [tilespmem:$0x8390]  }
0x3d: {  	v37 =	vld [tilespmem:$0x83A0]  }
0x3e: {  	v38 =	vld [tilespmem:$0x83B0]  }
0x3f: {  	v7 =	vld [tilespmem:$0x82B0]  }
0x40: {  	v8 =	vld [tilespmem:$0x82C0]  }
0x41: {  	v9 =	vld [tilespmem:$0x82D0]  }
0x42: {  	v10 =	vld [tilespmem:$0x82E0]  }
0x43: {  	v14 =	vld [tilespmem:$0x82F0]  }
0x44: {  	v18 =	vld [tilespmem:$0x8300]  }
0x45: {  	v22 =	vld [tilespmem:$0x8310]  }
0x46: {  	v26 =	vld [tilespmem:$0x8320];
	s22 =	rddreg [dreg:$0xb]  }
0x47: {  	v30 =	vld [tilespmem:$0x8330];
	[tilespmem:s5], [sflag:$0x3] =	stream.linear.gather [hbm4b:s22+s5], $0x40, $0x38  }
0x48: {  	s23 =	rddreg [dreg:$0xc]  }
0x49: {  	[tilespmem:s30], [sflag:$0x4] =	stream.linear.gather [hbm4b:s23+s5], $0x40, $0x38;
	v3 =	vadd.s32 $0x30, v35;
	[tilespmem:$0x1ED00] =	vst v63  }
0x4a: {  	[tilespmem:$0x1FD00] =	vst v3;
	v3 =	vadd.s32 $0x30, v36  }
0x4b: {  	[tilespmem:$0x1FD10] =	vst v3;
	v3 =	vadd.s32 $0x30, v37  }
0x4c: {  	[tilespmem:$0x1FD20] =	vst v3;
	v3 =	vadd.s32 $0x30, v38  }
0x4d: {  	[tilespmem:$0x1FD30] =	vst v3;
	v3 =	vadd.s32 $0x40, v35  }
0x4e: {  	[tilespmem:$0x1FD40] =	vst v3;
	v3 =	vadd.s32 $0x40, v36  }
0x4f: {  	[tilespmem:$0x1FD50] =	vst v3;
	v3 =	vadd.s32 $0x40, v37  }
0x50: {  	[tilespmem:$0x1FD60] =	vst v3;
	v3 =	vadd.s32 $0x40, v38  }
0x51: {  	[tilespmem:$0x1FD70] =	vst v3;
	v3 =	vadd.s32 $0x50, v35  }
0x52: {  	[tilespmem:$0x1FD80] =	vst v3;
	v3 =	vadd.s32 $0x50, v36  }
0x53: {  	[tilespmem:$0x1FD90] =	vst v3;
	v3 =	vadd.s32 $0x50, v37  }
0x54: {  	[tilespmem:$0x1FDA0] =	vst v3;
	v3 =	vadd.s32 $0x50, v38  }
0x55: {  	[tilespmem:$0x1FDB0] =	vst v3;
	v3 =	vadd.s32 $0x60, v35  }
0x56: {  	[tilespmem:$0x1FDC0] =	vst v3;
	v3 =	vadd.s32 $0x60, v36  }
0x57: {  	[tilespmem:$0x1FDD0] =	vst v3;
	v3 =	vadd.s32 $0x60, v37  }
0x58: {  	[tilespmem:$0x1FDE0] =	vst v3;
	v3 =	vadd.s32 $0x60, v38  }
0x59: {  	[tilespmem:$0x1FDF0] =	vst v3;
	v3 =	vadd.s32 $0x70, v35  }
0x5a: {  	[tilespmem:$0x1FE00] =	vst v3;
	v3 =	vadd.s32 $0x70, v36  }
0x5b: {  	[tilespmem:$0x1FE10] =	vst v3;
	v3 =	vadd.s32 $0x70, v37  }
0x5c: {  	[tilespmem:$0x1FE20] =	vst v3  }
0x5d: {  	v3 =	vadd.s32 $0x70, v38;
	_ =	swait.ge [sflag:s31], $0x40  }
0x5e: {  	[tilespmem:$0x1FE30] =	vst v3;
	v3 =	vadd.s32 $0x80, v35  }
0x5f: {  	[tilespmem:$0x1FE40] =	vst v3;
	v3 =	vadd.s32 $0x80, v36  }
0x60: {  	[tilespmem:$0x1FE50] =	vst v3;
	v3 =	vadd.s32 $0x80, v37  }
0x61: {  	[tilespmem:$0x1FE60] =	vst v3;
	v3 =	vadd.s32 $0x80, v38  }
0x62: {  	[tilespmem:$0x1FE70] =	vst v3;
	v3 =	vadd.s32 $0x90, v35  }
0x63: {  	[tilespmem:$0x1FE80] =	vst v3;
	v3 =	vadd.s32 $0x90, v36  }
0x64: {  	[tilespmem:$0x1FE90] =	vst v3;
	v3 =	vadd.s32 $0x90, v37  }
0x65: {  	[sflag:s31] =	ssyncset.done $0x0;
	[tilespmem:$0x1FEA0] =	vst v3;
	v3 =	vadd.s32 $0x90, v38  }
0x66: {  	[sflag:s31] =	ssyncadd.s32 $0xFFFFFFC0;
	[tilespmem:$0x1FEB0] =	vst v3  }
0x67: {  	v3 =	vadd.s32 $0xA0, v35;
	_ =	swait.ge [sflag:s0], $0x40  }
0x68: {  	[tilespmem:$0x1FEC0] =	vst v3;
	v3 =	vadd.s32 $0xA0, v36  }
0x69: {  	[sflag:s0] =	ssyncset.done $0x0;
	[tilespmem:$0x1FED0] =	vst v3;
	v3 =	vadd.s32 $0xA0, v37  }
0x6a: {  	[sflag:s0] =	ssyncadd.s32 $0xFFFFFFC0;
	[tilespmem:$0x1FEE0] =	vst v3  }
0x6b: {  	v3 =	vadd.s32 $0xA0, v38;
	[tilespmem:s26], [sflag:$0x1] =	stream.indirect.gather [hbm4b:s6+s4], $0x80, s5, s4, $0xb8;
	[tilespmem:$0x1ED00] =	vst v63  }
0x6c: {  	[tilespmem:$0x1FEF0] =	vst v3;
	v3 =	vadd.s32 $0xB0, v35  }
0x6d: {  	[tilespmem:$0x1FF00] =	vst v3  }
0x6e: {  	v3 =	vadd.s32 $0xB0, v36;
	[tilespmem:s28], [sflag:$0x2] =	stream.indirect.gather [hbm4b:s7+s4], $0x80, s30, s4, $0xb8;
	[tilespmem:$0x1ED00] =	vst v63  }
0x6f: {  	[tilespmem:$0x1FF10] =	vst v3;
	v3 =	vadd.s32 $0xB0, v37  }
0x70: {  	[tilespmem:$0x1FF20] =	vst v3;
	v3 =	vadd.s32 $0xB0, v38  }
0x71: {  	[tilespmem:$0x1FF30] =	vst v3;
	v3 =	vadd.s32 $0xC0, v35  }
0x72: {  	[tilespmem:$0x1FF40] =	vst v3;
	v3 =	vadd.s32 $0xC0, v36  }
0x73: {  	[tilespmem:$0x1FF50] =	vst v3;
	v3 =	vadd.s32 $0xC0, v37  }
0x74: {  	[tilespmem:$0x1FF60] =	vst v3;
	v3 =	vadd.s32 $0xC0, v38  }
0x75: {  	[tilespmem:$0x1FF70] =	vst v3;
	v3 =	vadd.s32 $0xD0, v35  }
0x76: {  	[tilespmem:$0x1FF80] =	vst v3;
	v3 =	vadd.s32 $0xD0, v36  }
0x77: {  	[tilespmem:$0x1FF90] =	vst v3;
	v3 =	vadd.s32 $0xD0, v37  }
0x78: {  	v39 =	vadd.s32 $0x10, v35;
	[tilespmem:$0x1FFA0] =	vst v3;
	v3 =	vadd.s32 $0xD0, v38  }
0x79: {  	v40 =	vadd.s32 $0x10, v36;
	v41 =	vadd.s32 $0x10, v37;
	[tilespmem:$0x1FFB0] =	vst v3;
	v3 =	vadd.s32 $0xE0, v35  }
0x7a: {  	v42 =	vadd.s32 $0x10, v38;
	v43 =	vadd.s32 $0x20, v35;
	[tilespmem:$0x1FFC0] =	vst v3;
	v3 =	vadd.s32 $0xE0, v36  }
0x7b: {  	v44 =	vadd.s32 $0x20, v36;
	v45 =	vadd.s32 $0x20, v37;
	[tilespmem:$0x1FFD0] =	vst v3;
	v3 =	vadd.s32 $0xE0, v37  }
0x7c: {  	v46 =	vadd.s32 $0x20, v38;
	v13 =	vadd.s32 $0xF0, v35;
	[tilespmem:$0x1FFE0] =	vst v3;
	v3 =	vadd.s32 $0xE0, v38  }
0x7d: {  	s19 =	simm.s32 $0x0;
	v4 =	vadd.s32 $0xF0, v37;
	v15 =	vadd.s32 $0xF0, v38;
	[tilespmem:$0x1FFF0] =	vst v3;
	v3 =	vadd.s32 $0xF0, v36  }
.LBB2_2:
0x7e: {  	_ =	swait.ge [sflag:s29], $0x2000  }
0x7f: {  	[sflag:s29] =	ssyncset.done $0x0  }
0x80: {  	[sflag:s29] =	ssyncadd.s32 $0xFFFFE000  }
0x81: {  	_ =	swait.ge [sflag:s9], $0x2000  }
0x82: {  	v5 =	vld [tilespmem:$0x1FE70]  }
0x83: {  	v16 =	vld [tilespmem:$0x1FE80]  }
0x84: {  	v6 =	vld [tilespmem:$0x1FE90]  }
0x85: {  	v17 =	vld [tilespmem:$0x1FEA0]  }
0x86: {  	v19 =	vld [tilespmem:$0x1FEB0]  }
0x87: {  	v20 =	vld [tilespmem:$0x1FEC0]  }
0x88: {  	[sflag:s9] =	ssyncset.done $0x0;
	v47 =	vld [tilespmem:$0x1FED0]  }
0x89: {  	v48 =	vld [tilespmem:$0x1FEE0];
	[sflag:s9] =	ssyncadd.s32 $0xFFFFE000  }
0x8a: {  	v21 =	vld [tilespmem:$0x80]  }
0x8b: {  	v49 =	vld [tilespmem:$0x1FEF0]  }
0x8c: {  	v23 =	vld [tilespmem:$0x90]  }
0x8d: {  	v50 =	vld [tilespmem:$0x1FF00]  }
0x8e: {  	v51 =	vld [tilespmem:$0x1FF10]  }
0x8f: {  	v24 =	vld [tilespmem:$0xA0];
	[tilespmem:$0x100] =	vst v21  }
0x90: {  	v52 =	vld [tilespmem:$0x1FF20];
	[tilespmem:$0x180] =	vst v21  }
0x91: {  	v53 =	vld [tilespmem:$0x1FF30];
	[tilespmem:$0x110] =	vst v23  }
0x92: {  	v54 =	vld [tilespmem:$0x1FF40];
	v21 =	vshrl.u32 v21, $0x3;
	[tilespmem:$0x190] =	vst v23  }
0x93: {  	[tilespmem:$0x200] =	vst v21;
	v21 =	vshrl.u32 v23, $0x3;
	v23 =	vld [tilespmem:$0xB0]  }
0x94: {  	v55 =	vld [tilespmem:$0x1FF50];
	[tilespmem:$0x120] =	vst v24  }
0x95: {  	s19 =	sadd.s32 $0x1, s19;
	v56 =	vld [tilespmem:$0x1FF60];
	[tilespmem:$0x1A0] =	vst v24  }
0x96: {  	p0 =	seq.s32 s19, $0xA2;
	s20 =	sshll.u32 s19, $0x6;
	v57 =	vld [tilespmem:$0x1FF70];
	[tilespmem:$0x210] =	vst v21;
	v21 =	vshrl.u32 v24, $0x3  }
0x97: {  	s20 =	simm.s32 @p0 $0x0;
	v58 =	vld [tilespmem:$0x1FF80];
	[tilespmem:$0x220] =	vst v21  }
0x98: {  	s20 =	sadd.s32 s13, s20;
	v59 =	vld [tilespmem:$0x1FF90];
	[tilespmem:$0x130] =	vst v23  }
0x99: {  	s21 =	sshrl.u32 s20, $0x3;
	v60 =	vld [tilespmem:$0x1FFA0];
	[tilespmem:$0x1B0] =	vst v23;
	v21 =	vshrl.u32 v23, $0x3  }
0x9a: {  	s20 =	simm.s32 $0x0;
	v61 =	vld [tilespmem:$0x1FFB0];
	s22 =	sadd.s32 s1, s21;
	[tilespmem:$0x230] =	vst v21  }
0x9b: {  	v62 =	vld [tilespmem:$0x1FFC0];
	[tilespmem:s20], [sflag:$0x3] =	stream.linear.gather [hbm4b:s22+s20], $0x40, $0x38  }
0x9c: {  	v63 =	vld [tilespmem:$0x1FFD0];
	s21 =	sadd.s32 s8, s21  }
0x9d: {  	v11 =	vld [tilespmem:$0x1FFE0];
	[tilespmem:s30], [sflag:$0x4] =	stream.linear.gather [hbm4b:s21+s20], $0x40, $0x38  }
0x9e: {  	v12 =	vld [tilespmem:$0x1FFF0];
	s21 =	simm.s32 $0x182  }
.LBB2_3:
0x9f: {  	s22 =	sshra.s32 s20, $0x2  }
0xa0: {  	v21 =	vld [tilespmem:s22+$0x280]  }
0xa1: {  	v23 =	vld [tilespmem:s22+$0x290]  }
0xa2: {  	v24 =	vld [tilespmem:s22+$0x2280]  }
0xa3: {  	v25 =	vld [tilespmem:s22+$0x2290];
	_ =	sdelay $0x4  }
0xa4: {  	v24 =	vadd.f32 v24, v21;
	v25 =	vadd.f32 v25, v23;
	_ =	sdelay $0x1  }
0xa5: {  	v27 =	vmul.f32 $2.000000030e-01, v24;
	v28 =	vmul.f32 $2.000000030e-01, v25;
	_ =	sdelay $0x1  }
0xa6: {  	v24 =	vmax.f32 v24, v27;
	v25 =	vmax.f32 v25, v28  }
0xa7: {  	v24 =	vmul.f32 v24, v0;
	v25 =	vmul.f32 v25, v1;
	_ =	sdelay $0x1  }
0xa8: {  	v24 =	vadd.f32 v25, v24;
	_ =	sdelay $0x1  }
0xa9: {  	[tilespmem:$0x8400] =	vst v24  }
0xaa: {  	v25 =	vld.idx.msk [tilespmem:v35+s10+$0x0], $0xffff;
	_ =	sdelay $0x4  }
0xab: {  	v24 =	vadd.f32 v24, v25;
	_ =	sdelay $0x1  }
0xac: {  	[tilespmem:$0x8400] =	vst v24  }
0xad: {  	v25 =	vld.idx.msk [tilespmem:v36+s10+$0x0], $0xffff;
	_ =	sdelay $0x4  }
0xae: {  	v24 =	vadd.f32 v24, v25;
	_ =	sdelay $0x1  }
0xaf: {  	[tilespmem:$0x8400] =	vst v24  }
0xb0: {  	v25 =	vld.idx.msk [tilespmem:v37+s10+$0x0], $0xffff;
	_ =	sdelay $0x4  }
0xb1: {  	v24 =	vadd.f32 v24, v25;
	_ =	sdelay $0x1  }
0xb2: {  	[tilespmem:$0x8400] =	vst v24  }
0xb3: {  	v25 =	vld.idx.msk [tilespmem:v38+s10+$0x0], $0xffff;
	_ =	sdelay $0x4  }
0xb4: {  	v24 =	vadd.f32 v25, v24  }
0xb5: {  	v27 =	vld [tilespmem:s22+$0x2B0]  }
0xb6: {  	v28 =	vld [tilespmem:s22+$0x22B0];
	v24 =	vmul.f32 $1.442695020e+00, v24  }
0xb7: {  	v25 =	vld [tilespmem:s22+$0x2A0]  }
0xb8: {  	(erf) = vpow2.f32 v24;
	v24 =	vld [tilespmem:s22+$0x22A0];
	_ =	sdelay $0x3  }
0xb9: {  	v28 =	vadd.f32 v28, v27  }
0xba: {  	v24 =	vadd.f32 v24, v25  }
0xbb: {  	v31 =	vmul.f32 $2.000000030e-01, v28  }
0xbc: {  	v29 =	vmul.f32 $2.000000030e-01, v24  }
0xbd: {  	v28 =	vmax.f32 v28, v31  }
0xbe: {  	v28 =	vmul.f32 v28, v7;
	v32 =	vpop (erf);
	v24 =	vmax.f32 v24, v29  }
0xbf: {  	v21 =	vmul.f32 v32, v21;
	v24 =	vmul.f32 v24, v2  }
0xc0: {  	v23 =	vmul.f32 v32, v23  }
0xc1: {  	[tilespmem:s22+$0x4280] =	vst v21;
	v21 =	vadd.f32 v28, v24  }
0xc2: {  	[tilespmem:s22+$0x4290] =	vst v23  }
0xc3: {  	[tilespmem:$0x8410] =	vst v21  }
0xc4: {  	v23 =	vld.idx.msk [tilespmem:v39+s10+$0x0], $0xffff;
	_ =	sdelay $0x4  }
0xc5: {  	v21 =	vadd.f32 v21, v23;
	_ =	sdelay $0x1  }
0xc6: {  	[tilespmem:$0x8410] =	vst v21  }
0xc7: {  	v23 =	vld.idx.msk [tilespmem:v40+s10+$0x0], $0xffff;
	_ =	sdelay $0x4  }
0xc8: {  	v21 =	vadd.f32 v21, v23;
	_ =	sdelay $0x1  }
0xc9: {  	[tilespmem:$0x8410] =	vst v21  }
0xca: {  	v23 =	vld.idx.msk [tilespmem:v41+s10+$0x0], $0xffff;
	_ =	sdelay $0x4  }
0xcb: {  	v21 =	vadd.f32 v21, v23;
	_ =	sdelay $0x1  }
0xcc: {  	[tilespmem:$0x8410] =	vst v21  }
0xcd: {  	v23 =	vld.idx.msk [tilespmem:v42+s10+$0x0], $0xffff;
	_ =	sdelay $0x4  }
0xce: {  	v21 =	vadd.f32 v23, v21  }
0xcf: {  	v24 =	vld [tilespmem:s22+$0x2D0]  }
0xd0: {  	v28 =	vld [tilespmem:s22+$0x22D0];
	v21 =	vmul.f32 $1.442695020e+00, v21  }
0xd1: {  	v23 =	vld [tilespmem:s22+$0x2C0]  }
0xd2: {  	(erf) = vpow2.f32 v21;
	v21 =	vld [tilespmem:s22+$0x22C0];
	_ =	sdelay $0x3  }
0xd3: {  	v28 =	vadd.f32 v28, v24  }
0xd4: {  	v21 =	vadd.f32 v21, v23  }
0xd5: {  	v31 =	vmul.f32 $2.000000030e-01, v28  }
0xd6: {  	v29 =	vmul.f32 $2.000000030e-01, v21  }
0xd7: {  	v28 =	vmax.f32 v28, v31  }
0xd8: {  	v28 =	vmul.f32 v28, v9;
	v33 =	vpop (erf);
	v21 =	vmax.f32 v21, v29  }
0xd9: {  	v25 =	vmul.f32 v33, v25;
	v21 =	vmul.f32 v21, v8  }
0xda: {  	v27 =	vmul.f32 v33, v27  }
0xdb: {  	[tilespmem:s22+$0x42A0] =	vst v25;
	v21 =	vadd.f32 v28, v21  }
0xdc: {  	[tilespmem:s22+$0x42B0] =	vst v27  }
0xdd: {  	[tilespmem:$0x8420] =	vst v21  }
0xde: {  	v25 =	vld.idx.msk [tilespmem:v43+s10+$0x0], $0xffff;
	_ =	sdelay $0x4  }
0xdf: {  	v21 =	vadd.f32 v21, v25;
	_ =	sdelay $0x1  }
0xe0: {  	[tilespmem:$0x8420] =	vst v21  }
0xe1: {  	v25 =	vld.idx.msk [tilespmem:v44+s10+$0x0], $0xffff;
	_ =	sdelay $0x4  }
0xe2: {  	v21 =	vadd.f32 v21, v25;
	_ =	sdelay $0x1  }
0xe3: {  	[tilespmem:$0x8420] =	vst v21  }
0xe4: {  	v25 =	vld.idx.msk [tilespmem:v45+s10+$0x0], $0xffff;
	_ =	sdelay $0x4  }
0xe5: {  	v21 =	vadd.f32 v21, v25;
	_ =	sdelay $0x1  }
0xe6: {  	[tilespmem:$0x8420] =	vst v21  }
0xe7: {  	v25 =	vld.idx.msk [tilespmem:v46+s10+$0x0], $0xffff;
	_ =	sdelay $0x4  }
0xe8: {  	v21 =	vadd.f32 v25, v21;
	_ =	sdelay $0x1  }
0xe9: {  	v21 =	vmul.f32 $1.442695020e+00, v21;
	_ =	sdelay $0x1  }
0xea: {  	(erf) = vpow2.f32 v21;
	_ =	sdelay $0x1  }
0xeb: {  	v27 =	vld [tilespmem:s22+$0x2F0]  }
0xec: {  	v28 =	vld [tilespmem:s22+$0x22F0]  }
0xed: {  	v25 =	vld [tilespmem:s22+$0x2E0]  }
0xee: {  	v21 =	vld [tilespmem:s22+$0x22E0];
	_ =	sdelay $0x3  }
0xef: {  	v34 =	vpop (erf)  }
0xf0: {  	v28 =	vadd.f32 v28, v27;
	v21 =	vadd.f32 v21, v25;
	v23 =	vmul.f32 v34, v23;
	_ =	sdelay $0x1  }
0xf1: {  	v31 =	vmul.f32 $2.000000030e-01, v28;
	v29 =	vmul.f32 $2.000000030e-01, v21;
	[tilespmem:s22+$0x42C0] =	vst v23;
	v23 =	vld [tilespmem:$0x1FD00];
	_ =	sdelay $0x1  }
0xf2: {  	v28 =	vmax.f32 v28, v31;
	v21 =	vmax.f32 v21, v29  }
0xf3: {  	v28 =	vmul.f32 v28, v14;
	v21 =	vmul.f32 v21, v10  }
0xf4: {  	v24 =	vmul.f32 v34, v24  }
0xf5: {  	v21 =	vadd.f32 v28, v21  }
0xf6: {  	[tilespmem:s22+$0x42D0] =	vst v24  }
0xf7: {  	[tilespmem:$0x8430] =	vst v21  }
0xf8: {  	v23 =	vld.idx.msk [tilespmem:v23+s10+$0x0], $0xffff;
	_ =	sdelay $0x4  }
0xf9: {  	v21 =	vadd.f32 v21, v23;
	v23 =	vld [tilespmem:$0x1FD10];
	_ =	sdelay $0x6  }
0xfa: {  	[tilespmem:$0x8430] =	vst v21  }
0xfb: {  	v23 =	vld.idx.msk [tilespmem:v23+s10+$0x0], $0xffff;
	_ =	sdelay $0x4  }
0xfc: {  	v21 =	vadd.f32 v21, v23;
	v23 =	vld [tilespmem:$0x1FD20];
	_ =	sdelay $0x6  }
0xfd: {  	[tilespmem:$0x8430] =	vst v21  }
0xfe: {  	v23 =	vld.idx.msk [tilespmem:v23+s10+$0x0], $0xffff;
	_ =	sdelay $0x4  }
0xff: {  	v21 =	vadd.f32 v21, v23;
	v23 =	vld [tilespmem:$0x1FD30];
	_ =	sdelay $0x6  }
0x100: {  	[tilespmem:$0x8430] =	vst v21  }
0x101: {  	v23 =	vld.idx.msk [tilespmem:v23+s10+$0x0], $0xffff;
	_ =	sdelay $0x4  }
0x102: {  	v21 =	vadd.f32 v23, v21;
	_ =	sdelay $0x1  }
0x103: {  	v21 =	vmul.f32 $1.442695020e+00, v21;
	_ =	sdelay $0x1  }
0x104: {  	(erf) = vpow2.f32 v21;
	_ =	sdelay $0x8  }
0x105: {  	v21 =	vpop (erf)  }
0x106: {  	v23 =	vmul.f32 v21, v25  }
0x107: {  	v24 =	vmul.f32 v21, v27  }
0x108: {  	[tilespmem:s22+$0x42E0] =	vst v23  }
0x109: {  	[tilespmem:s22+$0x42F0] =	vst v24  }
0x10a: {  	v23 =	vld [tilespmem:s21+$0xFFFFFFFE];
	_ =	sdelay $0x4  }
0x10b: {  	(v2sf) =	vpush v23, $0x0;
	_ =	sdelay $0xa  }
0x10c: {  	v24 =	vmul.f32 v33, v22;
	v23 =	vmul.f32 v32, v18;
	_ =	sdelay $0x1  }
0x10d: {  	v23 =	vadd.f32 v24, v23;
	v24 =	vmul.f32 v34, v26;
	_ =	sdelay $0x1  }
0x10e: {  	v21 =	vmul.f32 v21, v30;
	v23 =	vadd.f32 v24, v23;
	s23 =	spop (v2sf)  }
0x10f: {  	s23 =	sand.u32 $0x7, s23  }
0x110: {  	v21 =	vadd.f32 v21, v23;
	s23 =	sshll.u32 s23, $0x4  }
0x111: {  	s23 =	sadd.s32 s22, s23  }
0x112: {  	[tilespmem:s23+$0x6280] =	vst v21  }
0x113: {  	v21 =	vld [tilespmem:s22+$0x300]  }
0x114: {  	v23 =	vld [tilespmem:s22+$0x310]  }
0x115: {  	v24 =	vld [tilespmem:s22+$0x2300]  }
0x116: {  	v25 =	vld [tilespmem:s22+$0x2310];
	_ =	sdelay $0x4  }
0x117: {  	v24 =	vadd.f32 v24, v21;
	v25 =	vadd.f32 v25, v23;
	_ =	sdelay $0x1  }
0x118: {  	v27 =	vmul.f32 $2.000000030e-01, v24;
	v28 =	vmul.f32 $2.000000030e-01, v25;
	_ =	sdelay $0x1  }
0x119: {  	v24 =	vmax.f32 v24, v27;
	v25 =	vmax.f32 v25, v28  }
0x11a: {  	v24 =	vmul.f32 v24, v0;
	v25 =	vmul.f32 v25, v1;
	_ =	sdelay $0x1  }
0x11b: {  	v24 =	vadd.f32 v25, v24;
	v25 =	vld [tilespmem:$0x1FD40];
	_ =	sdelay $0x6  }
0x11c: {  	[tilespmem:$0x8440] =	vst v24  }
0x11d: {  	v25 =	vld.idx.msk [tilespmem:v25+s10+$0x0], $0xffff;
	_ =	sdelay $0x4  }
0x11e: {  	v24 =	vadd.f32 v24, v25;
	v25 =	vld [tilespmem:$0x1FD50];
	_ =	sdelay $0x6  }
0x11f: {  	[tilespmem:$0x8440] =	vst v24  }
0x120: {  	v25 =	vld.idx.msk [tilespmem:v25+s10+$0x0], $0xffff;
	_ =	sdelay $0x4  }
0x121: {  	v24 =	vadd.f32 v24, v25;
	v25 =	vld [tilespmem:$0x1FD60];
	_ =	sdelay $0x6  }
0x122: {  	[tilespmem:$0x8440] =	vst v24  }
0x123: {  	v25 =	vld.idx.msk [tilespmem:v25+s10+$0x0], $0xffff;
	_ =	sdelay $0x4  }
0x124: {  	v24 =	vadd.f32 v24, v25;
	v25 =	vld [tilespmem:$0x1FD70];
	_ =	sdelay $0x6  }
0x125: {  	[tilespmem:$0x8440] =	vst v24  }
0x126: {  	v25 =	vld.idx.msk [tilespmem:v25+s10+$0x0], $0xffff;
	_ =	sdelay $0x4  }
0x127: {  	v24 =	vadd.f32 v25, v24;
	_ =	sdelay $0x1  }
0x128: {  	v24 =	vmul.f32 $1.442695020e+00, v24;
	_ =	sdelay $0x1  }
0x129: {  	(erf) = vpow2.f32 v24;
	_ =	sdelay $0x1  }
0x12a: {  	v27 =	vld [tilespmem:s22+$0x330]  }
0x12b: {  	v28 =	vld [tilespmem:s22+$0x2330]  }
0x12c: {  	v25 =	vld [tilespmem:s22+$0x320]  }
0x12d: {  	v24 =	vld [tilespmem:s22+$0x2320];
	_ =	sdelay $0x3  }
0x12e: {  	v28 =	vadd.f32 v28, v27;
	v32 =	vpop (erf)  }
0x12f: {  	v24 =	vadd.f32 v24, v25;
	v23 =	vmul.f32 v32, v23  }
0x130: {  	v31 =	vmul.f32 $2.000000030e-01, v28  }
0x131: {  	v29 =	vmul.f32 $2.000000030e-01, v24;
	[tilespmem:s22+$0x4310] =	vst v23;
	v23 =	vld [tilespmem:$0x1FD80]  }
0x132: {  	v28 =	vmax.f32 v28, v31  }
0x133: {  	v28 =	vmul.f32 v28, v7;
	v24 =	vmax.f32 v24, v29  }
0x134: {  	v21 =	vmul.f32 v32, v21;
	v24 =	vmul.f32 v24, v2;
	_ =	sdelay $0x1  }
0x135: {  	[tilespmem:s22+$0x4300] =	vst v21;
	v21 =	vadd.f32 v28, v24;
	_ =	sdelay $0x1  }
0x136: {  	[tilespmem:$0x8450] =	vst v21  }
0x137: {  	v23 =	vld.idx.msk [tilespmem:v23+s10+$0x0], $0xffff;
	_ =	sdelay $0x4  }
0x138: {  	v21 =	vadd.f32 v21, v23;
	v23 =	vld [tilespmem:$0x1FD90];
	_ =	sdelay $0x6  }
0x139: {  	[tilespmem:$0x8450] =	vst v21  }
0x13a: {  	v23 =	vld.idx.msk [tilespmem:v23+s10+$0x0], $0xffff;
	_ =	sdelay $0x4  }
0x13b: {  	v21 =	vadd.f32 v21, v23;
	v23 =	vld [tilespmem:$0x1FDA0];
	_ =	sdelay $0x6  }
0x13c: {  	[tilespmem:$0x8450] =	vst v21  }
0x13d: {  	v23 =	vld.idx.msk [tilespmem:v23+s10+$0x0], $0xffff;
	_ =	sdelay $0x4  }
0x13e: {  	v21 =	vadd.f32 v21, v23;
	v23 =	vld [tilespmem:$0x1FDB0];
	_ =	sdelay $0x6  }
0x13f: {  	[tilespmem:$0x8450] =	vst v21  }
0x140: {  	v23 =	vld.idx.msk [tilespmem:v23+s10+$0x0], $0xffff;
	_ =	sdelay $0x4  }
0x141: {  	v21 =	vadd.f32 v23, v21;
	_ =	sdelay $0x1  }
0x142: {  	v21 =	vmul.f32 $1.442695020e+00, v21;
	_ =	sdelay $0x1  }
0x143: {  	(erf) = vpow2.f32 v21;
	_ =	sdelay $0x1  }
0x144: {  	v24 =	vld [tilespmem:s22+$0x350]  }
0x145: {  	v28 =	vld [tilespmem:s22+$0x2350]  }
0x146: {  	v23 =	vld [tilespmem:s22+$0x340]  }
0x147: {  	v21 =	vld [tilespmem:s22+$0x2340];
	_ =	sdelay $0x3  }
0x148: {  	v33 =	vpop (erf)  }
0x149: {  	v28 =	vadd.f32 v28, v24;
	v21 =	vadd.f32 v21, v23;
	v25 =	vmul.f32 v33, v25;
	_ =	sdelay $0x1  }
0x14a: {  	v31 =	vmul.f32 $2.000000030e-01, v28;
	v29 =	vmul.f32 $2.000000030e-01, v21;
	[tilespmem:s22+$0x4320] =	vst v25;
	v25 =	vld [tilespmem:$0x1FDC0];
	_ =	sdelay $0x1  }
0x14b: {  	v28 =	vmax.f32 v28, v31;
	v21 =	vmax.f32 v21, v29  }
0x14c: {  	v28 =	vmul.f32 v28, v9;
	v21 =	vmul.f32 v21, v8  }
0x14d: {  	v27 =	vmul.f32 v33, v27  }
0x14e: {  	v21 =	vadd.f32 v28, v21  }
0x14f: {  	[tilespmem:s22+$0x4330] =	vst v27  }
0x150: {  	[tilespmem:$0x8460] =	vst v21  }
0x151: {  	v25 =	vld.idx.msk [tilespmem:v25+s10+$0x0], $0xffff;
	_ =	sdelay $0x4  }
0x152: {  	v21 =	vadd.f32 v21, v25;
	v25 =	vld [tilespmem:$0x1FDD0];
	_ =	sdelay $0x6  }
0x153: {  	[tilespmem:$0x8460] =	vst v21  }
0x154: {  	v25 =	vld.idx.msk [tilespmem:v25+s10+$0x0], $0xffff;
	_ =	sdelay $0x4  }
0x155: {  	v21 =	vadd.f32 v21, v25;
	v25 =	vld [tilespmem:$0x1FDE0];
	_ =	sdelay $0x6  }
0x156: {  	[tilespmem:$0x8460] =	vst v21  }
0x157: {  	v25 =	vld.idx.msk [tilespmem:v25+s10+$0x0], $0xffff;
	_ =	sdelay $0x4  }
0x158: {  	v21 =	vadd.f32 v21, v25;
	v25 =	vld [tilespmem:$0x1FDF0];
	_ =	sdelay $0x6  }
0x159: {  	[tilespmem:$0x8460] =	vst v21  }
0x15a: {  	v25 =	vld.idx.msk [tilespmem:v25+s10+$0x0], $0xffff;
	_ =	sdelay $0x4  }
0x15b: {  	v21 =	vadd.f32 v25, v21;
	_ =	sdelay $0x1  }
0x15c: {  	v21 =	vmul.f32 $1.442695020e+00, v21;
	_ =	sdelay $0x1  }
0x15d: {  	(erf) = vpow2.f32 v21;
	_ =	sdelay $0x1  }
0x15e: {  	v27 =	vld [tilespmem:s22+$0x370]  }
0x15f: {  	v28 =	vld [tilespmem:s22+$0x2370]  }
0x160: {  	v25 =	vld [tilespmem:s22+$0x360]  }
0x161: {  	v21 =	vld [tilespmem:s22+$0x2360];
	_ =	sdelay $0x3  }
0x162: {  	v34 =	vpop (erf)  }
0x163: {  	v28 =	vadd.f32 v28, v27;
	v21 =	vadd.f32 v21, v25;
	v23 =	vmul.f32 v34, v23;
	_ =	sdelay $0x1  }
0x164: {  	v31 =	vmul.f32 $2.000000030e-01, v28;
	v29 =	vmul.f32 $2.000000030e-01, v21;
	[tilespmem:s22+$0x4340] =	vst v23;
	v23 =	vld [tilespmem:$0x1FE00];
	_ =	sdelay $0x1  }
0x165: {  	v28 =	vmax.f32 v28, v31;
	v21 =	vmax.f32 v21, v29  }
0x166: {  	v28 =	vmul.f32 v28, v14;
	v21 =	vmul.f32 v21, v10  }
0x167: {  	v24 =	vmul.f32 v34, v24  }
0x168: {  	v21 =	vadd.f32 v28, v21  }
0x169: {  	[tilespmem:s22+$0x4350] =	vst v24  }
0x16a: {  	[tilespmem:$0x8470] =	vst v21  }
0x16b: {  	v23 =	vld.idx.msk [tilespmem:v23+s10+$0x0], $0xffff;
	_ =	sdelay $0x4  }
0x16c: {  	v21 =	vadd.f32 v21, v23;
	v23 =	vld [tilespmem:$0x1FE10];
	_ =	sdelay $0x6  }
0x16d: {  	[tilespmem:$0x8470] =	vst v21  }
0x16e: {  	v23 =	vld.idx.msk [tilespmem:v23+s10+$0x0], $0xffff;
	_ =	sdelay $0x4  }
0x16f: {  	v21 =	vadd.f32 v21, v23;
	v23 =	vld [tilespmem:$0x1FE20];
	_ =	sdelay $0x6  }
0x170: {  	[tilespmem:$0x8470] =	vst v21  }
0x171: {  	v23 =	vld.idx.msk [tilespmem:v23+s10+$0x0], $0xffff;
	_ =	sdelay $0x4  }
0x172: {  	v21 =	vadd.f32 v21, v23;
	v23 =	vld [tilespmem:$0x1FE30];
	_ =	sdelay $0x6  }
0x173: {  	[tilespmem:$0x8470] =	vst v21  }
0x174: {  	v23 =	vld.idx.msk [tilespmem:v23+s10+$0x0], $0xffff;
	_ =	sdelay $0x4  }
0x175: {  	v21 =	vadd.f32 v23, v21;
	_ =	sdelay $0x1  }
0x176: {  	v21 =	vmul.f32 $1.442695020e+00, v21;
	_ =	sdelay $0x1  }
0x177: {  	(erf) = vpow2.f32 v21;
	_ =	sdelay $0x8  }
0x178: {  	v21 =	vpop (erf)  }
0x179: {  	v23 =	vmul.f32 v21, v25  }
0x17a: {  	v24 =	vmul.f32 v21, v27  }
0x17b: {  	[tilespmem:s22+$0x4360] =	vst v23  }
0x17c: {  	[tilespmem:s22+$0x4370] =	vst v24  }
0x17d: {  	v23 =	vld [tilespmem:s21+$0xFFFFFFFF];
	_ =	sdelay $0x4  }
0x17e: {  	(v2sf) =	vpush v23, $0x0;
	_ =	sdelay $0xa  }
0x17f: {  	v24 =	vmul.f32 v33, v22;
	v23 =	vmul.f32 v32, v18;
	_ =	sdelay $0x1  }
0x180: {  	v23 =	vadd.f32 v24, v23;
	v24 =	vmul.f32 v34, v26;
	_ =	sdelay $0x1  }
0x181: {  	v21 =	vmul.f32 v21, v30;
	v23 =	vadd.f32 v24, v23;
	s23 =	spop (v2sf)  }
0x182: {  	s23 =	sand.u32 $0x7, s23  }
0x183: {  	v21 =	vadd.f32 v21, v23;
	s23 =	sshll.u32 s23, $0x4  }
0x184: {  	s23 =	sadd.s32 s22, s23  }
0x185: {  	[tilespmem:s23+$0x6300] =	vst v21  }
0x186: {  	v21 =	vld [tilespmem:s22+$0x380]  }
0x187: {  	v23 =	vld [tilespmem:s22+$0x390]  }
0x188: {  	v24 =	vld [tilespmem:s22+$0x2380]  }
0x189: {  	v25 =	vld [tilespmem:s22+$0x2390];
	_ =	sdelay $0x4  }
0x18a: {  	v24 =	vadd.f32 v24, v21;
	v25 =	vadd.f32 v25, v23;
	_ =	sdelay $0x1  }
0x18b: {  	v27 =	vmul.f32 $2.000000030e-01, v24;
	v28 =	vmul.f32 $2.000000030e-01, v25;
	_ =	sdelay $0x1  }
0x18c: {  	v24 =	vmax.f32 v24, v27;
	v25 =	vmax.f32 v25, v28  }
0x18d: {  	v24 =	vmul.f32 v24, v0;
	v25 =	vmul.f32 v25, v1;
	_ =	sdelay $0x1  }
0x18e: {  	v24 =	vadd.f32 v25, v24;
	v25 =	vld [tilespmem:$0x1FE40];
	_ =	sdelay $0x6  }
0x18f: {  	[tilespmem:$0x8480] =	vst v24  }
0x190: {  	v25 =	vld.idx.msk [tilespmem:v25+s10+$0x0], $0xffff;
	_ =	sdelay $0x4  }
0x191: {  	v24 =	vadd.f32 v24, v25;
	v25 =	vld [tilespmem:$0x1FE50];
	_ =	sdelay $0x6  }
0x192: {  	[tilespmem:$0x8480] =	vst v24  }
0x193: {  	v25 =	vld.idx.msk [tilespmem:v25+s10+$0x0], $0xffff;
	_ =	sdelay $0x4  }
0x194: {  	v24 =	vadd.f32 v24, v25;
	v25 =	vld [tilespmem:$0x1FE60];
	_ =	sdelay $0x6  }
0x195: {  	[tilespmem:$0x8480] =	vst v24  }
0x196: {  	v25 =	vld.idx.msk [tilespmem:v25+s10+$0x0], $0xffff;
	_ =	sdelay $0x4  }
0x197: {  	v24 =	vadd.f32 v24, v25;
	_ =	sdelay $0x1  }
0x198: {  	[tilespmem:$0x8480] =	vst v24  }
0x199: {  	v25 =	vld.idx.msk [tilespmem:v5+s10+$0x0], $0xffff;
	_ =	sdelay $0x4  }
0x19a: {  	v24 =	vadd.f32 v25, v24  }
0x19b: {  	v27 =	vld [tilespmem:s22+$0x3B0]  }
0x19c: {  	v28 =	vld [tilespmem:s22+$0x23B0];
	v24 =	vmul.f32 $1.442695020e+00, v24  }
0x19d: {  	v25 =	vld [tilespmem:s22+$0x3A0]  }
0x19e: {  	(erf) = vpow2.f32 v24;
	v24 =	vld [tilespmem:s22+$0x23A0];
	_ =	sdelay $0x3  }
0x19f: {  	v28 =	vadd.f32 v28, v27  }
0x1a0: {  	v24 =	vadd.f32 v24, v25  }
0x1a1: {  	v31 =	vmul.f32 $2.000000030e-01, v28  }
0x1a2: {  	v29 =	vmul.f32 $2.000000030e-01, v24  }
0x1a3: {  	v28 =	vmax.f32 v28, v31  }
0x1a4: {  	v28 =	vmul.f32 v28, v7;
	v32 =	vpop (erf);
	v24 =	vmax.f32 v24, v29  }
0x1a5: {  	v21 =	vmul.f32 v32, v21;
	v24 =	vmul.f32 v24, v2  }
0x1a6: {  	v23 =	vmul.f32 v32, v23  }
0x1a7: {  	[tilespmem:s22+$0x4380] =	vst v21;
	v21 =	vadd.f32 v28, v24  }
0x1a8: {  	[tilespmem:s22+$0x4390] =	vst v23  }
0x1a9: {  	[tilespmem:$0x8490] =	vst v21  }
0x1aa: {  	v23 =	vld.idx.msk [tilespmem:v16+s10+$0x0], $0xffff;
	_ =	sdelay $0x4  }
0x1ab: {  	v21 =	vadd.f32 v21, v23;
	_ =	sdelay $0x1  }
0x1ac: {  	[tilespmem:$0x8490] =	vst v21  }
0x1ad: {  	v23 =	vld.idx.msk [tilespmem:v6+s10+$0x0], $0xffff;
	_ =	sdelay $0x4  }
0x1ae: {  	v21 =	vadd.f32 v21, v23;
	_ =	sdelay $0x1  }
0x1af: {  	[tilespmem:$0x8490] =	vst v21  }
0x1b0: {  	v23 =	vld.idx.msk [tilespmem:v17+s10+$0x0], $0xffff;
	_ =	sdelay $0x4  }
0x1b1: {  	v21 =	vadd.f32 v21, v23;
	_ =	sdelay $0x1  }
0x1b2: {  	[tilespmem:$0x8490] =	vst v21  }
0x1b3: {  	v23 =	vld.idx.msk [tilespmem:v19+s10+$0x0], $0xffff;
	_ =	sdelay $0x4  }
0x1b4: {  	v21 =	vadd.f32 v23, v21  }
0x1b5: {  	v24 =	vld [tilespmem:s22+$0x3D0]  }
0x1b6: {  	v28 =	vld [tilespmem:s22+$0x23D0];
	v21 =	vmul.f32 $1.442695020e+00, v21  }
0x1b7: {  	v23 =	vld [tilespmem:s22+$0x3C0]  }
0x1b8: {  	(erf) = vpow2.f32 v21;
	v21 =	vld [tilespmem:s22+$0x23C0];
	_ =	sdelay $0x3  }
0x1b9: {  	v28 =	vadd.f32 v28, v24  }
0x1ba: {  	v21 =	vadd.f32 v21, v23  }
0x1bb: {  	v31 =	vmul.f32 $2.000000030e-01, v28  }
0x1bc: {  	v29 =	vmul.f32 $2.000000030e-01, v21  }
0x1bd: {  	v28 =	vmax.f32 v28, v31  }
0x1be: {  	v28 =	vmul.f32 v28, v9;
	v33 =	vpop (erf);
	v21 =	vmax.f32 v21, v29  }
0x1bf: {  	v25 =	vmul.f32 v33, v25;
	v21 =	vmul.f32 v21, v8  }
0x1c0: {  	v27 =	vmul.f32 v33, v27  }
0x1c1: {  	[tilespmem:s22+$0x43A0] =	vst v25;
	v21 =	vadd.f32 v28, v21  }
0x1c2: {  	[tilespmem:s22+$0x43B0] =	vst v27  }
0x1c3: {  	[tilespmem:$0x84A0] =	vst v21  }
0x1c4: {  	v25 =	vld.idx.msk [tilespmem:v20+s10+$0x0], $0xffff;
	_ =	sdelay $0x4  }
0x1c5: {  	v21 =	vadd.f32 v21, v25;
	_ =	sdelay $0x1  }
0x1c6: {  	[tilespmem:$0x84A0] =	vst v21  }
0x1c7: {  	v25 =	vld.idx.msk [tilespmem:v47+s10+$0x0], $0xffff;
	_ =	sdelay $0x4  }
0x1c8: {  	v21 =	vadd.f32 v21, v25;
	_ =	sdelay $0x1  }
0x1c9: {  	[tilespmem:$0x84A0] =	vst v21  }
0x1ca: {  	v25 =	vld.idx.msk [tilespmem:v48+s10+$0x0], $0xffff;
	_ =	sdelay $0x4  }
0x1cb: {  	v21 =	vadd.f32 v21, v25;
	_ =	sdelay $0x1  }
0x1cc: {  	[tilespmem:$0x84A0] =	vst v21  }
0x1cd: {  	v25 =	vld.idx.msk [tilespmem:v49+s10+$0x0], $0xffff;
	_ =	sdelay $0x4  }
0x1ce: {  	v21 =	vadd.f32 v25, v21  }
0x1cf: {  	v27 =	vld [tilespmem:s22+$0x3F0]  }
0x1d0: {  	v28 =	vld [tilespmem:s22+$0x23F0];
	v21 =	vmul.f32 $1.442695020e+00, v21  }
0x1d1: {  	v25 =	vld [tilespmem:s22+$0x3E0]  }
0x1d2: {  	(erf) = vpow2.f32 v21;
	v21 =	vld [tilespmem:s22+$0x23E0];
	_ =	sdelay $0x3  }
0x1d3: {  	v28 =	vadd.f32 v28, v27  }
0x1d4: {  	v21 =	vadd.f32 v21, v25  }
0x1d5: {  	v31 =	vmul.f32 $2.000000030e-01, v28  }
0x1d6: {  	v29 =	vmul.f32 $2.000000030e-01, v21  }
0x1d7: {  	v28 =	vmax.f32 v28, v31  }
0x1d8: {  	v28 =	vmul.f32 v28, v14;
	v34 =	vpop (erf);
	v21 =	vmax.f32 v21, v29  }
0x1d9: {  	v23 =	vmul.f32 v34, v23;
	v21 =	vmul.f32 v21, v10  }
0x1da: {  	v24 =	vmul.f32 v34, v24  }
0x1db: {  	[tilespmem:s22+$0x43C0] =	vst v23;
	v21 =	vadd.f32 v28, v21  }
0x1dc: {  	[tilespmem:s22+$0x43D0] =	vst v24  }
0x1dd: {  	[tilespmem:$0x84B0] =	vst v21  }
0x1de: {  	v23 =	vld.idx.msk [tilespmem:v50+s10+$0x0], $0xffff;
	_ =	sdelay $0x4  }
0x1df: {  	v21 =	vadd.f32 v21, v23;
	_ =	sdelay $0x1  }
0x1e0: {  	[tilespmem:$0x84B0] =	vst v21  }
0x1e1: {  	v23 =	vld.idx.msk [tilespmem:v51+s10+$0x0], $0xffff;
	_ =	sdelay $0x4  }
0x1e2: {  	v21 =	vadd.f32 v21, v23;
	_ =	sdelay $0x1  }
0x1e3: {  	[tilespmem:$0x84B0] =	vst v21  }
0x1e4: {  	v23 =	vld.idx.msk [tilespmem:v52+s10+$0x0], $0xffff;
	_ =	sdelay $0x4  }
0x1e5: {  	v21 =	vadd.f32 v21, v23;
	_ =	sdelay $0x1  }
0x1e6: {  	[tilespmem:$0x84B0] =	vst v21  }
0x1e7: {  	v23 =	vld.idx.msk [tilespmem:v53+s10+$0x0], $0xffff;
	_ =	sdelay $0x4  }
0x1e8: {  	v21 =	vadd.f32 v23, v21;
	_ =	sdelay $0x1  }
0x1e9: {  	v21 =	vmul.f32 $1.442695020e+00, v21;
	_ =	sdelay $0x1  }
0x1ea: {  	(erf) = vpow2.f32 v21;
	_ =	sdelay $0x8  }
0x1eb: {  	v21 =	vpop (erf)  }
0x1ec: {  	v23 =	vmul.f32 v21, v25  }
0x1ed: {  	v24 =	vmul.f32 v21, v27  }
0x1ee: {  	[tilespmem:s22+$0x43E0] =	vst v23  }
0x1ef: {  	[tilespmem:s22+$0x43F0] =	vst v24  }
0x1f0: {  	v23 =	vld [tilespmem:s21+$0x0];
	_ =	sdelay $0x4  }
0x1f1: {  	(v2sf) =	vpush v23, $0x0;
	_ =	sdelay $0xa  }
0x1f2: {  	v24 =	vmul.f32 v33, v22;
	v23 =	vmul.f32 v32, v18;
	_ =	sdelay $0x1  }
0x1f3: {  	v23 =	vadd.f32 v24, v23;
	v24 =	vmul.f32 v34, v26;
	_ =	sdelay $0x1  }
0x1f4: {  	v21 =	vmul.f32 v21, v30;
	v23 =	vadd.f32 v24, v23;
	s23 =	spop (v2sf)  }
0x1f5: {  	s23 =	sand.u32 $0x7, s23  }
0x1f6: {  	v21 =	vadd.f32 v21, v23;
	s23 =	sshll.u32 s23, $0x4  }
0x1f7: {  	s23 =	sadd.s32 s22, s23  }
0x1f8: {  	[tilespmem:s23+$0x6380] =	vst v21  }
0x1f9: {  	v21 =	vld [tilespmem:s22+$0x400]  }
0x1fa: {  	v23 =	vld [tilespmem:s22+$0x410]  }
0x1fb: {  	v24 =	vld [tilespmem:s22+$0x2400]  }
0x1fc: {  	v25 =	vld [tilespmem:s22+$0x2410];
	_ =	sdelay $0x4  }
0x1fd: {  	v24 =	vadd.f32 v24, v21;
	v25 =	vadd.f32 v25, v23;
	_ =	sdelay $0x1  }
0x1fe: {  	v27 =	vmul.f32 $2.000000030e-01, v24;
	v28 =	vmul.f32 $2.000000030e-01, v25;
	_ =	sdelay $0x1  }
0x1ff: {  	v24 =	vmax.f32 v24, v27;
	v25 =	vmax.f32 v25, v28  }
0x200: {  	v24 =	vmul.f32 v24, v0;
	v25 =	vmul.f32 v25, v1;
	_ =	sdelay $0x1  }
0x201: {  	v24 =	vadd.f32 v25, v24;
	_ =	sdelay $0x1  }
0x202: {  	[tilespmem:$0x84C0] =	vst v24  }
0x203: {  	v25 =	vld.idx.msk [tilespmem:v54+s10+$0x0], $0xffff;
	_ =	sdelay $0x4  }
0x204: {  	v24 =	vadd.f32 v24, v25;
	_ =	sdelay $0x1  }
0x205: {  	[tilespmem:$0x84C0] =	vst v24  }
0x206: {  	v25 =	vld.idx.msk [tilespmem:v55+s10+$0x0], $0xffff;
	_ =	sdelay $0x4  }
0x207: {  	v24 =	vadd.f32 v24, v25;
	_ =	sdelay $0x1  }
0x208: {  	[tilespmem:$0x84C0] =	vst v24  }
0x209: {  	v25 =	vld.idx.msk [tilespmem:v56+s10+$0x0], $0xffff;
	_ =	sdelay $0x4  }
0x20a: {  	v24 =	vadd.f32 v24, v25;
	_ =	sdelay $0x1  }
0x20b: {  	[tilespmem:$0x84C0] =	vst v24  }
0x20c: {  	v25 =	vld.idx.msk [tilespmem:v57+s10+$0x0], $0xffff;
	_ =	sdelay $0x4  }
0x20d: {  	v24 =	vadd.f32 v25, v24  }
0x20e: {  	v27 =	vld [tilespmem:s22+$0x430]  }
0x20f: {  	v28 =	vld [tilespmem:s22+$0x2430];
	v24 =	vmul.f32 $1.442695020e+00, v24  }
0x210: {  	v25 =	vld [tilespmem:s22+$0x420]  }
0x211: {  	(erf) = vpow2.f32 v24;
	v24 =	vld [tilespmem:s22+$0x2420];
	_ =	sdelay $0x3  }
0x212: {  	v28 =	vadd.f32 v28, v27  }
0x213: {  	v24 =	vadd.f32 v24, v25  }
0x214: {  	v31 =	vmul.f32 $2.000000030e-01, v28  }
0x215: {  	v29 =	vmul.f32 $2.000000030e-01, v24  }
0x216: {  	v28 =	vmax.f32 v28, v31  }
0x217: {  	v28 =	vmul.f32 v28, v7;
	v32 =	vpop (erf);
	v24 =	vmax.f32 v24, v29  }
0x218: {  	v21 =	vmul.f32 v32, v21;
	v24 =	vmul.f32 v24, v2  }
0x219: {  	v23 =	vmul.f32 v32, v23  }
0x21a: {  	[tilespmem:s22+$0x4400] =	vst v21;
	v21 =	vadd.f32 v28, v24  }
0x21b: {  	[tilespmem:s22+$0x4410] =	vst v23  }
0x21c: {  	[tilespmem:$0x84D0] =	vst v21  }
0x21d: {  	v23 =	vld.idx.msk [tilespmem:v58+s10+$0x0], $0xffff;
	_ =	sdelay $0x4  }
0x21e: {  	v21 =	vadd.f32 v21, v23;
	_ =	sdelay $0x1  }
0x21f: {  	[tilespmem:$0x84D0] =	vst v21  }
0x220: {  	v23 =	vld.idx.msk [tilespmem:v59+s10+$0x0], $0xffff;
	_ =	sdelay $0x4  }
0x221: {  	v21 =	vadd.f32 v21, v23;
	_ =	sdelay $0x1  }
0x222: {  	[tilespmem:$0x84D0] =	vst v21  }
0x223: {  	v23 =	vld.idx.msk [tilespmem:v60+s10+$0x0], $0xffff;
	_ =	sdelay $0x4  }
0x224: {  	v21 =	vadd.f32 v21, v23;
	_ =	sdelay $0x1  }
0x225: {  	[tilespmem:$0x84D0] =	vst v21  }
0x226: {  	v23 =	vld.idx.msk [tilespmem:v61+s10+$0x0], $0xffff;
	_ =	sdelay $0x4  }
0x227: {  	v21 =	vadd.f32 v23, v21  }
0x228: {  	v24 =	vld [tilespmem:s22+$0x450]  }
0x229: {  	v28 =	vld [tilespmem:s22+$0x2450];
	v21 =	vmul.f32 $1.442695020e+00, v21  }
0x22a: {  	v23 =	vld [tilespmem:s22+$0x440]  }
0x22b: {  	(erf) = vpow2.f32 v21;
	v21 =	vld [tilespmem:s22+$0x2440];
	_ =	sdelay $0x3  }
0x22c: {  	v28 =	vadd.f32 v28, v24  }
0x22d: {  	v21 =	vadd.f32 v21, v23  }
0x22e: {  	v31 =	vmul.f32 $2.000000030e-01, v28  }
0x22f: {  	v29 =	vmul.f32 $2.000000030e-01, v21  }
0x230: {  	v28 =	vmax.f32 v28, v31  }
0x231: {  	v28 =	vmul.f32 v28, v9;
	v33 =	vpop (erf);
	v21 =	vmax.f32 v21, v29  }
0x232: {  	v25 =	vmul.f32 v33, v25;
	v21 =	vmul.f32 v21, v8  }
0x233: {  	v27 =	vmul.f32 v33, v27  }
0x234: {  	[tilespmem:s22+$0x4420] =	vst v25;
	v21 =	vadd.f32 v28, v21  }
0x235: {  	[tilespmem:s22+$0x4430] =	vst v27  }
0x236: {  	[tilespmem:$0x84E0] =	vst v21  }
0x237: {  	v25 =	vld.idx.msk [tilespmem:v62+s10+$0x0], $0xffff;
	_ =	sdelay $0x4  }
0x238: {  	v21 =	vadd.f32 v21, v25;
	_ =	sdelay $0x1  }
0x239: {  	[tilespmem:$0x84E0] =	vst v21  }
0x23a: {  	v25 =	vld.idx.msk [tilespmem:v63+s10+$0x0], $0xffff;
	_ =	sdelay $0x4  }
0x23b: {  	v21 =	vadd.f32 v21, v25;
	_ =	sdelay $0x1  }
0x23c: {  	[tilespmem:$0x84E0] =	vst v21  }
0x23d: {  	v25 =	vld.idx.msk [tilespmem:v11+s10+$0x0], $0xffff;
	_ =	sdelay $0x4  }
0x23e: {  	v21 =	vadd.f32 v21, v25;
	_ =	sdelay $0x1  }
0x23f: {  	[tilespmem:$0x84E0] =	vst v21  }
0x240: {  	v25 =	vld.idx.msk [tilespmem:v12+s10+$0x0], $0xffff;
	_ =	sdelay $0x4  }
0x241: {  	v21 =	vadd.f32 v25, v21  }
0x242: {  	v27 =	vld [tilespmem:s22+$0x470]  }
0x243: {  	v28 =	vld [tilespmem:s22+$0x2470];
	v21 =	vmul.f32 $1.442695020e+00, v21  }
0x244: {  	v25 =	vld [tilespmem:s22+$0x460]  }
0x245: {  	(erf) = vpow2.f32 v21;
	v21 =	vld [tilespmem:s22+$0x2460];
	_ =	sdelay $0x3  }
0x246: {  	v28 =	vadd.f32 v28, v27  }
0x247: {  	v21 =	vadd.f32 v21, v25  }
0x248: {  	v31 =	vmul.f32 $2.000000030e-01, v28  }
0x249: {  	v29 =	vmul.f32 $2.000000030e-01, v21  }
0x24a: {  	v28 =	vmax.f32 v28, v31  }
0x24b: {  	v28 =	vmul.f32 v28, v14;
	v34 =	vpop (erf);
	v21 =	vmax.f32 v21, v29  }
0x24c: {  	v23 =	vmul.f32 v34, v23;
	v21 =	vmul.f32 v21, v10  }
0x24d: {  	v24 =	vmul.f32 v34, v24  }
0x24e: {  	[tilespmem:s22+$0x4440] =	vst v23;
	v21 =	vadd.f32 v28, v21  }
0x24f: {  	[tilespmem:s22+$0x4450] =	vst v24  }
0x250: {  	[tilespmem:$0x84F0] =	vst v21  }
0x251: {  	v23 =	vld.idx.msk [tilespmem:v13+s10+$0x0], $0xffff;
	_ =	sdelay $0x4  }
0x252: {  	v21 =	vadd.f32 v21, v23;
	_ =	sdelay $0x1  }
0x253: {  	[tilespmem:$0x84F0] =	vst v21  }
0x254: {  	v23 =	vld.idx.msk [tilespmem:v3+s10+$0x0], $0xffff;
	_ =	sdelay $0x4  }
0x255: {  	v21 =	vadd.f32 v21, v23;
	_ =	sdelay $0x1  }
0x256: {  	[tilespmem:$0x84F0] =	vst v21  }
0x257: {  	v23 =	vld.idx.msk [tilespmem:v4+s10+$0x0], $0xffff;
	_ =	sdelay $0x4  }
0x258: {  	v21 =	vadd.f32 v21, v23;
	_ =	sdelay $0x1  }
0x259: {  	[tilespmem:$0x84F0] =	vst v21  }
0x25a: {  	v23 =	vld.idx.msk [tilespmem:v15+s10+$0x0], $0xffff;
	_ =	sdelay $0x4  }
0x25b: {  	v21 =	vadd.f32 v23, v21;
	_ =	sdelay $0x1  }
0x25c: {  	v21 =	vmul.f32 $1.442695020e+00, v21;
	_ =	sdelay $0x1  }
0x25d: {  	(erf) = vpow2.f32 v21;
	_ =	sdelay $0x8  }
0x25e: {  	v21 =	vpop (erf)  }
0x25f: {  	v23 =	vmul.f32 v21, v25  }
0x260: {  	v24 =	vmul.f32 v21, v27  }
0x261: {  	[tilespmem:s22+$0x4460] =	vst v23  }
0x262: {  	[tilespmem:s22+$0x4470] =	vst v24  }
0x263: {  	v23 =	vld [tilespmem:s21+$0x1];
	_ =	sdelay $0x4  }
0x264: {  	(v2sf) =	vpush v23, $0x0;
	_ =	sdelay $0xa  }
0x265: {  	v24 =	vmul.f32 v33, v22;
	v23 =	vmul.f32 v32, v18;
	_ =	sdelay $0x1  }
0x266: {  	v23 =	vadd.f32 v24, v23;
	v24 =	vmul.f32 v34, v26  }
0x267: {  	p0 =	sne.s32 s20, $0x7800  }
.Ltmp0:
0x268: {  	v21 =	vmul.f32 v21, v30;
	v23 =	vadd.f32 v24, v23;
	s23 =	spop (v2sf);
	(pc) =	sbr.rel @p0 .LBB2_3-.Ltmp0, $4  }
0x269: {  	s23 =	sand.u32 $0x7, s23  }
0x26a: {  	v21 =	vadd.f32 v21, v23;
	s23 =	sshll.u32 s23, $0x4  }
0x26b: {  	s22 =	sadd.s32 s22, s23  }
0x26c: {  	s20 =	sadd.s32 $0x800, s20;
	s21 =	sadd.s32 $0x4, s21;
	[tilespmem:s22+$0x6400] =	vst v21  }
0x26d: {  	_ =	swait.ge [sflag:s31], $0x40  }
0x26e: {  	[sflag:s31] =	ssyncset.done $0x0  }
0x26f: {  	[sflag:s31] =	ssyncadd.s32 $0xFFFFFFC0  }
0x270: {  	_ =	swait.ge [sflag:s0], $0x40  }
0x271: {  	[sflag:s0] =	ssyncset.done $0x0  }
0x272: {  	[sflag:s0] =	ssyncadd.s32 $0xFFFFFFC0  }
0x273: {  	[tilespmem:s26], [sflag:$0x1] =	stream.indirect.gather [hbm4b:s6+s4], $0x80, s5, s4, $0xb8;
	[tilespmem:$0x1ED00] =	vst v63  }
0x274: {  	_ = 	snop  }
0x275: {  	[tilespmem:s28], [sflag:$0x2] =	stream.indirect.gather [hbm4b:s7+s4], $0x80, s30, s4, $0xb8;
	[tilespmem:$0x1ED00] =	vst v63  }
0x276: {  	_ = 	snop  }
0x277: {  	[spmem:s2] =	stream.indirect.scatter.add.f32 [tilespmem:s14], [sflag:$0x5], $0x80, s11, s4, $0xb8;
	[tilespmem:$0x1ED00] =	vst v63  }
0x278: {  	_ =	swait.ge [sflag:s24], $0x2000  }
0x279: {  	[sflag:s24] =	ssyncset.done $0x0  }
0x27a: {  	[sflag:s24] =	ssyncadd.s32 $0xFFFFE000  }
0x27b: {  	[spmem:s3] =	stream.indirect.scatter.add.f32 [tilespmem:s25], [sflag:$0x5], $0x80, s16, s4, $0xb8;
	[tilespmem:$0x1ED00] =	vst v63  }
0x27c: {  	_ =	swait.ge [sflag:s24], $0x2000  }
0x27d: {  	p0 =	sne.s32 s19, $0xA2;
	[sflag:s24] =	ssyncset.done $0x0  }
.Ltmp1:
0x27e: {  	[sflag:s24] =	ssyncadd.s32 $0xFFFFE000;
	(pc) =	sbr.rel @p0 .LBB2_2-.Ltmp1, $4  }
0x27f: {  	[tilespmem:s25], [sflag:$0x5] =	stream.linear.gather [hbm4b:s12+s5], $0x2000, $0x38;
	[tilespmem:$0x1ED00] =	vst v63  }
0x280: {  	_ =	swait.ge [sflag:s24], $0x2000  }
0x281: {  	[sflag:s24] =	ssyncset.done $0x0  }
0x282: {  	[sflag:s24] =	ssyncadd.s32 $0xFFFFE000  }
0x283: {  	_ =	swait.ge [sflag:s29], $0x2000  }
0x284: {  	[sflag:s29] =	ssyncset.done $0x0  }
0x285: {  	[sflag:s29] =	ssyncadd.s32 $0xFFFFE000  }
0x286: {  	_ =	swait.ge [sflag:s9], $0x2000  }
0x287: {  	[sflag:s9] =	ssyncset.done $0x0  }
0x288: {  	[sflag:s9] =	ssyncadd.s32 $0xFFFFE000  }
0x289: {  	[bflag:$0x0] =	sbarrier.arrive $0xFFFF  }
0x28a: {  	s19 =	rddreg [dreg:$0xd]  }
0x28b: {  	s20 =	rddreg [dreg:$0x10]  }
0x28c: {  	[hbm:s19], [sflag:s15] =	dma.local [spmem:s20], $0x2800  }
0x28d: {  	_ =	swait.ge [sflag:s24], $0x2800  }
0x28e: {  	[sflag:s24] =	ssyncset.done $0x0  }
0x28f: {  	s22 =	rddreg [dreg:$0xe];
	[sflag:s24] =	ssyncadd.s32 $0xFFFFD800  }
0x290: {  	[hbm:s22], [sflag:s15] =	dma.local [spmem:s18], $0x500  }
0x291: {  	_ =	swait.ge [sflag:s24], $0x500  }
0x292: {  	s17 =	sadd.s32 $0x1, s17;
	s23 =	rddreg [dreg:$0xf]  }
0x293: {  	p0 =	sne.s32 s17, s23  }
.Ltmp2:
0x294: {  	_ = 	snop;
	(pc) =	sbr.rel @p0 .LBB2_1-.Ltmp2, $3  }
0x295: {  	_ =	sdelay $0x1  }
0x296: {  	[sflag:s24] =	ssyncset.done $0x0  }
0x297: {  	[sflag:s24] =	ssyncadd.s32 $0xFFFFFB00  }
0x298: {  	_ =	sfence.sel $0x180000  }
0x299: {  	[bflag:$0x0] =	sbarrier.arrive $0xFFFF  }
0x29a: {  	_ =	strace $0x90000047  }
0x29b: {  	s0 =	stileid.u32;
	[bflag:$0x2] =	sbarrier.arrive $0xFFFF  }
0x29c: {  	p0 =	sne.s32 s0, $0x0;
	s0 =	rddreg [dreg:$0x4]  }
0x29d: {  	s0 =	sadd.s32 @!p0 $0x100000, s0  }
0x29e: {  	[sflag:s0] =	ssyncadd.tile.s32 @!p0 $0x1;
	_ =	shalt  }
.Lfunc_end2:
_tile_overlayer_lowered:
.L_overlay_start_2:
0x29f: {  	(tag) =	ssettag $0x2  }
0x2a0: {  	s0 =	rddreg [dreg:$0x0];
	s2 =	stileid.u32  }
0x2a1: {  	s1 =	rddreg [dreg:$0x1];
	p0 =	sne.s32 s2, $0x0  }
0x2a2: {  	s3 =	rddreg [dreg:$0x2];
	[bflag:$0x3] =	sbarrier.arrive $0xFFFF;
	s2 =	simm.s32 @!p0 $0x1C05  }
0x2a3: {  	[timem:s3], [sflag:s2] =	dma.local @!p0 [hbm:s0], s1  }
0x2a4: {  	s0 =	simm.s32 @!p0 $0x5  }
0x2a5: {  	_ =	swait.ge @!p0 [sflag:s0], s1  }
0x2a6: {  	s1 =	ssub.s32 @!p0 $0x0, s1;
	[sflag:s0] =	ssyncset.done @!p0 $0x0  }
0x2a7: {  	[sflag:s0] =	ssyncadd.s32 @!p0 s1  }
0x2a8: {  	[bflag:$0x3] =	sbarrier.arrive $0xFFFF  }
0x2a9: {  	_ =	shalt  }

</sc_bundles>
